<compile_context>
chip_gen: v7x
topology: tpu7x:2x2x1
jax: 0.10.2.dev20260603
libtpu: 0.0.44.dev20260713+nightly
codegen_flags: <defaults>
</compile_context>

<pallas_src>
import functools

import jax
import jax.numpy as jnp
from jax import lax
from jax.experimental import pallas as pl
from jax.experimental.pallas import tpu as pltpu
from jax.experimental.pallas import tpu_sc as plsc

N = 10000
E = 320000
F = 16
G = 200
NC = 2
NS = 16
NW = NC * NS
NP = 10240
RPT = NP // NS
EPT = E // NW
GPT = EPT // G
ER = E // G
SPT = NP // NW
D = 8
NBUF = 2 * D
NPW = NP // 8

_MESH = plsc.VectorSubcoreMesh(core_axis_name="c", subcore_axis_name="s")


def _zero_acc_slice(zbuf, acc, s):
    def zb(i, carry):
        zbuf[i, :] = jnp.zeros((F,), jnp.float32)
        return carry
    lax.fori_loop(0, RPT, zb, 0)
    pltpu.sync_copy(zbuf, acc.at[pl.ds(s * RPT, RPT)])


def _gen_self_idx(selfd, wid):
    base = wid * SPT
    def sb(i, carry):
        selfd[pl.ds(i * F, F)] = base + i * F + lax.iota(jnp.int32, F)
        return carry
    lax.fori_loop(0, SPT // F, sb, 0)


def _copy_out(acc, out_hbm, c, s):
    pltpu.sync_copy(acc.at[pl.ds(s * RPT, RPT)],
                    out_hbm.at[c, pl.ds(s * RPT, RPT)])


@functools.partial(
    pl.kernel,
    out_type=jax.ShapeDtypeStruct((NC, NP, F), jnp.float32),
    mesh=_MESH,
    compiler_params=pltpu.CompilerParams(use_tc_tiling_on_sc=False),
    scratch_types=[
        pltpu.VMEM((EPT,), jnp.int32),
        pltpu.VMEM((SPT, F), jnp.float32),
        pltpu.VMEM((SPT,), jnp.int32),
        pltpu.VMEM((RPT, F), jnp.float32),
        pltpu.VMEM_SHARED((NP, F), jnp.float32),
        pltpu.SemaphoreType.DMA,
    ],
)
def _deg_pass(ei_hbm, out_hbm, dstv, ones_v, selfd, zbuf, acc, ssem):
    c = lax.axis_index("c")
    s = lax.axis_index("s")
    wid = c * NS + s
    _zero_acc_slice(zbuf, acc, s)

    def ob(i, carry):
        ones_v[i, :] = jnp.ones((F,), jnp.float32)
        return carry
    lax.fori_loop(0, SPT, ob, 0)
    _gen_self_idx(selfd, wid)
    pltpu.sync_copy(ei_hbm.at[1, pl.ds(wid * EPT, EPT)], dstv)
    plsc.subcore_barrier()

    ones_g = ones_v.at[pl.ds(0, G)]

    def grp(j, carry):
        @pl.when(j >= D)
        def _():
            pltpu.make_async_copy(
                ones_g, acc.at[dstv.at[pl.ds((j - D) * G, G)]], ssem).wait()
        pltpu.async_copy(ones_g, acc.at[dstv.at[pl.ds(j * G, G)]], ssem,
                         add=True)
        return carry
    lax.fori_loop(0, GPT, grp, 0)
    pltpu.async_copy(ones_v, acc.at[selfd], ssem, add=True)
    for i in range(D):
        pltpu.make_async_copy(
            ones_g, acc.at[dstv.at[pl.ds((GPT - D + i) * G, G)]], ssem).wait()
    pltpu.make_async_copy(ones_v, acc.at[selfd], ssem).wait()
    plsc.subcore_barrier()
    _copy_out(acc, out_hbm, c, s)


@functools.partial(
    pl.kernel,
    out_type=jax.ShapeDtypeStruct((NC, NP, F), jnp.float32),
    mesh=_MESH,
    compiler_params=pltpu.CompilerParams(use_tc_tiling_on_sc=False),
    scratch_types=[
        pltpu.VMEM((EPT,), jnp.int32),
        pltpu.VMEM((EPT,), jnp.int32),
        pltpu.VMEM((NBUF, G, F), jnp.float32),
        pltpu.VMEM((SPT, F), jnp.float32),
        pltpu.VMEM((SPT,), jnp.int32),
        pltpu.VMEM((RPT, F), jnp.float32),
        pltpu.VMEM_SHARED((NP, F), jnp.float32),
        pltpu.SemaphoreType.DMA,
        pltpu.SemaphoreType.DMA,
    ],
)
def _prop_pass(z_hbm, ei_hbm, out_hbm, srcv, dstv, rows, selfr,
               selfd, zbuf, acc, gsem, ssem):
    c = lax.axis_index("c")
    s = lax.axis_index("s")
    wid = c * NS + s
    _zero_acc_slice(zbuf, acc, s)
    pltpu.sync_copy(ei_hbm.at[0, pl.ds(wid * EPT, EPT)], srcv)
    pltpu.sync_copy(ei_hbm.at[1, pl.ds(wid * EPT, EPT)], dstv)
    pltpu.sync_copy(z_hbm.at[pl.ds(wid * SPT, SPT)], selfr)
    _gen_self_idx(selfd, wid)
    plsc.subcore_barrier()

    for b in range(D):
        pltpu.async_copy(z_hbm.at[srcv.at[pl.ds(b * G, G)]], rows.at[b], gsem)

    def grp(j, carry):
        jb = lax.rem(j, NBUF)

        @pl.when(j >= D)
        def _():
            jd = j - D
            pltpu.make_async_copy(rows.at[lax.rem(jd, NBUF)],
                                  acc.at[dstv.at[pl.ds(jd * G, G)]],
                                  ssem).wait()
        pltpu.make_async_copy(z_hbm.at[srcv.at[pl.ds(j * G, G)]], rows.at[jb],
                              gsem).wait()
        pltpu.async_copy(rows.at[jb], acc.at[dstv.at[pl.ds(j * G, G)]], ssem,
                         add=True)

        @pl.when(j + D < GPT)
        def _():
            jn = j + D
            pltpu.async_copy(z_hbm.at[srcv.at[pl.ds(jn * G, G)]],
                             rows.at[lax.rem(jn, NBUF)], gsem)
        return carry
    lax.fori_loop(0, GPT, grp, 0)
    pltpu.async_copy(selfr, acc.at[selfd], ssem, add=True)
    for i in range(D):
        jd = GPT - D + i
        pltpu.make_async_copy(rows.at[jd % NBUF],
                              acc.at[dstv.at[pl.ds(jd * G, G)]], ssem).wait()
    pltpu.make_async_copy(selfr, acc.at[selfd], ssem).wait()
    plsc.subcore_barrier()
    _copy_out(acc, out_hbm, c, s)



def _dA_body(xw_ref, w1_ref, u1_ref):
    u1_ref[...] = jnp.dot(xw_ref[...], w1_ref[...],
                          preferred_element_type=jnp.float32)


def _dB_body(degw_ref, u1_ref, z1_ref, dinv_ref):
    dinv = lax.rsqrt(degw_ref[0] + degw_ref[1])
    dinv_ref[...] = dinv
    z1_ref[...] = dinv * u1_ref[...]


def _d1_body(p_ref, dinv_ref, w_ref, b_ref, z2_ref):
    dinv = dinv_ref[...]
    h = jnp.maximum(dinv * (p_ref[0] + p_ref[1]) + b_ref[...], 0.0)
    z2_ref[...] = dinv * jnp.dot(h, w_ref[...],
                                 preferred_element_type=jnp.float32)


def _d2_body(p_ref, dinv_ref, b_ref, z3_ref):
    dinv = dinv_ref[...]
    h = jnp.maximum(dinv * (p_ref[0] + p_ref[1]) + b_ref[...], 0.0)
    z3_ref[...] = dinv * h


def _d3_body(p_ref, dinv_ref, w_ref, b_ref, out_ref):
    t = dinv_ref[0:N // 8] * (p_ref[0, 0:N // 8] + p_ref[1, 0:N // 8])
    res = jnp.dot(t, w_ref[...],
                  preferred_element_type=jnp.float32) + b_ref[...]
    out_ref[...] = res.reshape(N, res.shape[1] // 8)


def _f32(shape):
    return jax.ShapeDtypeStruct(shape, jnp.float32)


def kernel(x, edge_index, W1, b1, W2, b2, W3, b3):
    ei = edge_index.astype(jnp.int32)

    xw = jnp.pad(x, ((0, NP - N), (0, 0))).reshape(NPW, 8 * x.shape[1])
    eye8 = jnp.eye(8, dtype=jnp.float32)
    W1big = jnp.kron(eye8, W1)
    W2bd = jnp.kron(eye8, W2)
    W3big = jnp.kron(eye8, W3)
    b1w = jnp.tile(b1, 8)[None]
    b2w = jnp.tile(b2, 8)[None]
    b3w = jnp.tile(b3, 8)[None]

    degp = _deg_pass(ei)
    u1w = pl.pallas_call(_dA_body, out_shape=_f32((NPW, 128)))(xw, W1big)
    z1w, dinvw = pl.pallas_call(
        _dB_body, out_shape=[_f32((NPW, 128)), _f32((NPW, 128))],
    )(degp.reshape(NC, NPW, 128), u1w)

    p1 = _prop_pass(z1w.reshape(NP, F), ei)
    z2w = pl.pallas_call(_d1_body, out_shape=_f32((NPW, 128)))(
        p1.reshape(NC, NPW, 128), dinvw, W2bd, b1w)

    p2 = _prop_pass(z2w.reshape(NP, F), ei)
    z3w = pl.pallas_call(_d2_body, out_shape=_f32((NPW, 128)))(
        p2.reshape(NC, NPW, 128), dinvw, b2w)

    p3 = _prop_pass(z3w.reshape(NP, F), ei)
    out = pl.pallas_call(_d3_body, out_shape=_f32((N, W3.shape[1])))(
        p3.reshape(NC, NPW, 128), dinvw, W3big, b3w)
    return out

# --- scband reference (transcript-rebuilt; emitter-appended) ---
"""Pipeline reference for scband-gcn3-84954453115003 (READ-ONLY COPY).

The authoritative reference and input builder live on the scoring server;
editing this copy changes nothing except your own understanding.
"""

import jax, jax.numpy as jnp
import numpy as np

N_NODES = 10000
N_EDGES = 320000
IN_CH = 128
HID = 16
OUT_CH = 128


def gcn_conv(x, edge_index, W, b):
    n = x.shape[0]
    src = edge_index[0]
    dst = edge_index[1]
    # add self loops
    loop = jnp.arange(n, dtype=edge_index.dtype)
    src2 = jnp.concatenate([src, loop])
    dst2 = jnp.concatenate([dst, loop])
    ew = jnp.ones(src2.shape[0], dtype=x.dtype)
    # symmetric normalization: D^{-1/2} (A+I) D^{-1/2}
    deg = jnp.zeros(n, dtype=x.dtype).at[dst2].add(ew)
    dinv = jnp.where(deg > 0, deg ** -0.5, 0.0)
    norm = dinv[src2] * ew * dinv[dst2]
    h = x @ W
    msg = h[src2] * norm[:, None]
    out = jnp.zeros((n, W.shape[1]), dtype=x.dtype).at[dst2].add(msg)
    return out + b


def setup_inputs(seed: int = 0) -> dict:
    key = jax.random.key(seed)
    k = jax.random.split(key, 8)
    x = jax.random.normal(k[0], (N_NODES, IN_CH), dtype=jnp.float32)
    edge_index = jax.random.randint(k[1], (2, N_EDGES), 0, N_NODES, dtype=jnp.int64)
    W1 = jax.random.normal(k[2], (IN_CH, HID), dtype=jnp.float32) * (1.0 / np.sqrt(IN_CH))
    b1 = jnp.zeros((HID,), dtype=jnp.float32)
    W2 = jax.random.normal(k[3], (HID, HID), dtype=jnp.float32) * (1.0 / np.sqrt(HID))
    b2 = jnp.zeros((HID,), dtype=jnp.float32)
    W3 = jax.random.normal(k[4], (HID, OUT_CH), dtype=jnp.float32) * (1.0 / np.sqrt(HID))
    b3 = jnp.zeros((OUT_CH,), dtype=jnp.float32)
    return {"x": x, "edge_index": edge_index, "W1": W1, "b1": b1, "W2": W2, "b2": b2, "W3": W3, "b3": b3}


def reference(x, edge_index, W1, b1, W2, b2, W3, b3):
    # dropout is identity in eval mode (p=0.0 / training=False)
    h = jax.nn.relu(gcn_conv(x, edge_index, W1, b1))
    h = jax.nn.relu(gcn_conv(h, edge_index, W2, b2))
    out = gcn_conv(h, edge_index, W3, b3)
    return out

if __name__ == "__main__":
    import jax
    _d = setup_inputs()
    print(jax.jit(kernel)(*tuple(_d.values())))

</pallas_src>

<mosaic_0001>
#map = affine_map<(d0, d1) -> (0, 0)>
#map1 = affine_map<(d0, d1) -> (0, 0, 0)>
module attributes {stable_mosaic.version = 14 : i64} {
  func.func @_prop_pass(%arg0: i32, %arg1: i32, %arg2: memref<10240x16xf32, #tpu.memory_space<hbm>>, %arg3: memref<2x320000xi32, #tpu.memory_space<hbm>>, %arg4: memref<2x10240x16xf32, #tpu.memory_space<hbm>>, %arg5: memref<10000xi32, #tpu.memory_space<vmem>>, %arg6: memref<10000xi32, #tpu.memory_space<vmem>>, %arg7: memref<16x200x16xf32, #tpu.memory_space<vmem>>, %arg8: memref<320x16xf32, #tpu.memory_space<vmem>>, %arg9: memref<320xi32, #tpu.memory_space<vmem>>, %arg10: memref<640x16xf32, #tpu.memory_space<vmem>>, %arg11: memref<10240x16xf32, #tpu.memory_space<vmem_shared>>, %arg12: memref<!tpu.dma_semaphore, #tpu.memory_space<semaphore_mem>>, %arg13: memref<!tpu.dma_semaphore, #tpu.memory_space<semaphore_mem>>) attributes {dimension_semantics = [#tpu.dimension_semantics<core_parallel>, #tpu.dimension_semantics<subcore_parallel>], iteration_bounds = array<i64: 2, 16>, scalar_prefetch = 0 : i64, scratch_operands = 9 : i64, tpu.core_type = #tpu.core_type<sc_vector_subcore>, window_params = [{transform_indices = #map}, {transform_indices = #map}, {transform_indices = #map1}]} {
    %mul3A = arith.constant 16 : i32
    %mul3A_0 = arith.muli %arg0, %mul3A : i32
    %add3A = arith.addi %mul3A_0, %arg1 : i32
    %scan3A = arith.constant 0 : i32
    %scan3A_1 = arith.constant 0 : i32
    %scan3A_2 = arith.constant 640 : i32
    %scan3A_3 = arith.addi %scan3A_1, %scan3A_2 : i32
    %scan3A_4 = arith.constant 1 : i32
    scf.for %scan3A_198 = %scan3A_1 to %scan3A_3 step %scan3A_4  : i32 {
      %broadcast_in_dim3A = arith.constant 0.000000e+00 : f32
      %broadcast_in_dim3A_199 = vector.broadcast %broadcast_in_dim3A : f32 to vector<16xf32>
      %swap3A = arith.index_cast %scan3A_198 : i32 to index
      %swap3A_200 = arith.constant 0 : index
      %swap3A_201 = tpu.vector_load %arg10[%swap3A, %swap3A_200] {strides = array<i32>} : memref<640x16xf32, #tpu.memory_space<vmem>>, vector<1x16xf32>,
      %swap3A_202 = vector.shape_cast %swap3A_201 : vector<1x16xf32> to vector<16xf32>
      %swap3A_203 = vector.shape_cast %broadcast_in_dim3A_199 : vector<16xf32> to vector<1x16xf32>
      tpu.vector_store %arg10[%swap3A, %swap3A_200], %swap3A_203 {strides = array<i32>} : memref<640x16xf32, #tpu.memory_space<vmem>>, vector<1x16xf32>,
    }
    %scan3A_5 = arith.constant 640 : i32
    %mul3A_6 = arith.constant 640 : i32
    %mul3A_7 = arith.muli %arg1, %mul3A_6 : i32
    "tpu.region"() ({
      %run_scoped3A_198 = tpu.sem_alloc : memref<!tpu.dma_semaphore, #tpu.memory_space<semaphore_mem>>
      %dma_start3A_199 = arith.constant 0 : i32
      %dma_start3A_200 = tpu.memref_slice %arg11[%mul3A_7, %dma_start3A_199] : memref<10240x16xf32, #tpu.memory_space<vmem_shared>> -> memref<640x16xf32, #tpu.memory_space<vmem_shared>>
      %dma_start3A_201 = arith.constant 0 : i32
      %dma_start3A_202 = tpu.memref_slice %arg11[%mul3A_7, %dma_start3A_201] : memref<10240x16xf32, #tpu.memory_space<vmem_shared>> -> memref<640x16xf32, #tpu.memory_space<vmem_shared>>
      tpu.enqueue_dma source(%arg10 : memref<640x16xf32, #tpu.memory_space<vmem>>) target(%dma_start3A_202 : memref<640x16xf32, #tpu.memory_space<vmem_shared>>) target_semaphore(%run_scoped3A_198 : memref<!tpu.dma_semaphore, #tpu.memory_space<semaphore_mem>>)
      %dma_wait3A_203 = arith.constant 0 : i32
      %dma_wait3A_204 = tpu.memref_slice %arg11[%mul3A_7, %dma_wait3A_203] : memref<10240x16xf32, #tpu.memory_space<vmem_shared>> -> memref<640x16xf32, #tpu.memory_space<vmem_shared>>
      %dma_wait3A_205 = arith.constant 0 : i32
      %dma_wait3A_206 = tpu.memref_slice %arg11[%mul3A_7, %dma_wait3A_205] : memref<10240x16xf32, #tpu.memory_space<vmem_shared>> -> memref<640x16xf32, #tpu.memory_space<vmem_shared>>
      tpu.wait_dma2 semaphore(%run_scoped3A_198 : memref<!tpu.dma_semaphore, #tpu.memory_space<semaphore_mem>>) src(%arg10 : memref<640x16xf32, #tpu.memory_space<vmem>>) dst(%dma_wait3A_206 : memref<640x16xf32, #tpu.memory_space<vmem_shared>>)
      tpu.yield
    }) : () -> ()
    %mul3A_8 = arith.constant 10000 : i32
    %mul3A_9 = arith.muli %add3A, %mul3A_8 : i32
    %run_scoped3A = arith.constant 0 : i32
    "tpu.region"() ({
      %run_scoped3A_198 = tpu.sem_alloc : memref<!tpu.dma_semaphore, #tpu.memory_space<semaphore_mem>>
      %dma_start3A_199 = tpu.memref_slice %arg3[%run_scoped3A, %mul3A_9] : memref<2x320000xi32, #tpu.memory_space<hbm>> -> memref<1x10000xi32, #tpu.memory_space<hbm>>
      %dma_start3A_200 = tpu.memref_squeeze %dma_start3A_199 : memref<1x10000xi32, #tpu.memory_space<hbm>> -> memref<10000xi32, #tpu.memory_space<hbm>>
      %dma_start3A_201 = tpu.memref_slice %arg3[%run_scoped3A, %mul3A_9] : memref<2x320000xi32, #tpu.memory_space<hbm>> -> memref<1x10000xi32, #tpu.memory_space<hbm>>
      %dma_start3A_202 = tpu.memref_squeeze %dma_start3A_201 : memref<1x10000xi32, #tpu.memory_space<hbm>> -> memref<10000xi32, #tpu.memory_space<hbm>>
      tpu.enqueue_dma source(%dma_start3A_202 : memref<10000xi32, #tpu.memory_space<hbm>>) target(%arg5 : memref<10000xi32, #tpu.memory_space<vmem>>) target_semaphore(%run_scoped3A_198 : memref<!tpu.dma_semaphore, #tpu.memory_space<semaphore_mem>>)
      %dma_wait3A_203 = tpu.memref_slice %arg3[%run_scoped3A, %mul3A_9] : memref<2x320000xi32, #tpu.memory_space<hbm>> -> memref<1x10000xi32, #tpu.memory_space<hbm>>
      %dma_wait3A_204 = tpu.memref_squeeze %dma_wait3A_203 : memref<1x10000xi32, #tpu.memory_space<hbm>> -> memref<10000xi32, #tpu.memory_space<hbm>>
      %dma_wait3A_205 = tpu.memref_slice %arg3[%run_scoped3A, %mul3A_9] : memref<2x320000xi32, #tpu.memory_space<hbm>> -> memref<1x10000xi32, #tpu.memory_space<hbm>>
      %dma_wait3A_206 = tpu.memref_squeeze %dma_wait3A_205 : memref<1x10000xi32, #tpu.memory_space<hbm>> -> memref<10000xi32, #tpu.memory_space<hbm>>
      tpu.wait_dma2 semaphore(%run_scoped3A_198 : memref<!tpu.dma_semaphore, #tpu.memory_space<semaphore_mem>>) src(%dma_wait3A_206 : memref<10000xi32, #tpu.memory_space<hbm>>) dst(%arg5 : memref<10000xi32, #tpu.memory_space<vmem>>)
      tpu.yield
    }) : () -> ()
    %mul3A_10 = arith.constant 10000 : i32
    %mul3A_11 = arith.muli %add3A, %mul3A_10 : i32
    %run_scoped3A_12 = arith.constant 1 : i32
    "tpu.region"() ({
      %run_scoped3A_198 = tpu.sem_alloc : memref<!tpu.dma_semaphore, #tpu.memory_space<semaphore_mem>>
      %dma_start3A_199 = tpu.memref_slice %arg3[%run_scoped3A_12, %mul3A_11] : memref<2x320000xi32, #tpu.memory_space<hbm>> -> memref<1x10000xi32, #tpu.memory_space<hbm>>
      %dma_start3A_200 = tpu.memref_squeeze %dma_start3A_199 : memref<1x10000xi32, #tpu.memory_space<hbm>> -> memref<10000xi32, #tpu.memory_space<hbm>>
      %dma_start3A_201 = tpu.memref_slice %arg3[%run_scoped3A_12, %mul3A_11] : memref<2x320000xi32, #tpu.memory_space<hbm>> -> memref<1x10000xi32, #tpu.memory_space<hbm>>
      %dma_start3A_202 = tpu.memref_squeeze %dma_start3A_201 : memref<1x10000xi32, #tpu.memory_space<hbm>> -> memref<10000xi32, #tpu.memory_space<hbm>>
      tpu.enqueue_dma source(%dma_start3A_202 : memref<10000xi32, #tpu.memory_space<hbm>>) target(%arg6 : memref<10000xi32, #tpu.memory_space<vmem>>) target_semaphore(%run_scoped3A_198 : memref<!tpu.dma_semaphore, #tpu.memory_space<semaphore_mem>>)
      %dma_wait3A_203 = tpu.memref_slice %arg3[%run_scoped3A_12, %mul3A_11] : memref<2x320000xi32, #tpu.memory_space<hbm>> -> memref<1x10000xi32, #tpu.memory_space<hbm>>
      %dma_wait3A_204 = tpu.memref_squeeze %dma_wait3A_203 : memref<1x10000xi32, #tpu.memory_space<hbm>> -> memref<10000xi32, #tpu.memory_space<hbm>>
      %dma_wait3A_205 = tpu.memref_slice %arg3[%run_scoped3A_12, %mul3A_11] : memref<2x320000xi32, #tpu.memory_space<hbm>> -> memref<1x10000xi32, #tpu.memory_space<hbm>>
      %dma_wait3A_206 = tpu.memref_squeeze %dma_wait3A_205 : memref<1x10000xi32, #tpu.memory_space<hbm>> -> memref<10000xi32, #tpu.memory_space<hbm>>
      tpu.wait_dma2 semaphore(%run_scoped3A_198 : memref<!tpu.dma_semaphore, #tpu.memory_space<semaphore_mem>>) src(%dma_wait3A_206 : memref<10000xi32, #tpu.memory_space<hbm>>) dst(%arg6 : memref<10000xi32, #tpu.memory_space<vmem>>)
      tpu.yield
    }) : () -> ()
    %mul3A_13 = arith.constant 320 : i32
    %mul3A_14 = arith.muli %add3A, %mul3A_13 : i32
    "tpu.region"() ({
      %run_scoped3A_198 = tpu.sem_alloc : memref<!tpu.dma_semaphore, #tpu.memory_space<semaphore_mem>>
      %dma_start3A_199 = arith.constant 0 : i32
      %dma_start3A_200 = tpu.memref_slice %arg2[%mul3A_14, %dma_start3A_199] : memref<10240x16xf32, #tpu.memory_space<hbm>> -> memref<320x16xf32, #tpu.memory_space<hbm>>
      %dma_start3A_201 = arith.constant 0 : i32
      %dma_start3A_202 = tpu.memref_slice %arg2[%mul3A_14, %dma_start3A_201] : memref<10240x16xf32, #tpu.memory_space<hbm>> -> memref<320x16xf32, #tpu.memory_space<hbm>>
      tpu.enqueue_dma source(%dma_start3A_202 : memref<320x16xf32, #tpu.memory_space<hbm>>) target(%arg8 : memref<320x16xf32, #tpu.memory_space<vmem>>) target_semaphore(%run_scoped3A_198 : memref<!tpu.dma_semaphore, #tpu.memory_space<semaphore_mem>>)
      %dma_wait3A_203 = arith.constant 0 : i32
      %dma_wait3A_204 = tpu.memref_slice %arg2[%mul3A_14, %dma_wait3A_203] : memref<10240x16xf32, #tpu.memory_space<hbm>> -> memref<320x16xf32, #tpu.memory_space<hbm>>
      %dma_wait3A_205 = arith.constant 0 : i32
      %dma_wait3A_206 = tpu.memref_slice %arg2[%mul3A_14, %dma_wait3A_205] : memref<10240x16xf32, #tpu.memory_space<hbm>> -> memref<320x16xf32, #tpu.memory_space<hbm>>
      tpu.wait_dma2 semaphore(%run_scoped3A_198 : memref<!tpu.dma_semaphore, #tpu.memory_space<semaphore_mem>>) src(%dma_wait3A_206 : memref<320x16xf32, #tpu.memory_space<hbm>>) dst(%arg8 : memref<320x16xf32, #tpu.memory_space<vmem>>)
      tpu.yield
    }) : () -> ()
    %mul3A_15 = arith.constant 320 : i32
    %mul3A_16 = arith.muli %add3A, %mul3A_15 : i32
    %scan3A_17 = arith.constant 0 : i32
    %scan3A_18 = arith.constant 0 : i32
    %scan3A_19 = arith.constant 20 : i32
    %scan3A_20 = arith.addi %scan3A_18, %scan3A_19 : i32
    %scan3A_21 = arith.constant 1 : i32
    scf.for %scan3A_198 = %scan3A_18 to %scan3A_20 step %scan3A_21  : i32 {
      %mul3A_199 = arith.constant 16 : i32
      %mul3A_200 = arith.muli %scan3A_198, %mul3A_199 : i32
      %add3A_201 = arith.addi %mul3A_16, %mul3A_200 : i32
      %iota3A = tpu.iota {dimensions = array<i32: 0>} : vector<16xi32>
      %add3A_202 = vector.broadcast %add3A_201 : i32 to vector<16xi32>
      %add3A_203 = arith.addi %add3A_202, %iota3A : vector<16xi32>
      %mul3A_204 = arith.constant 16 : i32
      %mul3A_205 = arith.muli %scan3A_198, %mul3A_204 : i32
      %swap3A = arith.index_cast %mul3A_205 : i32 to index
      %swap3A_206 = tpu.vector_load %arg9[%swap3A] {strides = array<i32>} : memref<320xi32, #tpu.memory_space<vmem>>, vector<16xi32>,
      %swap3A_207 = vector.shape_cast %swap3A_206 : vector<16xi32> to vector<16xi32>
      %swap3A_208 = vector.shape_cast %add3A_203 : vector<16xi32> to vector<16xi32>
      tpu.vector_store %arg9[%swap3A], %swap3A_208 {strides = array<i32>} : memref<320xi32, #tpu.memory_space<vmem>>, vector<16xi32>,
    }
    %scan3A_22 = arith.constant 20 : i32
    %barrier3A = arith.constant 0 : index
    tpu.barrier barrier_id(%barrier3A)
    %dma_start3A = arith.constant 0 : i32
    %dma_start3A_23 = arith.constant 0 : i32
    %dma_start3A_24 = arith.constant 0 : i32
    %dma_start3A_25 = tpu.memref_slice %arg7[%dma_start3A, %dma_start3A_23, %dma_start3A_24] : memref<16x200x16xf32, #tpu.memory_space<vmem>> -> memref<1x200x16xf32, #tpu.memory_space<vmem>>
    %dma_start3A_26 = tpu.memref_squeeze %dma_start3A_25 : memref<1x200x16xf32, #tpu.memory_space<vmem>> -> memref<200x16xf32, #tpu.memory_space<vmem>>
    %dma_start3A_27 = arith.constant 0 : i32
    %dma_start3A_28 = tpu.memref_slice %arg5[%dma_start3A_27] : memref<10000xi32, #tpu.memory_space<vmem>> -> memref<200xi32, #tpu.memory_space<vmem>>
    %dma_start3A_29 = arith.constant 0 : i32
    %dma_start3A_30 = arith.constant 0 : i32
    %dma_start3A_31 = tpu.memref_slice %arg2[%dma_start3A_29, %dma_start3A_30] : memref<10240x16xf32, #tpu.memory_space<hbm>> -> memref<10240x16xf32, #tpu.memory_space<hbm>>
    tpu.enqueue_indirect_dma source(%dma_start3A_31 : memref<10240x16xf32, #tpu.memory_space<hbm>>) target(%dma_start3A_26 : memref<200x16xf32, #tpu.memory_space<vmem>>) offsets(%dma_start3A_28 : memref<200xi32, #tpu.memory_space<vmem>>) semaphore(%arg12 : memref<!tpu.dma_semaphore, #tpu.memory_space<semaphore_mem>>)
    %dma_start3A_32 = arith.constant 1 : i32
    %dma_start3A_33 = arith.constant 0 : i32
    %dma_start3A_34 = arith.constant 0 : i32
    %dma_start3A_35 = tpu.memref_slice %arg7[%dma_start3A_32, %dma_start3A_33, %dma_start3A_34] : memref<16x200x16xf32, #tpu.memory_space<vmem>> -> memref<1x200x16xf32, #tpu.memory_space<vmem>>
    %dma_start3A_36 = tpu.memref_squeeze %dma_start3A_35 : memref<1x200x16xf32, #tpu.memory_space<vmem>> -> memref<200x16xf32, #tpu.memory_space<vmem>>
    %dma_start3A_37 = arith.constant 200 : i32
    %dma_start3A_38 = tpu.memref_slice %arg5[%dma_start3A_37] : memref<10000xi32, #tpu.memory_space<vmem>> -> memref<200xi32, #tpu.memory_space<vmem>>
    %dma_start3A_39 = arith.constant 0 : i32
    %dma_start3A_40 = arith.constant 0 : i32
    %dma_start3A_41 = tpu.memref_slice %arg2[%dma_start3A_39, %dma_start3A_40] : memref<10240x16xf32, #tpu.memory_space<hbm>> -> memref<10240x16xf32, #tpu.memory_space<hbm>>
    tpu.enqueue_indirect_dma source(%dma_start3A_41 : memref<10240x16xf32, #tpu.memory_space<hbm>>) target(%dma_start3A_36 : memref<200x16xf32, #tpu.memory_space<vmem>>) offsets(%dma_start3A_38 : memref<200xi32, #tpu.memory_space<vmem>>) semaphore(%arg12 : memref<!tpu.dma_semaphore, #tpu.memory_space<semaphore_mem>>)
    %dma_start3A_42 = arith.constant 2 : i32
    %dma_start3A_43 = arith.constant 0 : i32
    %dma_start3A_44 = arith.constant 0 : i32
    %dma_start3A_45 = tpu.memref_slice %arg7[%dma_start3A_42, %dma_start3A_43, %dma_start3A_44] : memref<16x200x16xf32, #tpu.memory_space<vmem>> -> memref<1x200x16xf32, #tpu.memory_space<vmem>>
    %dma_start3A_46 = tpu.memref_squeeze %dma_start3A_45 : memref<1x200x16xf32, #tpu.memory_space<vmem>> -> memref<200x16xf32, #tpu.memory_space<vmem>>
    %dma_start3A_47 = arith.constant 400 : i32
    %dma_start3A_48 = tpu.memref_slice %arg5[%dma_start3A_47] : memref<10000xi32, #tpu.memory_space<vmem>> -> memref<200xi32, #tpu.memory_space<vmem>>
    %dma_start3A_49 = arith.constant 0 : i32
    %dma_start3A_50 = arith.constant 0 : i32
    %dma_start3A_51 = tpu.memref_slice %arg2[%dma_start3A_49, %dma_start3A_50] : memref<10240x16xf32, #tpu.memory_space<hbm>> -> memref<10240x16xf32, #tpu.memory_space<hbm>>
    tpu.enqueue_indirect_dma source(%dma_start3A_51 : memref<10240x16xf32, #tpu.memory_space<hbm>>) target(%dma_start3A_46 : memref<200x16xf32, #tpu.memory_space<vmem>>) offsets(%dma_start3A_48 : memref<200xi32, #tpu.memory_space<vmem>>) semaphore(%arg12 : memref<!tpu.dma_semaphore, #tpu.memory_space<semaphore_mem>>)
    %dma_start3A_52 = arith.constant 3 : i32
    %dma_start3A_53 = arith.constant 0 : i32
    %dma_start3A_54 = arith.constant 0 : i32
    %dma_start3A_55 = tpu.memref_slice %arg7[%dma_start3A_52, %dma_start3A_53, %dma_start3A_54] : memref<16x200x16xf32, #tpu.memory_space<vmem>> -> memref<1x200x16xf32, #tpu.memory_space<vmem>>
    %dma_start3A_56 = tpu.memref_squeeze %dma_start3A_55 : memref<1x200x16xf32, #tpu.memory_space<vmem>> -> memref<200x16xf32, #tpu.memory_space<vmem>>
    %dma_start3A_57 = arith.constant 600 : i32
    %dma_start3A_58 = tpu.memref_slice %arg5[%dma_start3A_57] : memref<10000xi32, #tpu.memory_space<vmem>> -> memref<200xi32, #tpu.memory_space<vmem>>
    %dma_start3A_59 = arith.constant 0 : i32
    %dma_start3A_60 = arith.constant 0 : i32
    %dma_start3A_61 = tpu.memref_slice %arg2[%dma_start3A_59, %dma_start3A_60] : memref<10240x16xf32, #tpu.memory_space<hbm>> -> memref<10240x16xf32, #tpu.memory_space<hbm>>
    tpu.enqueue_indirect_dma source(%dma_start3A_61 : memref<10240x16xf32, #tpu.memory_space<hbm>>) target(%dma_start3A_56 : memref<200x16xf32, #tpu.memory_space<vmem>>) offsets(%dma_start3A_58 : memref<200xi32, #tpu.memory_space<vmem>>) semaphore(%arg12 : memref<!tpu.dma_semaphore, #tpu.memory_space<semaphore_mem>>)
    %dma_start3A_62 = arith.constant 4 : i32
    %dma_start3A_63 = arith.constant 0 : i32
    %dma_start3A_64 = arith.constant 0 : i32
    %dma_start3A_65 = tpu.memref_slice %arg7[%dma_start3A_62, %dma_start3A_63, %dma_start3A_64] : memref<16x200x16xf32, #tpu.memory_space<vmem>> -> memref<1x200x16xf32, #tpu.memory_space<vmem>>
    %dma_start3A_66 = tpu.memref_squeeze %dma_start3A_65 : memref<1x200x16xf32, #tpu.memory_space<vmem>> -> memref<200x16xf32, #tpu.memory_space<vmem>>
    %dma_start3A_67 = arith.constant 800 : i32
    %dma_start3A_68 = tpu.memref_slice %arg5[%dma_start3A_67] : memref<10000xi32, #tpu.memory_space<vmem>> -> memref<200xi32, #tpu.memory_space<vmem>>
    %dma_start3A_69 = arith.constant 0 : i32
    %dma_start3A_70 = arith.constant 0 : i32
    %dma_start3A_71 = tpu.memref_slice %arg2[%dma_start3A_69, %dma_start3A_70] : memref<10240x16xf32, #tpu.memory_space<hbm>> -> memref<10240x16xf32, #tpu.memory_space<hbm>>
    tpu.enqueue_indirect_dma source(%dma_start3A_71 : memref<10240x16xf32, #tpu.memory_space<hbm>>) target(%dma_start3A_66 : memref<200x16xf32, #tpu.memory_space<vmem>>) offsets(%dma_start3A_68 : memref<200xi32, #tpu.memory_space<vmem>>) semaphore(%arg12 : memref<!tpu.dma_semaphore, #tpu.memory_space<semaphore_mem>>)
    %dma_start3A_72 = arith.constant 5 : i32
    %dma_start3A_73 = arith.constant 0 : i32
    %dma_start3A_74 = arith.constant 0 : i32
    %dma_start3A_75 = tpu.memref_slice %arg7[%dma_start3A_72, %dma_start3A_73, %dma_start3A_74] : memref<16x200x16xf32, #tpu.memory_space<vmem>> -> memref<1x200x16xf32, #tpu.memory_space<vmem>>
    %dma_start3A_76 = tpu.memref_squeeze %dma_start3A_75 : memref<1x200x16xf32, #tpu.memory_space<vmem>> -> memref<200x16xf32, #tpu.memory_space<vmem>>
    %dma_start3A_77 = arith.constant 1000 : i32
    %dma_start3A_78 = tpu.memref_slice %arg5[%dma_start3A_77] : memref<10000xi32, #tpu.memory_space<vmem>> -> memref<200xi32, #tpu.memory_space<vmem>>
    %dma_start3A_79 = arith.constant 0 : i32
    %dma_start3A_80 = arith.constant 0 : i32
    %dma_start3A_81 = tpu.memref_slice %arg2[%dma_start3A_79, %dma_start3A_80] : memref<10240x16xf32, #tpu.memory_space<hbm>> -> memref<10240x16xf32, #tpu.memory_space<hbm>>
    tpu.enqueue_indirect_dma source(%dma_start3A_81 : memref<10240x16xf32, #tpu.memory_space<hbm>>) target(%dma_start3A_76 : memref<200x16xf32, #tpu.memory_space<vmem>>) offsets(%dma_start3A_78 : memref<200xi32, #tpu.memory_space<vmem>>) semaphore(%arg12 : memref<!tpu.dma_semaphore, #tpu.memory_space<semaphore_mem>>)
    %dma_start3A_82 = arith.constant 6 : i32
    %dma_start3A_83 = arith.constant 0 : i32
    %dma_start3A_84 = arith.constant 0 : i32
    %dma_start3A_85 = tpu.memref_slice %arg7[%dma_start3A_82, %dma_start3A_83, %dma_start3A_84] : memref<16x200x16xf32, #tpu.memory_space<vmem>> -> memref<1x200x16xf32, #tpu.memory_space<vmem>>
    %dma_start3A_86 = tpu.memref_squeeze %dma_start3A_85 : memref<1x200x16xf32, #tpu.memory_space<vmem>> -> memref<200x16xf32, #tpu.memory_space<vmem>>
    %dma_start3A_87 = arith.constant 1200 : i32
    %dma_start3A_88 = tpu.memref_slice %arg5[%dma_start3A_87] : memref<10000xi32, #tpu.memory_space<vmem>> -> memref<200xi32, #tpu.memory_space<vmem>>
    %dma_start3A_89 = arith.constant 0 : i32
    %dma_start3A_90 = arith.constant 0 : i32
    %dma_start3A_91 = tpu.memref_slice %arg2[%dma_start3A_89, %dma_start3A_90] : memref<10240x16xf32, #tpu.memory_space<hbm>> -> memref<10240x16xf32, #tpu.memory_space<hbm>>
    tpu.enqueue_indirect_dma source(%dma_start3A_91 : memref<10240x16xf32, #tpu.memory_space<hbm>>) target(%dma_start3A_86 : memref<200x16xf32, #tpu.memory_space<vmem>>) offsets(%dma_start3A_88 : memref<200xi32, #tpu.memory_space<vmem>>) semaphore(%arg12 : memref<!tpu.dma_semaphore, #tpu.memory_space<semaphore_mem>>)
    %dma_start3A_92 = arith.constant 7 : i32
    %dma_start3A_93 = arith.constant 0 : i32
    %dma_start3A_94 = arith.constant 0 : i32
    %dma_start3A_95 = tpu.memref_slice %arg7[%dma_start3A_92, %dma_start3A_93, %dma_start3A_94] : memref<16x200x16xf32, #tpu.memory_space<vmem>> -> memref<1x200x16xf32, #tpu.memory_space<vmem>>
    %dma_start3A_96 = tpu.memref_squeeze %dma_start3A_95 : memref<1x200x16xf32, #tpu.memory_space<vmem>> -> memref<200x16xf32, #tpu.memory_space<vmem>>
    %dma_start3A_97 = arith.constant 1400 : i32
    %dma_start3A_98 = tpu.memref_slice %arg5[%dma_start3A_97] : memref<10000xi32, #tpu.memory_space<vmem>> -> memref<200xi32, #tpu.memory_space<vmem>>
    %dma_start3A_99 = arith.constant 0 : i32
    %dma_start3A_100 = arith.constant 0 : i32
    %dma_start3A_101 = tpu.memref_slice %arg2[%dma_start3A_99, %dma_start3A_100] : memref<10240x16xf32, #tpu.memory_space<hbm>> -> memref<10240x16xf32, #tpu.memory_space<hbm>>
    tpu.enqueue_indirect_dma source(%dma_start3A_101 : memref<10240x16xf32, #tpu.memory_space<hbm>>) target(%dma_start3A_96 : memref<200x16xf32, #tpu.memory_space<vmem>>) offsets(%dma_start3A_98 : memref<200xi32, #tpu.memory_space<vmem>>) semaphore(%arg12 : memref<!tpu.dma_semaphore, #tpu.memory_space<semaphore_mem>>)
    %scan3A_102 = arith.constant 0 : i32
    %scan3A_103 = arith.constant 0 : i32
    %scan3A_104 = arith.constant 50 : i32
    %scan3A_105 = arith.addi %scan3A_103, %scan3A_104 : i32
    %scan3A_106 = arith.constant 1 : i32
    scf.for %scan3A_198 = %scan3A_103 to %scan3A_105 step %scan3A_106  : i32 {
      %rem3A = arith.constant 16 : i32
      %rem3A_199 = arith.remsi %scan3A_198, %rem3A : i32
      %ge3A = arith.constant 8 : i32
      %ge3A_200 = arith.cmpi sge, %scan3A_198, %ge3A : i32
      %convert_element_type3A = arith.extui %ge3A_200 : i1 to i32
      %cond3A = arith.constant 0 : i32
      %cond3A_201 = arith.cmpi ne, %convert_element_type3A, %cond3A : i32
      scf.if %cond3A_201 {
        %sub3A = arith.constant 8 : i32
        %sub3A_228 = arith.subi %scan3A_198, %sub3A : i32
        %rem3A_229 = arith.constant 16 : i32
        %rem3A_230 = arith.remsi %sub3A_228, %rem3A_229 : i32
        %mul3A_231 = arith.constant 200 : i32
        %mul3A_232 = arith.muli %sub3A_228, %mul3A_231 : i32
        %dma_wait3A_233 = arith.constant 0 : i32
        %dma_wait3A_234 = arith.constant 0 : i32
        %dma_wait3A_235 = tpu.memref_slice %arg7[%rem3A_230, %dma_wait3A_233, %dma_wait3A_234] : memref<16x200x16xf32, #tpu.memory_space<vmem>> -> memref<1x200x16xf32, #tpu.memory_space<vmem>>
        %dma_wait3A_236 = tpu.memref_squeeze %dma_wait3A_235 : memref<1x200x16xf32, #tpu.memory_space<vmem>> -> memref<200x16xf32, #tpu.memory_space<vmem>>
        %dma_wait3A_237 = tpu.memref_slice %arg6[%mul3A_232] : memref<10000xi32, #tpu.memory_space<vmem>> -> memref<200xi32, #tpu.memory_space<vmem>>
        %dma_wait3A_238 = arith.constant 0 : i32
        %dma_wait3A_239 = arith.constant 0 : i32
        %dma_wait3A_240 = tpu.memref_slice %arg11[%dma_wait3A_238, %dma_wait3A_239] : memref<10240x16xf32, #tpu.memory_space<vmem_shared>> -> memref<10240x16xf32, #tpu.memory_space<vmem_shared>>
        tpu.wait_indirect_dma semaphore(%arg13 : memref<!tpu.dma_semaphore, #tpu.memory_space<semaphore_mem>>) src(%dma_wait3A_236 : memref<200x16xf32, #tpu.memory_space<vmem>>) dst(%dma_wait3A_240 : memref<10240x16xf32, #tpu.memory_space<vmem_shared>>)
      } else {
      }
      %mul3A_202 = arith.constant 200 : i32
      %mul3A_203 = arith.muli %scan3A_198, %mul3A_202 : i32
      %dma_wait3A_204 = arith.constant 0 : i32
      %dma_wait3A_205 = arith.constant 0 : i32
      %dma_wait3A_206 = tpu.memref_slice %arg7[%rem3A_199, %dma_wait3A_204, %dma_wait3A_205] : memref<16x200x16xf32, #tpu.memory_space<vmem>> -> memref<1x200x16xf32, #tpu.memory_space<vmem>>
      %dma_wait3A_207 = tpu.memref_squeeze %dma_wait3A_206 : memref<1x200x16xf32, #tpu.memory_space<vmem>> -> memref<200x16xf32, #tpu.memory_space<vmem>>
      %dma_wait3A_208 = tpu.memref_slice %arg5[%mul3A_203] : memref<10000xi32, #tpu.memory_space<vmem>> -> memref<200xi32, #tpu.memory_space<vmem>>
      %dma_wait3A_209 = arith.constant 0 : i32
      %dma_wait3A_210 = arith.constant 0 : i32
      %dma_wait3A_211 = tpu.memref_slice %arg2[%dma_wait3A_209, %dma_wait3A_210] : memref<10240x16xf32, #tpu.memory_space<hbm>> -> memref<10240x16xf32, #tpu.memory_space<hbm>>
      tpu.wait_indirect_dma semaphore(%arg12 : memref<!tpu.dma_semaphore, #tpu.memory_space<semaphore_mem>>) src(%dma_wait3A_211 : memref<10240x16xf32, #tpu.memory_space<hbm>>) dst(%dma_wait3A_207 : memref<200x16xf32, #tpu.memory_space<vmem>>)
      %mul3A_212 = arith.constant 200 : i32
      %mul3A_213 = arith.muli %scan3A_198, %mul3A_212 : i32
      %dma_start3A_214 = arith.constant 0 : i32
      %dma_start3A_215 = arith.constant 0 : i32
      %dma_start3A_216 = tpu.memref_slice %arg7[%rem3A_199, %dma_start3A_214, %dma_start3A_215] : memref<16x200x16xf32, #tpu.memory_space<vmem>> -> memref<1x200x16xf32, #tpu.memory_space<vmem>>
      %dma_start3A_217 = tpu.memref_squeeze %dma_start3A_216 : memref<1x200x16xf32, #tpu.memory_space<vmem>> -> memref<200x16xf32, #tpu.memory_space<vmem>>
      %dma_start3A_218 = tpu.memref_slice %arg6[%mul3A_213] : memref<10000xi32, #tpu.memory_space<vmem>> -> memref<200xi32, #tpu.memory_space<vmem>>
      %dma_start3A_219 = arith.constant 0 : i32
      %dma_start3A_220 = arith.constant 0 : i32
      %dma_start3A_221 = tpu.memref_slice %arg11[%dma_start3A_219, %dma_start3A_220] : memref<10240x16xf32, #tpu.memory_space<vmem_shared>> -> memref<10240x16xf32, #tpu.memory_space<vmem_shared>>
      tpu.enqueue_indirect_dma source(%dma_start3A_217 : memref<200x16xf32, #tpu.memory_space<vmem>>) target(%dma_start3A_221 : memref<10240x16xf32, #tpu.memory_space<vmem_shared>>) offsets(%dma_start3A_218 : memref<200xi32, #tpu.memory_space<vmem>>) semaphore(%arg13 : memref<!tpu.dma_semaphore, #tpu.memory_space<semaphore_mem>>) {add = true}
      %add3A_222 = arith.constant 8 : i32
      %add3A_223 = arith.addi %scan3A_198, %add3A_222 : i32
      %lt3A = arith.constant 50 : i32
      %lt3A_224 = arith.cmpi slt, %add3A_223, %lt3A : i32
      %convert_element_type3A_225 = arith.extui %lt3A_224 : i1 to i32
      %cond3A_226 = arith.constant 0 : i32
      %cond3A_227 = arith.cmpi ne, %convert_element_type3A_225, %cond3A_226 : i32
      scf.if %cond3A_227 {
        %add3A_228 = arith.constant 8 : i32
        %add3A_229 = arith.addi %scan3A_198, %add3A_228 : i32
        %mul3A_230 = arith.constant 200 : i32
        %mul3A_231 = arith.muli %add3A_229, %mul3A_230 : i32
        %rem3A_232 = arith.constant 16 : i32
        %rem3A_233 = arith.remsi %add3A_229, %rem3A_232 : i32
        %dma_start3A_234 = arith.constant 0 : i32
        %dma_start3A_235 = arith.constant 0 : i32
        %dma_start3A_236 = tpu.memref_slice %arg7[%rem3A_233, %dma_start3A_234, %dma_start3A_235] : memref<16x200x16xf32, #tpu.memory_space<vmem>> -> memref<1x200x16xf32, #tpu.memory_space<vmem>>
        %dma_start3A_237 = tpu.memref_squeeze %dma_start3A_236 : memref<1x200x16xf32, #tpu.memory_space<vmem>> -> memref<200x16xf32, #tpu.memory_space<vmem>>
        %dma_start3A_238 = tpu.memref_slice %arg5[%mul3A_231] : memref<10000xi32, #tpu.memory_space<vmem>> -> memref<200xi32, #tpu.memory_space<vmem>>
        %dma_start3A_239 = arith.constant 0 : i32
        %dma_start3A_240 = arith.constant 0 : i32
        %dma_start3A_241 = tpu.memref_slice %arg2[%dma_start3A_239, %dma_start3A_240] : memref<10240x16xf32, #tpu.memory_space<hbm>> -> memref<10240x16xf32, #tpu.memory_space<hbm>>
        tpu.enqueue_indirect_dma source(%dma_start3A_241 : memref<10240x16xf32, #tpu.memory_space<hbm>>) target(%dma_start3A_237 : memref<200x16xf32, #tpu.memory_space<vmem>>) offsets(%dma_start3A_238 : memref<200xi32, #tpu.memory_space<vmem>>) semaphore(%arg12 : memref<!tpu.dma_semaphore, #tpu.memory_space<semaphore_mem>>)
      } else {
      }
    }
    %scan3A_107 = arith.constant 50 : i32
    %dma_start3A_108 = arith.constant 0 : i32
    %dma_start3A_109 = arith.constant 0 : i32
    %dma_start3A_110 = tpu.memref_slice %arg11[%dma_start3A_108, %dma_start3A_109] : memref<10240x16xf32, #tpu.memory_space<vmem_shared>> -> memref<10240x16xf32, #tpu.memory_space<vmem_shared>>
    tpu.enqueue_indirect_dma source(%arg8 : memref<320x16xf32, #tpu.memory_space<vmem>>) target(%dma_start3A_110 : memref<10240x16xf32, #tpu.memory_space<vmem_shared>>) offsets(%arg9 : memref<320xi32, #tpu.memory_space<vmem>>) semaphore(%arg13 : memref<!tpu.dma_semaphore, #tpu.memory_space<semaphore_mem>>) {add = true}
    %dma_wait3A = arith.constant 10 : i32
    %dma_wait3A_111 = arith.constant 0 : i32
    %dma_wait3A_112 = arith.constant 0 : i32
    %dma_wait3A_113 = tpu.memref_slice %arg7[%dma_wait3A, %dma_wait3A_111, %dma_wait3A_112] : memref<16x200x16xf32, #tpu.memory_space<vmem>> -> memref<1x200x16xf32, #tpu.memory_space<vmem>>
    %dma_wait3A_114 = tpu.memref_squeeze %dma_wait3A_113 : memref<1x200x16xf32, #tpu.memory_space<vmem>> -> memref<200x16xf32, #tpu.memory_space<vmem>>
    %dma_wait3A_115 = arith.constant 8400 : i32
    %dma_wait3A_116 = tpu.memref_slice %arg6[%dma_wait3A_115] : memref<10000xi32, #tpu.memory_space<vmem>> -> memref<200xi32, #tpu.memory_space<vmem>>
    %dma_wait3A_117 = arith.constant 0 : i32
    %dma_wait3A_118 = arith.constant 0 : i32
    %dma_wait3A_119 = tpu.memref_slice %arg11[%dma_wait3A_117, %dma_wait3A_118] : memref<10240x16xf32, #tpu.memory_space<vmem_shared>> -> memref<10240x16xf32, #tpu.memory_space<vmem_shared>>
    tpu.wait_indirect_dma semaphore(%arg13 : memref<!tpu.dma_semaphore, #tpu.memory_space<semaphore_mem>>) src(%dma_wait3A_114 : memref<200x16xf32, #tpu.memory_space<vmem>>) dst(%dma_wait3A_119 : memref<10240x16xf32, #tpu.memory_space<vmem_shared>>)
    %dma_wait3A_120 = arith.constant 11 : i32
    %dma_wait3A_121 = arith.constant 0 : i32
    %dma_wait3A_122 = arith.constant 0 : i32
    %dma_wait3A_123 = tpu.memref_slice %arg7[%dma_wait3A_120, %dma_wait3A_121, %dma_wait3A_122] : memref<16x200x16xf32, #tpu.memory_space<vmem>> -> memref<1x200x16xf32, #tpu.memory_space<vmem>>
    %dma_wait3A_124 = tpu.memref_squeeze %dma_wait3A_123 : memref<1x200x16xf32, #tpu.memory_space<vmem>> -> memref<200x16xf32, #tpu.memory_space<vmem>>
    %dma_wait3A_125 = arith.constant 8600 : i32
    %dma_wait3A_126 = tpu.memref_slice %arg6[%dma_wait3A_125] : memref<10000xi32, #tpu.memory_space<vmem>> -> memref<200xi32, #tpu.memory_space<vmem>>
    %dma_wait3A_127 = arith.constant 0 : i32
    %dma_wait3A_128 = arith.constant 0 : i32
    %dma_wait3A_129 = tpu.memref_slice %arg11[%dma_wait3A_127, %dma_wait3A_128] : memref<10240x16xf32, #tpu.memory_space<vmem_shared>> -> memref<10240x16xf32, #tpu.memory_space<vmem_shared>>
    tpu.wait_indirect_dma semaphore(%arg13 : memref<!tpu.dma_semaphore, #tpu.memory_space<semaphore_mem>>) src(%dma_wait3A_124 : memref<200x16xf32, #tpu.memory_space<vmem>>) dst(%dma_wait3A_129 : memref<10240x16xf32, #tpu.memory_space<vmem_shared>>)
    %dma_wait3A_130 = arith.constant 12 : i32
    %dma_wait3A_131 = arith.constant 0 : i32
    %dma_wait3A_132 = arith.constant 0 : i32
    %dma_wait3A_133 = tpu.memref_slice %arg7[%dma_wait3A_130, %dma_wait3A_131, %dma_wait3A_132] : memref<16x200x16xf32, #tpu.memory_space<vmem>> -> memref<1x200x16xf32, #tpu.memory_space<vmem>>
    %dma_wait3A_134 = tpu.memref_squeeze %dma_wait3A_133 : memref<1x200x16xf32, #tpu.memory_space<vmem>> -> memref<200x16xf32, #tpu.memory_space<vmem>>
    %dma_wait3A_135 = arith.constant 8800 : i32
    %dma_wait3A_136 = tpu.memref_slice %arg6[%dma_wait3A_135] : memref<10000xi32, #tpu.memory_space<vmem>> -> memref<200xi32, #tpu.memory_space<vmem>>
    %dma_wait3A_137 = arith.constant 0 : i32
    %dma_wait3A_138 = arith.constant 0 : i32
    %dma_wait3A_139 = tpu.memref_slice %arg11[%dma_wait3A_137, %dma_wait3A_138] : memref<10240x16xf32, #tpu.memory_space<vmem_shared>> -> memref<10240x16xf32, #tpu.memory_space<vmem_shared>>
    tpu.wait_indirect_dma semaphore(%arg13 : memref<!tpu.dma_semaphore, #tpu.memory_space<semaphore_mem>>) src(%dma_wait3A_134 : memref<200x16xf32, #tpu.memory_space<vmem>>) dst(%dma_wait3A_139 : memref<10240x16xf32, #tpu.memory_space<vmem_shared>>)
    %dma_wait3A_140 = arith.constant 13 : i32
    %dma_wait3A_141 = arith.constant 0 : i32
    %dma_wait3A_142 = arith.constant 0 : i32
    %dma_wait3A_143 = tpu.memref_slice %arg7[%dma_wait3A_140, %dma_wait3A_141, %dma_wait3A_142] : memref<16x200x16xf32, #tpu.memory_space<vmem>> -> memref<1x200x16xf32, #tpu.memory_space<vmem>>
    %dma_wait3A_144 = tpu.memref_squeeze %dma_wait3A_143 : memref<1x200x16xf32, #tpu.memory_space<vmem>> -> memref<200x16xf32, #tpu.memory_space<vmem>>
    %dma_wait3A_145 = arith.constant 9000 : i32
    %dma_wait3A_146 = tpu.memref_slice %arg6[%dma_wait3A_145] : memref<10000xi32, #tpu.memory_space<vmem>> -> memref<200xi32, #tpu.memory_space<vmem>>
    %dma_wait3A_147 = arith.constant 0 : i32
    %dma_wait3A_148 = arith.constant 0 : i32
    %dma_wait3A_149 = tpu.memref_slice %arg11[%dma_wait3A_147, %dma_wait3A_148] : memref<10240x16xf32, #tpu.memory_space<vmem_shared>> -> memref<10240x16xf32, #tpu.memory_space<vmem_shared>>
    tpu.wait_indirect_dma semaphore(%arg13 : memref<!tpu.dma_semaphore, #tpu.memory_space<semaphore_mem>>) src(%dma_wait3A_144 : memref<200x16xf32, #tpu.memory_space<vmem>>) dst(%dma_wait3A_149 : memref<10240x16xf32, #tpu.memory_space<vmem_shared>>)
    %dma_wait3A_150 = arith.constant 14 : i32
    %dma_wait3A_151 = arith.constant 0 : i32
    %dma_wait3A_152 = arith.constant 0 : i32
    %dma_wait3A_153 = tpu.memref_slice %arg7[%dma_wait3A_150, %dma_wait3A_151, %dma_wait3A_152] : memref<16x200x16xf32, #tpu.memory_space<vmem>> -> memref<1x200x16xf32, #tpu.memory_space<vmem>>
    %dma_wait3A_154 = tpu.memref_squeeze %dma_wait3A_153 : memref<1x200x16xf32, #tpu.memory_space<vmem>> -> memref<200x16xf32, #tpu.memory_space<vmem>>
    %dma_wait3A_155 = arith.constant 9200 : i32
    %dma_wait3A_156 = tpu.memref_slice %arg6[%dma_wait3A_155] : memref<10000xi32, #tpu.memory_space<vmem>> -> memref<200xi32, #tpu.memory_space<vmem>>
    %dma_wait3A_157 = arith.constant 0 : i32
    %dma_wait3A_158 = arith.constant 0 : i32
    %dma_wait3A_159 = tpu.memref_slice %arg11[%dma_wait3A_157, %dma_wait3A_158] : memref<10240x16xf32, #tpu.memory_space<vmem_shared>> -> memref<10240x16xf32, #tpu.memory_space<vmem_shared>>
    tpu.wait_indirect_dma semaphore(%arg13 : memref<!tpu.dma_semaphore, #tpu.memory_space<semaphore_mem>>) src(%dma_wait3A_154 : memref<200x16xf32, #tpu.memory_space<vmem>>) dst(%dma_wait3A_159 : memref<10240x16xf32, #tpu.memory_space<vmem_shared>>)
    %dma_wait3A_160 = arith.constant 15 : i32
    %dma_wait3A_161 = arith.constant 0 : i32
    %dma_wait3A_162 = arith.constant 0 : i32
    %dma_wait3A_163 = tpu.memref_slice %arg7[%dma_wait3A_160, %dma_wait3A_161, %dma_wait3A_162] : memref<16x200x16xf32, #tpu.memory_space<vmem>> -> memref<1x200x16xf32, #tpu.memory_space<vmem>>
    %dma_wait3A_164 = tpu.memref_squeeze %dma_wait3A_163 : memref<1x200x16xf32, #tpu.memory_space<vmem>> -> memref<200x16xf32, #tpu.memory_space<vmem>>
    %dma_wait3A_165 = arith.constant 9400 : i32
    %dma_wait3A_166 = tpu.memref_slice %arg6[%dma_wait3A_165] : memref<10000xi32, #tpu.memory_space<vmem>> -> memref<200xi32, #tpu.memory_space<vmem>>
    %dma_wait3A_167 = arith.constant 0 : i32
    %dma_wait3A_168 = arith.constant 0 : i32
    %dma_wait3A_169 = tpu.memref_slice %arg11[%dma_wait3A_167, %dma_wait3A_168] : memref<10240x16xf32, #tpu.memory_space<vmem_shared>> -> memref<10240x16xf32, #tpu.memory_space<vmem_shared>>
    tpu.wait_indirect_dma semaphore(%arg13 : memref<!tpu.dma_semaphore, #tpu.memory_space<semaphore_mem>>) src(%dma_wait3A_164 : memref<200x16xf32, #tpu.memory_space<vmem>>) dst(%dma_wait3A_169 : memref<10240x16xf32, #tpu.memory_space<vmem_shared>>)
    %dma_wait3A_170 = arith.constant 0 : i32
    %dma_wait3A_171 = arith.constant 0 : i32
    %dma_wait3A_172 = arith.constant 0 : i32
    %dma_wait3A_173 = tpu.memref_slice %arg7[%dma_wait3A_170, %dma_wait3A_171, %dma_wait3A_172] : memref<16x200x16xf32, #tpu.memory_space<vmem>> -> memref<1x200x16xf32, #tpu.memory_space<vmem>>
    %dma_wait3A_174 = tpu.memref_squeeze %dma_wait3A_173 : memref<1x200x16xf32, #tpu.memory_space<vmem>> -> memref<200x16xf32, #tpu.memory_space<vmem>>
    %dma_wait3A_175 = arith.constant 9600 : i32
    %dma_wait3A_176 = tpu.memref_slice %arg6[%dma_wait3A_175] : memref<10000xi32, #tpu.memory_space<vmem>> -> memref<200xi32, #tpu.memory_space<vmem>>
    %dma_wait3A_177 = arith.constant 0 : i32
    %dma_wait3A_178 = arith.constant 0 : i32
    %dma_wait3A_179 = tpu.memref_slice %arg11[%dma_wait3A_177, %dma_wait3A_178] : memref<10240x16xf32, #tpu.memory_space<vmem_shared>> -> memref<10240x16xf32, #tpu.memory_space<vmem_shared>>
    tpu.wait_indirect_dma semaphore(%arg13 : memref<!tpu.dma_semaphore, #tpu.memory_space<semaphore_mem>>) src(%dma_wait3A_174 : memref<200x16xf32, #tpu.memory_space<vmem>>) dst(%dma_wait3A_179 : memref<10240x16xf32, #tpu.memory_space<vmem_shared>>)
    %dma_wait3A_180 = arith.constant 1 : i32
    %dma_wait3A_181 = arith.constant 0 : i32
    %dma_wait3A_182 = arith.constant 0 : i32
    %dma_wait3A_183 = tpu.memref_slice %arg7[%dma_wait3A_180, %dma_wait3A_181, %dma_wait3A_182] : memref<16x200x16xf32, #tpu.memory_space<vmem>> -> memref<1x200x16xf32, #tpu.memory_space<vmem>>
    %dma_wait3A_184 = tpu.memref_squeeze %dma_wait3A_183 : memref<1x200x16xf32, #tpu.memory_space<vmem>> -> memref<200x16xf32, #tpu.memory_space<vmem>>
    %dma_wait3A_185 = arith.constant 9800 : i32
    %dma_wait3A_186 = tpu.memref_slice %arg6[%dma_wait3A_185] : memref<10000xi32, #tpu.memory_space<vmem>> -> memref<200xi32, #tpu.memory_space<vmem>>
    %dma_wait3A_187 = arith.constant 0 : i32
    %dma_wait3A_188 = arith.constant 0 : i32
    %dma_wait3A_189 = tpu.memref_slice %arg11[%dma_wait3A_187, %dma_wait3A_188] : memref<10240x16xf32, #tpu.memory_space<vmem_shared>> -> memref<10240x16xf32, #tpu.memory_space<vmem_shared>>
    tpu.wait_indirect_dma semaphore(%arg13 : memref<!tpu.dma_semaphore, #tpu.memory_space<semaphore_mem>>) src(%dma_wait3A_184 : memref<200x16xf32, #tpu.memory_space<vmem>>) dst(%dma_wait3A_189 : memref<10240x16xf32, #tpu.memory_space<vmem_shared>>)
    %dma_wait3A_190 = arith.constant 0 : i32
    %dma_wait3A_191 = arith.constant 0 : i32
    %dma_wait3A_192 = tpu.memref_slice %arg11[%dma_wait3A_190, %dma_wait3A_191] : memref<10240x16xf32, #tpu.memory_space<vmem_shared>> -> memref<10240x16xf32, #tpu.memory_space<vmem_shared>>
    tpu.wait_indirect_dma semaphore(%arg13 : memref<!tpu.dma_semaphore, #tpu.memory_space<semaphore_mem>>) src(%arg8 : memref<320x16xf32, #tpu.memory_space<vmem>>) dst(%dma_wait3A_192 : memref<10240x16xf32, #tpu.memory_space<vmem_shared>>)
    %barrier3A_193 = arith.constant 0 : index
    tpu.barrier barrier_id(%barrier3A_193)
    %mul3A_194 = arith.constant 640 : i32
    %mul3A_195 = arith.muli %arg1, %mul3A_194 : i32
    %mul3A_196 = arith.constant 640 : i32
    %mul3A_197 = arith.muli %arg1, %mul3A_196 : i32
    "tpu.region"() ({
      %run_scoped3A_198 = tpu.sem_alloc : memref<!tpu.dma_semaphore, #tpu.memory_space<semaphore_mem>>
      %dma_start3A_199 = arith.constant 0 : i32
      %dma_start3A_200 = tpu.memref_slice %arg4[%arg0, %mul3A_197, %dma_start3A_199] : memref<2x10240x16xf32, #tpu.memory_space<hbm>> -> memref<1x640x16xf32, #tpu.memory_space<hbm>>
      %dma_start3A_201 = tpu.memref_squeeze %dma_start3A_200 : memref<1x640x16xf32, #tpu.memory_space<hbm>> -> memref<640x16xf32, #tpu.memory_space<hbm>>
      %dma_start3A_202 = arith.constant 0 : i32
      %dma_start3A_203 = tpu.memref_slice %arg11[%mul3A_195, %dma_start3A_202] : memref<10240x16xf32, #tpu.memory_space<vmem_shared>> -> memref<640x16xf32, #tpu.memory_space<vmem_shared>>
      tpu.enqueue_dma source(%dma_start3A_203 : memref<640x16xf32, #tpu.memory_space<vmem_shared>>) target(%dma_start3A_201 : memref<640x16xf32, #tpu.memory_space<hbm>>) target_semaphore(%run_scoped3A_198 : memref<!tpu.dma_semaphore, #tpu.memory_space<semaphore_mem>>)
      %dma_wait3A_204 = arith.constant 0 : i32
      %dma_wait3A_205 = tpu.memref_slice %arg4[%arg0, %mul3A_197, %dma_wait3A_204] : memref<2x10240x16xf32, #tpu.memory_space<hbm>> -> memref<1x640x16xf32, #tpu.memory_space<hbm>>
      %dma_wait3A_206 = tpu.memref_squeeze %dma_wait3A_205 : memref<1x640x16xf32, #tpu.memory_space<hbm>> -> memref<640x16xf32, #tpu.memory_space<hbm>>
      %dma_wait3A_207 = arith.constant 0 : i32
      %dma_wait3A_208 = tpu.memref_slice %arg11[%mul3A_195, %dma_wait3A_207] : memref<10240x16xf32, #tpu.memory_space<vmem_shared>> -> memref<640x16xf32, #tpu.memory_space<vmem_shared>>
      tpu.wait_dma2 semaphore(%run_scoped3A_198 : memref<!tpu.dma_semaphore, #tpu.memory_space<semaphore_mem>>) src(%dma_wait3A_208 : memref<640x16xf32, #tpu.memory_space<vmem_shared>>) dst(%dma_wait3A_206 : memref<640x16xf32, #tpu.memory_space<hbm>>)
      tpu.yield
    }) : () -> ()
    return
  }
}

#map = affine_map<(d0, d1) -> (0, 0)>
#map1 = affine_map<(d0, d1) -> (0, 0, 0)>
module attributes {stable_mosaic.version = 14 : i64} {
  func.func @_deg_pass(%arg0: i32, %arg1: i32, %arg2: memref<2x320000xi32, #tpu.memory_space<hbm>>, %arg3: memref<2x10240x16xf32, #tpu.memory_space<hbm>>, %arg4: memref<10000xi32, #tpu.memory_space<vmem>>, %arg5: memref<320x16xf32, #tpu.memory_space<vmem>>, %arg6: memref<320xi32, #tpu.memory_space<vmem>>, %arg7: memref<640x16xf32, #tpu.memory_space<vmem>>, %arg8: memref<10240x16xf32, #tpu.memory_space<vmem_shared>>, %arg9: memref<!tpu.dma_semaphore, #tpu.memory_space<semaphore_mem>>) attributes {dimension_semantics = [#tpu.dimension_semantics<core_parallel>, #tpu.dimension_semantics<subcore_parallel>], iteration_bounds = array<i64: 2, 16>, scalar_prefetch = 0 : i64, scratch_operands = 6 : i64, tpu.core_type = #tpu.core_type<sc_vector_subcore>, window_params = [{transform_indices = #map}, {transform_indices = #map1}]} {
    %mul3A = arith.constant 16 : i32
    %mul3A_0 = arith.muli %arg0, %mul3A : i32
    %add3A = arith.addi %mul3A_0, %arg1 : i32
    %scan3A = arith.constant 0 : i32
    %scan3A_1 = arith.constant 0 : i32
    %scan3A_2 = arith.constant 640 : i32
    %scan3A_3 = arith.addi %scan3A_1, %scan3A_2 : i32
    %scan3A_4 = arith.constant 1 : i32
    scf.for %scan3A_103 = %scan3A_1 to %scan3A_3 step %scan3A_4  : i32 {
      %broadcast_in_dim3A = arith.constant 0.000000e+00 : f32
      %broadcast_in_dim3A_104 = vector.broadcast %broadcast_in_dim3A : f32 to vector<16xf32>
      %swap3A = arith.index_cast %scan3A_103 : i32 to index
      %swap3A_105 = arith.constant 0 : index
      %swap3A_106 = tpu.vector_load %arg7[%swap3A, %swap3A_105] {strides = array<i32>} : memref<640x16xf32, #tpu.memory_space<vmem>>, vector<1x16xf32>,
      %swap3A_107 = vector.shape_cast %swap3A_106 : vector<1x16xf32> to vector<16xf32>
      %swap3A_108 = vector.shape_cast %broadcast_in_dim3A_104 : vector<16xf32> to vector<1x16xf32>
      tpu.vector_store %arg7[%swap3A, %swap3A_105], %swap3A_108 {strides = array<i32>} : memref<640x16xf32, #tpu.memory_space<vmem>>, vector<1x16xf32>,
    }
    %scan3A_5 = arith.constant 640 : i32
    %mul3A_6 = arith.constant 640 : i32
    %mul3A_7 = arith.muli %arg1, %mul3A_6 : i32
    "tpu.region"() ({
      %run_scoped3A_103 = tpu.sem_alloc : memref<!tpu.dma_semaphore, #tpu.memory_space<semaphore_mem>>
      %dma_start3A_104 = arith.constant 0 : i32
      %dma_start3A_105 = tpu.memref_slice %arg8[%mul3A_7, %dma_start3A_104] : memref<10240x16xf32, #tpu.memory_space<vmem_shared>> -> memref<640x16xf32, #tpu.memory_space<vmem_shared>>
      %dma_start3A_106 = arith.constant 0 : i32
      %dma_start3A_107 = tpu.memref_slice %arg8[%mul3A_7, %dma_start3A_106] : memref<10240x16xf32, #tpu.memory_space<vmem_shared>> -> memref<640x16xf32, #tpu.memory_space<vmem_shared>>
      tpu.enqueue_dma source(%arg7 : memref<640x16xf32, #tpu.memory_space<vmem>>) target(%dma_start3A_107 : memref<640x16xf32, #tpu.memory_space<vmem_shared>>) target_semaphore(%run_scoped3A_103 : memref<!tpu.dma_semaphore, #tpu.memory_space<semaphore_mem>>)
      %dma_wait3A_108 = arith.constant 0 : i32
      %dma_wait3A_109 = tpu.memref_slice %arg8[%mul3A_7, %dma_wait3A_108] : memref<10240x16xf32, #tpu.memory_space<vmem_shared>> -> memref<640x16xf32, #tpu.memory_space<vmem_shared>>
      %dma_wait3A_110 = arith.constant 0 : i32
      %dma_wait3A_111 = tpu.memref_slice %arg8[%mul3A_7, %dma_wait3A_110] : memref<10240x16xf32, #tpu.memory_space<vmem_shared>> -> memref<640x16xf32, #tpu.memory_space<vmem_shared>>
      tpu.wait_dma2 semaphore(%run_scoped3A_103 : memref<!tpu.dma_semaphore, #tpu.memory_space<semaphore_mem>>) src(%arg7 : memref<640x16xf32, #tpu.memory_space<vmem>>) dst(%dma_wait3A_111 : memref<640x16xf32, #tpu.memory_space<vmem_shared>>)
      tpu.yield
    }) : () -> ()
    %scan3A_8 = arith.constant 0 : i32
    %scan3A_9 = arith.constant 0 : i32
    %scan3A_10 = arith.constant 320 : i32
    %scan3A_11 = arith.addi %scan3A_9, %scan3A_10 : i32
    %scan3A_12 = arith.constant 1 : i32
    scf.for %scan3A_103 = %scan3A_9 to %scan3A_11 step %scan3A_12  : i32 {
      %broadcast_in_dim3A = arith.constant 1.000000e+00 : f32
      %broadcast_in_dim3A_104 = vector.broadcast %broadcast_in_dim3A : f32 to vector<16xf32>
      %swap3A = arith.index_cast %scan3A_103 : i32 to index
      %swap3A_105 = arith.constant 0 : index
      %swap3A_106 = tpu.vector_load %arg5[%swap3A, %swap3A_105] {strides = array<i32>} : memref<320x16xf32, #tpu.memory_space<vmem>>, vector<1x16xf32>,
      %swap3A_107 = vector.shape_cast %swap3A_106 : vector<1x16xf32> to vector<16xf32>
      %swap3A_108 = vector.shape_cast %broadcast_in_dim3A_104 : vector<16xf32> to vector<1x16xf32>
      tpu.vector_store %arg5[%swap3A, %swap3A_105], %swap3A_108 {strides = array<i32>} : memref<320x16xf32, #tpu.memory_space<vmem>>, vector<1x16xf32>,
    }
    %scan3A_13 = arith.constant 320 : i32
    %mul3A_14 = arith.constant 320 : i32
    %mul3A_15 = arith.muli %add3A, %mul3A_14 : i32
    %scan3A_16 = arith.constant 0 : i32
    %scan3A_17 = arith.constant 0 : i32
    %scan3A_18 = arith.constant 20 : i32
    %scan3A_19 = arith.addi %scan3A_17, %scan3A_18 : i32
    %scan3A_20 = arith.constant 1 : i32
    scf.for %scan3A_103 = %scan3A_17 to %scan3A_19 step %scan3A_20  : i32 {
      %mul3A_104 = arith.constant 16 : i32
      %mul3A_105 = arith.muli %scan3A_103, %mul3A_104 : i32
      %add3A_106 = arith.addi %mul3A_15, %mul3A_105 : i32
      %iota3A = tpu.iota {dimensions = array<i32: 0>} : vector<16xi32>
      %add3A_107 = vector.broadcast %add3A_106 : i32 to vector<16xi32>
      %add3A_108 = arith.addi %add3A_107, %iota3A : vector<16xi32>
      %mul3A_109 = arith.constant 16 : i32
      %mul3A_110 = arith.muli %scan3A_103, %mul3A_109 : i32
      %swap3A = arith.index_cast %mul3A_110 : i32 to index
      %swap3A_111 = tpu.vector_load %arg6[%swap3A] {strides = array<i32>} : memref<320xi32, #tpu.memory_space<vmem>>, vector<16xi32>,
      %swap3A_112 = vector.shape_cast %swap3A_111 : vector<16xi32> to vector<16xi32>
      %swap3A_113 = vector.shape_cast %add3A_108 : vector<16xi32> to vector<16xi32>
      tpu.vector_store %arg6[%swap3A], %swap3A_113 {strides = array<i32>} : memref<320xi32, #tpu.memory_space<vmem>>, vector<16xi32>,
    }
    %scan3A_21 = arith.constant 20 : i32
    %mul3A_22 = arith.constant 10000 : i32
    %mul3A_23 = arith.muli %add3A, %mul3A_22 : i32
    %run_scoped3A = arith.constant 1 : i32
    "tpu.region"() ({
      %run_scoped3A_103 = tpu.sem_alloc : memref<!tpu.dma_semaphore, #tpu.memory_space<semaphore_mem>>
      %dma_start3A_104 = tpu.memref_slice %arg2[%run_scoped3A, %mul3A_23] : memref<2x320000xi32, #tpu.memory_space<hbm>> -> memref<1x10000xi32, #tpu.memory_space<hbm>>
      %dma_start3A_105 = tpu.memref_squeeze %dma_start3A_104 : memref<1x10000xi32, #tpu.memory_space<hbm>> -> memref<10000xi32, #tpu.memory_space<hbm>>
      %dma_start3A_106 = tpu.memref_slice %arg2[%run_scoped3A, %mul3A_23] : memref<2x320000xi32, #tpu.memory_space<hbm>> -> memref<1x10000xi32, #tpu.memory_space<hbm>>
      %dma_start3A_107 = tpu.memref_squeeze %dma_start3A_106 : memref<1x10000xi32, #tpu.memory_space<hbm>> -> memref<10000xi32, #tpu.memory_space<hbm>>
      tpu.enqueue_dma source(%dma_start3A_107 : memref<10000xi32, #tpu.memory_space<hbm>>) target(%arg4 : memref<10000xi32, #tpu.memory_space<vmem>>) target_semaphore(%run_scoped3A_103 : memref<!tpu.dma_semaphore, #tpu.memory_space<semaphore_mem>>)
      %dma_wait3A_108 = tpu.memref_slice %arg2[%run_scoped3A, %mul3A_23] : memref<2x320000xi32, #tpu.memory_space<hbm>> -> memref<1x10000xi32, #tpu.memory_space<hbm>>
      %dma_wait3A_109 = tpu.memref_squeeze %dma_wait3A_108 : memref<1x10000xi32, #tpu.memory_space<hbm>> -> memref<10000xi32, #tpu.memory_space<hbm>>
      %dma_wait3A_110 = tpu.memref_slice %arg2[%run_scoped3A, %mul3A_23] : memref<2x320000xi32, #tpu.memory_space<hbm>> -> memref<1x10000xi32, #tpu.memory_space<hbm>>
      %dma_wait3A_111 = tpu.memref_squeeze %dma_wait3A_110 : memref<1x10000xi32, #tpu.memory_space<hbm>> -> memref<10000xi32, #tpu.memory_space<hbm>>
      tpu.wait_dma2 semaphore(%run_scoped3A_103 : memref<!tpu.dma_semaphore, #tpu.memory_space<semaphore_mem>>) src(%dma_wait3A_111 : memref<10000xi32, #tpu.memory_space<hbm>>) dst(%arg4 : memref<10000xi32, #tpu.memory_space<vmem>>)
      tpu.yield
    }) : () -> ()
    %barrier3A = arith.constant 0 : index
    tpu.barrier barrier_id(%barrier3A)
    %scan3A_24 = arith.constant 0 : i32
    %scan3A_25 = arith.constant 0 : i32
    %scan3A_26 = arith.constant 50 : i32
    %scan3A_27 = arith.addi %scan3A_25, %scan3A_26 : i32
    %scan3A_28 = arith.constant 1 : i32
    scf.for %scan3A_103 = %scan3A_25 to %scan3A_27 step %scan3A_28  : i32 {
      %ge3A = arith.constant 8 : i32
      %ge3A_104 = arith.cmpi sge, %scan3A_103, %ge3A : i32
      %convert_element_type3A = arith.extui %ge3A_104 : i1 to i32
      %cond3A = arith.constant 0 : i32
      %cond3A_105 = arith.cmpi ne, %convert_element_type3A, %cond3A : i32
      scf.if %cond3A_105 {
        %sub3A = arith.constant 8 : i32
        %sub3A_115 = arith.subi %scan3A_103, %sub3A : i32
        %mul3A_116 = arith.constant 200 : i32
        %mul3A_117 = arith.muli %sub3A_115, %mul3A_116 : i32
        %dma_wait3A_118 = arith.constant 0 : i32
        %dma_wait3A_119 = arith.constant 0 : i32
        %dma_wait3A_120 = tpu.memref_slice %arg5[%dma_wait3A_118, %dma_wait3A_119] : memref<320x16xf32, #tpu.memory_space<vmem>> -> memref<200x16xf32, #tpu.memory_space<vmem>>
        %dma_wait3A_121 = tpu.memref_slice %arg4[%mul3A_117] : memref<10000xi32, #tpu.memory_space<vmem>> -> memref<200xi32, #tpu.memory_space<vmem>>
        %dma_wait3A_122 = arith.constant 0 : i32
        %dma_wait3A_123 = arith.constant 0 : i32
        %dma_wait3A_124 = tpu.memref_slice %arg8[%dma_wait3A_122, %dma_wait3A_123] : memref<10240x16xf32, #tpu.memory_space<vmem_shared>> -> memref<10240x16xf32, #tpu.memory_space<vmem_shared>>
        tpu.wait_indirect_dma semaphore(%arg9 : memref<!tpu.dma_semaphore, #tpu.memory_space<semaphore_mem>>) src(%dma_wait3A_120 : memref<200x16xf32, #tpu.memory_space<vmem>>) dst(%dma_wait3A_124 : memref<10240x16xf32, #tpu.memory_space<vmem_shared>>)
      } else {
      }
      %mul3A_106 = arith.constant 200 : i32
      %mul3A_107 = arith.muli %scan3A_103, %mul3A_106 : i32
      %dma_start3A_108 = arith.constant 0 : i32
      %dma_start3A_109 = arith.constant 0 : i32
      %dma_start3A_110 = tpu.memref_slice %arg5[%dma_start3A_108, %dma_start3A_109] : memref<320x16xf32, #tpu.memory_space<vmem>> -> memref<200x16xf32, #tpu.memory_space<vmem>>
      %dma_start3A_111 = tpu.memref_slice %arg4[%mul3A_107] : memref<10000xi32, #tpu.memory_space<vmem>> -> memref<200xi32, #tpu.memory_space<vmem>>
      %dma_start3A_112 = arith.constant 0 : i32
      %dma_start3A_113 = arith.constant 0 : i32
      %dma_start3A_114 = tpu.memref_slice %arg8[%dma_start3A_112, %dma_start3A_113] : memref<10240x16xf32, #tpu.memory_space<vmem_shared>> -> memref<10240x16xf32, #tpu.memory_space<vmem_shared>>
      tpu.enqueue_indirect_dma source(%dma_start3A_110 : memref<200x16xf32, #tpu.memory_space<vmem>>) target(%dma_start3A_114 : memref<10240x16xf32, #tpu.memory_space<vmem_shared>>) offsets(%dma_start3A_111 : memref<200xi32, #tpu.memory_space<vmem>>) semaphore(%arg9 : memref<!tpu.dma_semaphore, #tpu.memory_space<semaphore_mem>>) {add = true}
    }
    %scan3A_29 = arith.constant 50 : i32
    %dma_start3A = arith.constant 0 : i32
    %dma_start3A_30 = arith.constant 0 : i32
    %dma_start3A_31 = tpu.memref_slice %arg8[%dma_start3A, %dma_start3A_30] : memref<10240x16xf32, #tpu.memory_space<vmem_shared>> -> memref<10240x16xf32, #tpu.memory_space<vmem_shared>>
    tpu.enqueue_indirect_dma source(%arg5 : memref<320x16xf32, #tpu.memory_space<vmem>>) target(%dma_start3A_31 : memref<10240x16xf32, #tpu.memory_space<vmem_shared>>) offsets(%arg6 : memref<320xi32, #tpu.memory_space<vmem>>) semaphore(%arg9 : memref<!tpu.dma_semaphore, #tpu.memory_space<semaphore_mem>>) {add = true}
    %dma_wait3A = arith.constant 0 : i32
    %dma_wait3A_32 = arith.constant 0 : i32
    %dma_wait3A_33 = tpu.memref_slice %arg5[%dma_wait3A, %dma_wait3A_32] : memref<320x16xf32, #tpu.memory_space<vmem>> -> memref<200x16xf32, #tpu.memory_space<vmem>>
    %dma_wait3A_34 = arith.constant 8400 : i32
    %dma_wait3A_35 = tpu.memref_slice %arg4[%dma_wait3A_34] : memref<10000xi32, #tpu.memory_space<vmem>> -> memref<200xi32, #tpu.memory_space<vmem>>
    %dma_wait3A_36 = arith.constant 0 : i32
    %dma_wait3A_37 = arith.constant 0 : i32
    %dma_wait3A_38 = tpu.memref_slice %arg8[%dma_wait3A_36, %dma_wait3A_37] : memref<10240x16xf32, #tpu.memory_space<vmem_shared>> -> memref<10240x16xf32, #tpu.memory_space<vmem_shared>>
    tpu.wait_indirect_dma semaphore(%arg9 : memref<!tpu.dma_semaphore, #tpu.memory_space<semaphore_mem>>) src(%dma_wait3A_33 : memref<200x16xf32, #tpu.memory_space<vmem>>) dst(%dma_wait3A_38 : memref<10240x16xf32, #tpu.memory_space<vmem_shared>>)
    %dma_wait3A_39 = arith.constant 0 : i32
    %dma_wait3A_40 = arith.constant 0 : i32
    %dma_wait3A_41 = tpu.memref_slice %arg5[%dma_wait3A_39, %dma_wait3A_40] : memref<320x16xf32, #tpu.memory_space<vmem>> -> memref<200x16xf32, #tpu.memory_space<vmem>>
    %dma_wait3A_42 = arith.constant 8600 : i32
    %dma_wait3A_43 = tpu.memref_slice %arg4[%dma_wait3A_42] : memref<10000xi32, #tpu.memory_space<vmem>> -> memref<200xi32, #tpu.memory_space<vmem>>
    %dma_wait3A_44 = arith.constant 0 : i32
    %dma_wait3A_45 = arith.constant 0 : i32
    %dma_wait3A_46 = tpu.memref_slice %arg8[%dma_wait3A_44, %dma_wait3A_45] : memref<10240x16xf32, #tpu.memory_space<vmem_shared>> -> memref<10240x16xf32, #tpu.memory_space<vmem_shared>>
    tpu.wait_indirect_dma semaphore(%arg9 : memref<!tpu.dma_semaphore, #tpu.memory_space<semaphore_mem>>) src(%dma_wait3A_41 : memref<200x16xf32, #tpu.memory_space<vmem>>) dst(%dma_wait3A_46 : memref<10240x16xf32, #tpu.memory_space<vmem_shared>>)
    %dma_wait3A_47 = arith.constant 0 : i32
    %dma_wait3A_48 = arith.constant 0 : i32
    %dma_wait3A_49 = tpu.memref_slice %arg5[%dma_wait3A_47, %dma_wait3A_48] : memref<320x16xf32, #tpu.memory_space<vmem>> -> memref<200x16xf32, #tpu.memory_space<vmem>>
    %dma_wait3A_50 = arith.constant 8800 : i32
    %dma_wait3A_51 = tpu.memref_slice %arg4[%dma_wait3A_50] : memref<10000xi32, #tpu.memory_space<vmem>> -> memref<200xi32, #tpu.memory_space<vmem>>
    %dma_wait3A_52 = arith.constant 0 : i32
    %dma_wait3A_53 = arith.constant 0 : i32
    %dma_wait3A_54 = tpu.memref_slice %arg8[%dma_wait3A_52, %dma_wait3A_53] : memref<10240x16xf32, #tpu.memory_space<vmem_shared>> -> memref<10240x16xf32, #tpu.memory_space<vmem_shared>>
    tpu.wait_indirect_dma semaphore(%arg9 : memref<!tpu.dma_semaphore, #tpu.memory_space<semaphore_mem>>) src(%dma_wait3A_49 : memref<200x16xf32, #tpu.memory_space<vmem>>) dst(%dma_wait3A_54 : memref<10240x16xf32, #tpu.memory_space<vmem_shared>>)
    %dma_wait3A_55 = arith.constant 0 : i32
    %dma_wait3A_56 = arith.constant 0 : i32
    %dma_wait3A_57 = tpu.memref_slice %arg5[%dma_wait3A_55, %dma_wait3A_56] : memref<320x16xf32, #tpu.memory_space<vmem>> -> memref<200x16xf32, #tpu.memory_space<vmem>>
    %dma_wait3A_58 = arith.constant 9000 : i32
    %dma_wait3A_59 = tpu.memref_slice %arg4[%dma_wait3A_58] : memref<10000xi32, #tpu.memory_space<vmem>> -> memref<200xi32, #tpu.memory_space<vmem>>
    %dma_wait3A_60 = arith.constant 0 : i32
    %dma_wait3A_61 = arith.constant 0 : i32
    %dma_wait3A_62 = tpu.memref_slice %arg8[%dma_wait3A_60, %dma_wait3A_61] : memref<10240x16xf32, #tpu.memory_space<vmem_shared>> -> memref<10240x16xf32, #tpu.memory_space<vmem_shared>>
    tpu.wait_indirect_dma semaphore(%arg9 : memref<!tpu.dma_semaphore, #tpu.memory_space<semaphore_mem>>) src(%dma_wait3A_57 : memref<200x16xf32, #tpu.memory_space<vmem>>) dst(%dma_wait3A_62 : memref<10240x16xf32, #tpu.memory_space<vmem_shared>>)
    %dma_wait3A_63 = arith.constant 0 : i32
    %dma_wait3A_64 = arith.constant 0 : i32
    %dma_wait3A_65 = tpu.memref_slice %arg5[%dma_wait3A_63, %dma_wait3A_64] : memref<320x16xf32, #tpu.memory_space<vmem>> -> memref<200x16xf32, #tpu.memory_space<vmem>>
    %dma_wait3A_66 = arith.constant 9200 : i32
    %dma_wait3A_67 = tpu.memref_slice %arg4[%dma_wait3A_66] : memref<10000xi32, #tpu.memory_space<vmem>> -> memref<200xi32, #tpu.memory_space<vmem>>
    %dma_wait3A_68 = arith.constant 0 : i32
    %dma_wait3A_69 = arith.constant 0 : i32
    %dma_wait3A_70 = tpu.memref_slice %arg8[%dma_wait3A_68, %dma_wait3A_69] : memref<10240x16xf32, #tpu.memory_space<vmem_shared>> -> memref<10240x16xf32, #tpu.memory_space<vmem_shared>>
    tpu.wait_indirect_dma semaphore(%arg9 : memref<!tpu.dma_semaphore, #tpu.memory_space<semaphore_mem>>) src(%dma_wait3A_65 : memref<200x16xf32, #tpu.memory_space<vmem>>) dst(%dma_wait3A_70 : memref<10240x16xf32, #tpu.memory_space<vmem_shared>>)
    %dma_wait3A_71 = arith.constant 0 : i32
    %dma_wait3A_72 = arith.constant 0 : i32
    %dma_wait3A_73 = tpu.memref_slice %arg5[%dma_wait3A_71, %dma_wait3A_72] : memref<320x16xf32, #tpu.memory_space<vmem>> -> memref<200x16xf32, #tpu.memory_space<vmem>>
    %dma_wait3A_74 = arith.constant 9400 : i32
    %dma_wait3A_75 = tpu.memref_slice %arg4[%dma_wait3A_74] : memref<10000xi32, #tpu.memory_space<vmem>> -> memref<200xi32, #tpu.memory_space<vmem>>
    %dma_wait3A_76 = arith.constant 0 : i32
    %dma_wait3A_77 = arith.constant 0 : i32
    %dma_wait3A_78 = tpu.memref_slice %arg8[%dma_wait3A_76, %dma_wait3A_77] : memref<10240x16xf32, #tpu.memory_space<vmem_shared>> -> memref<10240x16xf32, #tpu.memory_space<vmem_shared>>
    tpu.wait_indirect_dma semaphore(%arg9 : memref<!tpu.dma_semaphore, #tpu.memory_space<semaphore_mem>>) src(%dma_wait3A_73 : memref<200x16xf32, #tpu.memory_space<vmem>>) dst(%dma_wait3A_78 : memref<10240x16xf32, #tpu.memory_space<vmem_shared>>)
    %dma_wait3A_79 = arith.constant 0 : i32
    %dma_wait3A_80 = arith.constant 0 : i32
    %dma_wait3A_81 = tpu.memref_slice %arg5[%dma_wait3A_79, %dma_wait3A_80] : memref<320x16xf32, #tpu.memory_space<vmem>> -> memref<200x16xf32, #tpu.memory_space<vmem>>
    %dma_wait3A_82 = arith.constant 9600 : i32
    %dma_wait3A_83 = tpu.memref_slice %arg4[%dma_wait3A_82] : memref<10000xi32, #tpu.memory_space<vmem>> -> memref<200xi32, #tpu.memory_space<vmem>>
    %dma_wait3A_84 = arith.constant 0 : i32
    %dma_wait3A_85 = arith.constant 0 : i32
    %dma_wait3A_86 = tpu.memref_slice %arg8[%dma_wait3A_84, %dma_wait3A_85] : memref<10240x16xf32, #tpu.memory_space<vmem_shared>> -> memref<10240x16xf32, #tpu.memory_space<vmem_shared>>
    tpu.wait_indirect_dma semaphore(%arg9 : memref<!tpu.dma_semaphore, #tpu.memory_space<semaphore_mem>>) src(%dma_wait3A_81 : memref<200x16xf32, #tpu.memory_space<vmem>>) dst(%dma_wait3A_86 : memref<10240x16xf32, #tpu.memory_space<vmem_shared>>)
    %dma_wait3A_87 = arith.constant 0 : i32
    %dma_wait3A_88 = arith.constant 0 : i32
    %dma_wait3A_89 = tpu.memref_slice %arg5[%dma_wait3A_87, %dma_wait3A_88] : memref<320x16xf32, #tpu.memory_space<vmem>> -> memref<200x16xf32, #tpu.memory_space<vmem>>
    %dma_wait3A_90 = arith.constant 9800 : i32
    %dma_wait3A_91 = tpu.memref_slice %arg4[%dma_wait3A_90] : memref<10000xi32, #tpu.memory_space<vmem>> -> memref<200xi32, #tpu.memory_space<vmem>>
    %dma_wait3A_92 = arith.constant 0 : i32
    %dma_wait3A_93 = arith.constant 0 : i32
    %dma_wait3A_94 = tpu.memref_slice %arg8[%dma_wait3A_92, %dma_wait3A_93] : memref<10240x16xf32, #tpu.memory_space<vmem_shared>> -> memref<10240x16xf32, #tpu.memory_space<vmem_shared>>
    tpu.wait_indirect_dma semaphore(%arg9 : memref<!tpu.dma_semaphore, #tpu.memory_space<semaphore_mem>>) src(%dma_wait3A_89 : memref<200x16xf32, #tpu.memory_space<vmem>>) dst(%dma_wait3A_94 : memref<10240x16xf32, #tpu.memory_space<vmem_shared>>)
    %dma_wait3A_95 = arith.constant 0 : i32
    %dma_wait3A_96 = arith.constant 0 : i32
    %dma_wait3A_97 = tpu.memref_slice %arg8[%dma_wait3A_95, %dma_wait3A_96] : memref<10240x16xf32, #tpu.memory_space<vmem_shared>> -> memref<10240x16xf32, #tpu.memory_space<vmem_shared>>
    tpu.wait_indirect_dma semaphore(%arg9 : memref<!tpu.dma_semaphore, #tpu.memory_space<semaphore_mem>>) src(%arg5 : memref<320x16xf32, #tpu.memory_space<vmem>>) dst(%dma_wait3A_97 : memref<10240x16xf32, #tpu.memory_space<vmem_shared>>)
    %barrier3A_98 = arith.constant 0 : index
    tpu.barrier barrier_id(%barrier3A_98)
    %mul3A_99 = arith.constant 640 : i32
    %mul3A_100 = arith.muli %arg1, %mul3A_99 : i32
    %mul3A_101 = arith.constant 640 : i32
    %mul3A_102 = arith.muli %arg1, %mul3A_101 : i32
    "tpu.region"() ({
      %run_scoped3A_103 = tpu.sem_alloc : memref<!tpu.dma_semaphore, #tpu.memory_space<semaphore_mem>>
      %dma_start3A_104 = arith.constant 0 : i32
      %dma_start3A_105 = tpu.memref_slice %arg3[%arg0, %mul3A_102, %dma_start3A_104] : memref<2x10240x16xf32, #tpu.memory_space<hbm>> -> memref<1x640x16xf32, #tpu.memory_space<hbm>>
      %dma_start3A_106 = tpu.memref_squeeze %dma_start3A_105 : memref<1x640x16xf32, #tpu.memory_space<hbm>> -> memref<640x16xf32, #tpu.memory_space<hbm>>
      %dma_start3A_107 = arith.constant 0 : i32
      %dma_start3A_108 = tpu.memref_slice %arg8[%mul3A_100, %dma_start3A_107] : memref<10240x16xf32, #tpu.memory_space<vmem_shared>> -> memref<640x16xf32, #tpu.memory_space<vmem_shared>>
      tpu.enqueue_dma source(%dma_start3A_108 : memref<640x16xf32, #tpu.memory_space<vmem_shared>>) target(%dma_start3A_106 : memref<640x16xf32, #tpu.memory_space<hbm>>) target_semaphore(%run_scoped3A_103 : memref<!tpu.dma_semaphore, #tpu.memory_space<semaphore_mem>>)
      %dma_wait3A_109 = arith.constant 0 : i32
      %dma_wait3A_110 = tpu.memref_slice %arg3[%arg0, %mul3A_102, %dma_wait3A_109] : memref<2x10240x16xf32, #tpu.memory_space<hbm>> -> memref<1x640x16xf32, #tpu.memory_space<hbm>>
      %dma_wait3A_111 = tpu.memref_squeeze %dma_wait3A_110 : memref<1x640x16xf32, #tpu.memory_space<hbm>> -> memref<640x16xf32, #tpu.memory_space<hbm>>
      %dma_wait3A_112 = arith.constant 0 : i32
      %dma_wait3A_113 = tpu.memref_slice %arg8[%mul3A_100, %dma_wait3A_112] : memref<10240x16xf32, #tpu.memory_space<vmem_shared>> -> memref<640x16xf32, #tpu.memory_space<vmem_shared>>
      tpu.wait_dma2 semaphore(%run_scoped3A_103 : memref<!tpu.dma_semaphore, #tpu.memory_space<semaphore_mem>>) src(%dma_wait3A_113 : memref<640x16xf32, #tpu.memory_space<vmem_shared>>) dst(%dma_wait3A_111 : memref<640x16xf32, #tpu.memory_space<hbm>>)
      tpu.yield
    }) : () -> ()
    return
  }
}

#map = affine_map<(d0, d1) -> (0, 0)>
#map1 = affine_map<(d0, d1) -> (0, 0, 0)>
module attributes {stable_mosaic.version = 14 : i64} {
  func.func @_prop_pass(%arg0: i32, %arg1: i32, %arg2: memref<10240x16xf32, #tpu.memory_space<hbm>>, %arg3: memref<2x320000xi32, #tpu.memory_space<hbm>>, %arg4: memref<2x10240x16xf32, #tpu.memory_space<hbm>>, %arg5: memref<10000xi32, #tpu.memory_space<vmem>>, %arg6: memref<10000xi32, #tpu.memory_space<vmem>>, %arg7: memref<16x200x16xf32, #tpu.memory_space<vmem>>, %arg8: memref<320x16xf32, #tpu.memory_space<vmem>>, %arg9: memref<320xi32, #tpu.memory_space<vmem>>, %arg10: memref<640x16xf32, #tpu.memory_space<vmem>>, %arg11: memref<10240x16xf32, #tpu.memory_space<vmem_shared>>, %arg12: memref<!tpu.dma_semaphore, #tpu.memory_space<semaphore_mem>>, %arg13: memref<!tpu.dma_semaphore, #tpu.memory_space<semaphore_mem>>) attributes {dimension_semantics = [#tpu.dimension_semantics<core_parallel>, #tpu.dimension_semantics<subcore_parallel>], iteration_bounds = array<i64: 2, 16>, scalar_prefetch = 0 : i64, scratch_operands = 9 : i64, tpu.core_type = #tpu.core_type<sc_vector_subcore>, window_params = [{transform_indices = #map}, {transform_indices = #map}, {transform_indices = #map1}]} {
    %mul3A = arith.constant 16 : i32
    %mul3A_0 = arith.muli %arg0, %mul3A : i32
    %add3A = arith.addi %mul3A_0, %arg1 : i32
    %scan3A = arith.constant 0 : i32
    %scan3A_1 = arith.constant 0 : i32
    %scan3A_2 = arith.constant 640 : i32
    %scan3A_3 = arith.addi %scan3A_1, %scan3A_2 : i32
    %scan3A_4 = arith.constant 1 : i32
    scf.for %scan3A_198 = %scan3A_1 to %scan3A_3 step %scan3A_4  : i32 {
      %broadcast_in_dim3A = arith.constant 0.000000e+00 : f32
      %broadcast_in_dim3A_199 = vector.broadcast %broadcast_in_dim3A : f32 to vector<16xf32>
      %swap3A = arith.index_cast %scan3A_198 : i32 to index
      %swap3A_200 = arith.constant 0 : index
      %swap3A_201 = tpu.vector_load %arg10[%swap3A, %swap3A_200] {strides = array<i32>} : memref<640x16xf32, #tpu.memory_space<vmem>>, vector<1x16xf32>,
      %swap3A_202 = vector.shape_cast %swap3A_201 : vector<1x16xf32> to vector<16xf32>
      %swap3A_203 = vector.shape_cast %broadcast_in_dim3A_199 : vector<16xf32> to vector<1x16xf32>
      tpu.vector_store %arg10[%swap3A, %swap3A_200], %swap3A_203 {strides = array<i32>} : memref<640x16xf32, #tpu.memory_space<vmem>>, vector<1x16xf32>,
    }
    %scan3A_5 = arith.constant 640 : i32
    %mul3A_6 = arith.constant 640 : i32
    %mul3A_7 = arith.muli %arg1, %mul3A_6 : i32
    "tpu.region"() ({
      %run_scoped3A_198 = tpu.sem_alloc : memref<!tpu.dma_semaphore, #tpu.memory_space<semaphore_mem>>
      %dma_start3A_199 = arith.constant 0 : i32
      %dma_start3A_200 = tpu.memref_slice %arg11[%mul3A_7, %dma_start3A_199] : memref<10240x16xf32, #tpu.memory_space<vmem_shared>> -> memref<640x16xf32, #tpu.memory_space<vmem_shared>>
      %dma_start3A_201 = arith.constant 0 : i32
      %dma_start3A_202 = tpu.memref_slice %arg11[%mul3A_7, %dma_start3A_201] : memref<10240x16xf32, #tpu.memory_space<vmem_shared>> -> memref<640x16xf32, #tpu.memory_space<vmem_shared>>
      tpu.enqueue_dma source(%arg10 : memref<640x16xf32, #tpu.memory_space<vmem>>) target(%dma_start3A_202 : memref<640x16xf32, #tpu.memory_space<vmem_shared>>) target_semaphore(%run_scoped3A_198 : memref<!tpu.dma_semaphore, #tpu.memory_space<semaphore_mem>>)
      %dma_wait3A_203 = arith.constant 0 : i32
      %dma_wait3A_204 = tpu.memref_slice %arg11[%mul3A_7, %dma_wait3A_203] : memref<10240x16xf32, #tpu.memory_space<vmem_shared>> -> memref<640x16xf32, #tpu.memory_space<vmem_shared>>
      %dma_wait3A_205 = arith.constant 0 : i32
      %dma_wait3A_206 = tpu.memref_slice %arg11[%mul3A_7, %dma_wait3A_205] : memref<10240x16xf32, #tpu.memory_space<vmem_shared>> -> memref<640x16xf32, #tpu.memory_space<vmem_shared>>
      tpu.wait_dma2 semaphore(%run_scoped3A_198 : memref<!tpu.dma_semaphore, #tpu.memory_space<semaphore_mem>>) src(%arg10 : memref<640x16xf32, #tpu.memory_space<vmem>>) dst(%dma_wait3A_206 : memref<640x16xf32, #tpu.memory_space<vmem_shared>>)
      tpu.yield
    }) : () -> ()
    %mul3A_8 = arith.constant 10000 : i32
    %mul3A_9 = arith.muli %add3A, %mul3A_8 : i32
    %run_scoped3A = arith.constant 0 : i32
    "tpu.region"() ({
      %run_scoped3A_198 = tpu.sem_alloc : memref<!tpu.dma_semaphore, #tpu.memory_space<semaphore_mem>>
      %dma_start3A_199 = tpu.memref_slice %arg3[%run_scoped3A, %mul3A_9] : memref<2x320000xi32, #tpu.memory_space<hbm>> -> memref<1x10000xi32, #tpu.memory_space<hbm>>
      %dma_start3A_200 = tpu.memref_squeeze %dma_start3A_199 : memref<1x10000xi32, #tpu.memory_space<hbm>> -> memref<10000xi32, #tpu.memory_space<hbm>>
      %dma_start3A_201 = tpu.memref_slice %arg3[%run_scoped3A, %mul3A_9] : memref<2x320000xi32, #tpu.memory_space<hbm>> -> memref<1x10000xi32, #tpu.memory_space<hbm>>
      %dma_start3A_202 = tpu.memref_squeeze %dma_start3A_201 : memref<1x10000xi32, #tpu.memory_space<hbm>> -> memref<10000xi32, #tpu.memory_space<hbm>>
      tpu.enqueue_dma source(%dma_start3A_202 : memref<10000xi32, #tpu.memory_space<hbm>>) target(%arg5 : memref<10000xi32, #tpu.memory_space<vmem>>) target_semaphore(%run_scoped3A_198 : memref<!tpu.dma_semaphore, #tpu.memory_space<semaphore_mem>>)
      %dma_wait3A_203 = tpu.memref_slice %arg3[%run_scoped3A, %mul3A_9] : memref<2x320000xi32, #tpu.memory_space<hbm>> -> memref<1x10000xi32, #tpu.memory_space<hbm>>
      %dma_wait3A_204 = tpu.memref_squeeze %dma_wait3A_203 : memref<1x10000xi32, #tpu.memory_space<hbm>> -> memref<10000xi32, #tpu.memory_space<hbm>>
      %dma_wait3A_205 = tpu.memref_slice %arg3[%run_scoped3A, %mul3A_9] : memref<2x320000xi32, #tpu.memory_space<hbm>> -> memref<1x10000xi32, #tpu.memory_space<hbm>>
      %dma_wait3A_206 = tpu.memref_squeeze %dma_wait3A_205 : memref<1x10000xi32, #tpu.memory_space<hbm>> -> memref<10000xi32, #tpu.memory_space<hbm>>
      tpu.wait_dma2 semaphore(%run_scoped3A_198 : memref<!tpu.dma_semaphore, #tpu.memory_space<semaphore_mem>>) src(%dma_wait3A_206 : memref<10000xi32, #tpu.memory_space<hbm>>) dst(%arg5 : memref<10000xi32, #tpu.memory_space<vmem>>)
      tpu.yield
    }) : () -> ()
    %mul3A_10 = arith.constant 10000 : i32
    %mul3A_11 = arith.muli %add3A, %mul3A_10 : i32
    %run_scoped3A_12 = arith.constant 1 : i32
    "tpu.region"() ({
      %run_scoped3A_198 = tpu.sem_alloc : memref<!tpu.dma_semaphore, #tpu.memory_space<semaphore_mem>>
      %dma_start3A_199 = tpu.memref_slice %arg3[%run_scoped3A_12, %mul3A_11] : memref<2x320000xi32, #tpu.memory_space<hbm>> -> memref<1x10000xi32, #tpu.memory_space<hbm>>
      %dma_start3A_200 = tpu.memref_squeeze %dma_start3A_199 : memref<1x10000xi32, #tpu.memory_space<hbm>> -> memref<10000xi32, #tpu.memory_space<hbm>>
      %dma_start3A_201 = tpu.memref_slice %arg3[%run_scoped3A_12, %mul3A_11] : memref<2x320000xi32, #tpu.memory_space<hbm>> -> memref<1x10000xi32, #tpu.memory_space<hbm>>
      %dma_start3A_202 = tpu.memref_squeeze %dma_start3A_201 : memref<1x10000xi32, #tpu.memory_space<hbm>> -> memref<10000xi32, #tpu.memory_space<hbm>>
      tpu.enqueue_dma source(%dma_start3A_202 : memref<10000xi32, #tpu.memory_space<hbm>>) target(%arg6 : memref<10000xi32, #tpu.memory_space<vmem>>) target_semaphore(%run_scoped3A_198 : memref<!tpu.dma_semaphore, #tpu.memory_space<semaphore_mem>>)
      %dma_wait3A_203 = tpu.memref_slice %arg3[%run_scoped3A_12, %mul3A_11] : memref<2x320000xi32, #tpu.memory_space<hbm>> -> memref<1x10000xi32, #tpu.memory_space<hbm>>
      %dma_wait3A_204 = tpu.memref_squeeze %dma_wait3A_203 : memref<1x10000xi32, #tpu.memory_space<hbm>> -> memref<10000xi32, #tpu.memory_space<hbm>>
      %dma_wait3A_205 = tpu.memref_slice %arg3[%run_scoped3A_12, %mul3A_11] : memref<2x320000xi32, #tpu.memory_space<hbm>> -> memref<1x10000xi32, #tpu.memory_space<hbm>>
      %dma_wait3A_206 = tpu.memref_squeeze %dma_wait3A_205 : memref<1x10000xi32, #tpu.memory_space<hbm>> -> memref<10000xi32, #tpu.memory_space<hbm>>
      tpu.wait_dma2 semaphore(%run_scoped3A_198 : memref<!tpu.dma_semaphore, #tpu.memory_space<semaphore_mem>>) src(%dma_wait3A_206 : memref<10000xi32, #tpu.memory_space<hbm>>) dst(%arg6 : memref<10000xi32, #tpu.memory_space<vmem>>)
      tpu.yield
    }) : () -> ()
    %mul3A_13 = arith.constant 320 : i32
    %mul3A_14 = arith.muli %add3A, %mul3A_13 : i32
    "tpu.region"() ({
      %run_scoped3A_198 = tpu.sem_alloc : memref<!tpu.dma_semaphore, #tpu.memory_space<semaphore_mem>>
      %dma_start3A_199 = arith.constant 0 : i32
      %dma_start3A_200 = tpu.memref_slice %arg2[%mul3A_14, %dma_start3A_199] : memref<10240x16xf32, #tpu.memory_space<hbm>> -> memref<320x16xf32, #tpu.memory_space<hbm>>
      %dma_start3A_201 = arith.constant 0 : i32
      %dma_start3A_202 = tpu.memref_slice %arg2[%mul3A_14, %dma_start3A_201] : memref<10240x16xf32, #tpu.memory_space<hbm>> -> memref<320x16xf32, #tpu.memory_space<hbm>>
      tpu.enqueue_dma source(%dma_start3A_202 : memref<320x16xf32, #tpu.memory_space<hbm>>) target(%arg8 : memref<320x16xf32, #tpu.memory_space<vmem>>) target_semaphore(%run_scoped3A_198 : memref<!tpu.dma_semaphore, #tpu.memory_space<semaphore_mem>>)
      %dma_wait3A_203 = arith.constant 0 : i32
      %dma_wait3A_204 = tpu.memref_slice %arg2[%mul3A_14, %dma_wait3A_203] : memref<10240x16xf32, #tpu.memory_space<hbm>> -> memref<320x16xf32, #tpu.memory_space<hbm>>
      %dma_wait3A_205 = arith.constant 0 : i32
      %dma_wait3A_206 = tpu.memref_slice %arg2[%mul3A_14, %dma_wait3A_205] : memref<10240x16xf32, #tpu.memory_space<hbm>> -> memref<320x16xf32, #tpu.memory_space<hbm>>
      tpu.wait_dma2 semaphore(%run_scoped3A_198 : memref<!tpu.dma_semaphore, #tpu.memory_space<semaphore_mem>>) src(%dma_wait3A_206 : memref<320x16xf32, #tpu.memory_space<hbm>>) dst(%arg8 : memref<320x16xf32, #tpu.memory_space<vmem>>)
      tpu.yield
    }) : () -> ()
    %mul3A_15 = arith.constant 320 : i32
    %mul3A_16 = arith.muli %add3A, %mul3A_15 : i32
    %scan3A_17 = arith.constant 0 : i32
    %scan3A_18 = arith.constant 0 : i32
    %scan3A_19 = arith.constant 20 : i32
    %scan3A_20 = arith.addi %scan3A_18, %scan3A_19 : i32
    %scan3A_21 = arith.constant 1 : i32
    scf.for %scan3A_198 = %scan3A_18 to %scan3A_20 step %scan3A_21  : i32 {
      %mul3A_199 = arith.constant 16 : i32
      %mul3A_200 = arith.muli %scan3A_198, %mul3A_199 : i32
      %add3A_201 = arith.addi %mul3A_16, %mul3A_200 : i32
      %iota3A = tpu.iota {dimensions = array<i32: 0>} : vector<16xi32>
      %add3A_202 = vector.broadcast %add3A_201 : i32 to vector<16xi32>
      %add3A_203 = arith.addi %add3A_202, %iota3A : vector<16xi32>
      %mul3A_204 = arith.constant 16 : i32
      %mul3A_205 = arith.muli %scan3A_198, %mul3A_204 : i32
      %swap3A = arith.index_cast %mul3A_205 : i32 to index
      %swap3A_206 = tpu.vector_load %arg9[%swap3A] {strides = array<i32>} : memref<320xi32, #tpu.memory_space<vmem>>, vector<16xi32>,
      %swap3A_207 = vector.shape_cast %swap3A_206 : vector<16xi32> to vector<16xi32>
      %swap3A_208 = vector.shape_cast %add3A_203 : vector<16xi32> to vector<16xi32>
      tpu.vector_store %arg9[%swap3A], %swap3A_208 {strides = array<i32>} : memref<320xi32, #tpu.memory_space<vmem>>, vector<16xi32>,
    }
    %scan3A_22 = arith.constant 20 : i32
    %barrier3A = arith.constant 0 : index
    tpu.barrier barrier_id(%barrier3A)
    %dma_start3A = arith.constant 0 : i32
    %dma_start3A_23 = arith.constant 0 : i32
    %dma_start3A_24 = arith.constant 0 : i32
    %dma_start3A_25 = tpu.memref_slice %arg7[%dma_start3A, %dma_start3A_23, %dma_start3A_24] : memref<16x200x16xf32, #tpu.memory_space<vmem>> -> memref<1x200x16xf32, #tpu.memory_space<vmem>>
    %dma_start3A_26 = tpu.memref_squeeze %dma_start3A_25 : memref<1x200x16xf32, #tpu.memory_space<vmem>> -> memref<200x16xf32, #tpu.memory_space<vmem>>
    %dma_start3A_27 = arith.constant 0 : i32
    %dma_start3A_28 = tpu.memref_slice %arg5[%dma_start3A_27] : memref<10000xi32, #tpu.memory_space<vmem>> -> memref<200xi32, #tpu.memory_space<vmem>>
    %dma_start3A_29 = arith.constant 0 : i32
    %dma_start3A_30 = arith.constant 0 : i32
    %dma_start3A_31 = tpu.memref_slice %arg2[%dma_start3A_29, %dma_start3A_30] : memref<10240x16xf32, #tpu.memory_space<hbm>> -> memref<10240x16xf32, #tpu.memory_space<hbm>>
    tpu.enqueue_indirect_dma source(%dma_start3A_31 : memref<10240x16xf32, #tpu.memory_space<hbm>>) target(%dma_start3A_26 : memref<200x16xf32, #tpu.memory_space<vmem>>) offsets(%dma_start3A_28 : memref<200xi32, #tpu.memory_space<vmem>>) semaphore(%arg12 : memref<!tpu.dma_semaphore, #tpu.memory_space<semaphore_mem>>)
    %dma_start3A_32 = arith.constant 1 : i32
    %dma_start3A_33 = arith.constant 0 : i32
    %dma_start3A_34 = arith.constant 0 : i32
    %dma_start3A_35 = tpu.memref_slice %arg7[%dma_start3A_32, %dma_start3A_33, %dma_start3A_34] : memref<16x200x16xf32, #tpu.memory_space<vmem>> -> memref<1x200x16xf32, #tpu.memory_space<vmem>>
    %dma_start3A_36 = tpu.memref_squeeze %dma_start3A_35 : memref<1x200x16xf32, #tpu.memory_space<vmem>> -> memref<200x16xf32, #tpu.memory_space<vmem>>
    %dma_start3A_37 = arith.constant 200 : i32
    %dma_start3A_38 = tpu.memref_slice %arg5[%dma_start3A_37] : memref<10000xi32, #tpu.memory_space<vmem>> -> memref<200xi32, #tpu.memory_space<vmem>>
    %dma_start3A_39 = arith.constant 0 : i32
    %dma_start3A_40 = arith.constant 0 : i32
    %dma_start3A_41 = tpu.memref_slice %arg2[%dma_start3A_39, %dma_start3A_40] : memref<10240x16xf32, #tpu.memory_space<hbm>> -> memref<10240x16xf32, #tpu.memory_space<hbm>>
    tpu.enqueue_indirect_dma source(%dma_start3A_41 : memref<10240x16xf32, #tpu.memory_space<hbm>>) target(%dma_start3A_36 : memref<200x16xf32, #tpu.memory_space<vmem>>) offsets(%dma_start3A_38 : memref<200xi32, #tpu.memory_space<vmem>>) semaphore(%arg12 : memref<!tpu.dma_semaphore, #tpu.memory_space<semaphore_mem>>)
    %dma_start3A_42 = arith.constant 2 : i32
    %dma_start3A_43 = arith.constant 0 : i32
    %dma_start3A_44 = arith.constant 0 : i32
    %dma_start3A_45 = tpu.memref_slice %arg7[%dma_start3A_42, %dma_start3A_43, %dma_start3A_44] : memref<16x200x16xf32, #tpu.memory_space<vmem>> -> memref<1x200x16xf32, #tpu.memory_space<vmem>>
    %dma_start3A_46 = tpu.memref_squeeze %dma_start3A_45 : memref<1x200x16xf32, #tpu.memory_space<vmem>> -> memref<200x16xf32, #tpu.memory_space<vmem>>
    %dma_start3A_47 = arith.constant 400 : i32
    %dma_start3A_48 = tpu.memref_slice %arg5[%dma_start3A_47] : memref<10000xi32, #tpu.memory_space<vmem>> -> memref<200xi32, #tpu.memory_space<vmem>>
    %dma_start3A_49 = arith.constant 0 : i32
    %dma_start3A_50 = arith.constant 0 : i32
    %dma_start3A_51 = tpu.memref_slice %arg2[%dma_start3A_49, %dma_start3A_50] : memref<10240x16xf32, #tpu.memory_space<hbm>> -> memref<10240x16xf32, #tpu.memory_space<hbm>>
    tpu.enqueue_indirect_dma source(%dma_start3A_51 : memref<10240x16xf32, #tpu.memory_space<hbm>>) target(%dma_start3A_46 : memref<200x16xf32, #tpu.memory_space<vmem>>) offsets(%dma_start3A_48 : memref<200xi32, #tpu.memory_space<vmem>>) semaphore(%arg12 : memref<!tpu.dma_semaphore, #tpu.memory_space<semaphore_mem>>)
    %dma_start3A_52 = arith.constant 3 : i32
    %dma_start3A_53 = arith.constant 0 : i32
    %dma_start3A_54 = arith.constant 0 : i32
    %dma_start3A_55 = tpu.memref_slice %arg7[%dma_start3A_52, %dma_start3A_53, %dma_start3A_54] : memref<16x200x16xf32, #tpu.memory_space<vmem>> -> memref<1x200x16xf32, #tpu.memory_space<vmem>>
    %dma_start3A_56 = tpu.memref_squeeze %dma_start3A_55 : memref<1x200x16xf32, #tpu.memory_space<vmem>> -> memref<200x16xf32, #tpu.memory_space<vmem>>
    %dma_start3A_57 = arith.constant 600 : i32
    %dma_start3A_58 = tpu.memref_slice %arg5[%dma_start3A_57] : memref<10000xi32, #tpu.memory_space<vmem>> -> memref<200xi32, #tpu.memory_space<vmem>>
    %dma_start3A_59 = arith.constant 0 : i32
    %dma_start3A_60 = arith.constant 0 : i32
    %dma_start3A_61 = tpu.memref_slice %arg2[%dma_start3A_59, %dma_start3A_60] : memref<10240x16xf32, #tpu.memory_space<hbm>> -> memref<10240x16xf32, #tpu.memory_space<hbm>>
    tpu.enqueue_indirect_dma source(%dma_start3A_61 : memref<10240x16xf32, #tpu.memory_space<hbm>>) target(%dma_start3A_56 : memref<200x16xf32, #tpu.memory_space<vmem>>) offsets(%dma_start3A_58 : memref<200xi32, #tpu.memory_space<vmem>>) semaphore(%arg12 : memref<!tpu.dma_semaphore, #tpu.memory_space<semaphore_mem>>)
    %dma_start3A_62 = arith.constant 4 : i32
    %dma_start3A_63 = arith.constant 0 : i32
    %dma_start3A_64 = arith.constant 0 : i32
    %dma_start3A_65 = tpu.memref_slice %arg7[%dma_start3A_62, %dma_start3A_63, %dma_start3A_64] : memref<16x200x16xf32, #tpu.memory_space<vmem>> -> memref<1x200x16xf32, #tpu.memory_space<vmem>>
    %dma_start3A_66 = tpu.memref_squeeze %dma_start3A_65 : memref<1x200x16xf32, #tpu.memory_space<vmem>> -> memref<200x16xf32, #tpu.memory_space<vmem>>
    %dma_start3A_67 = arith.constant 800 : i32
    %dma_start3A_68 = tpu.memref_slice %arg5[%dma_start3A_67] : memref<10000xi32, #tpu.memory_space<vmem>> -> memref<200xi32, #tpu.memory_space<vmem>>
    %dma_start3A_69 = arith.constant 0 : i32
    %dma_start3A_70 = arith.constant 0 : i32
    %dma_start3A_71 = tpu.memref_slice %arg2[%dma_start3A_69, %dma_start3A_70] : memref<10240x16xf32, #tpu.memory_space<hbm>> -> memref<10240x16xf32, #tpu.memory_space<hbm>>
    tpu.enqueue_indirect_dma source(%dma_start3A_71 : memref<10240x16xf32, #tpu.memory_space<hbm>>) target(%dma_start3A_66 : memref<200x16xf32, #tpu.memory_space<vmem>>) offsets(%dma_start3A_68 : memref<200xi32, #tpu.memory_space<vmem>>) semaphore(%arg12 : memref<!tpu.dma_semaphore, #tpu.memory_space<semaphore_mem>>)
    %dma_start3A_72 = arith.constant 5 : i32
    %dma_start3A_73 = arith.constant 0 : i32
    %dma_start3A_74 = arith.constant 0 : i32
    %dma_start3A_75 = tpu.memref_slice %arg7[%dma_start3A_72, %dma_start3A_73, %dma_start3A_74] : memref<16x200x16xf32, #tpu.memory_space<vmem>> -> memref<1x200x16xf32, #tpu.memory_space<vmem>>
    %dma_start3A_76 = tpu.memref_squeeze %dma_start3A_75 : memref<1x200x16xf32, #tpu.memory_space<vmem>> -> memref<200x16xf32, #tpu.memory_space<vmem>>
    %dma_start3A_77 = arith.constant 1000 : i32
    %dma_start3A_78 = tpu.memref_slice %arg5[%dma_start3A_77] : memref<10000xi32, #tpu.memory_space<vmem>> -> memref<200xi32, #tpu.memory_space<vmem>>
    %dma_start3A_79 = arith.constant 0 : i32
    %dma_start3A_80 = arith.constant 0 : i32
    %dma_start3A_81 = tpu.memref_slice %arg2[%dma_start3A_79, %dma_start3A_80] : memref<10240x16xf32, #tpu.memory_space<hbm>> -> memref<10240x16xf32, #tpu.memory_space<hbm>>
    tpu.enqueue_indirect_dma source(%dma_start3A_81 : memref<10240x16xf32, #tpu.memory_space<hbm>>) target(%dma_start3A_76 : memref<200x16xf32, #tpu.memory_space<vmem>>) offsets(%dma_start3A_78 : memref<200xi32, #tpu.memory_space<vmem>>) semaphore(%arg12 : memref<!tpu.dma_semaphore, #tpu.memory_space<semaphore_mem>>)
    %dma_start3A_82 = arith.constant 6 : i32
    %dma_start3A_83 = arith.constant 0 : i32
    %dma_start3A_84 = arith.constant 0 : i32
    %dma_start3A_85 = tpu.memref_slice %arg7[%dma_start3A_82, %dma_start3A_83, %dma_start3A_84] : memref<16x200x16xf32, #tpu.memory_space<vmem>> -> memref<1x200x16xf32, #tpu.memory_space<vmem>>
    %dma_start3A_86 = tpu.memref_squeeze %dma_start3A_85 : memref<1x200x16xf32, #tpu.memory_space<vmem>> -> memref<200x16xf32, #tpu.memory_space<vmem>>
    %dma_start3A_87 = arith.constant 1200 : i32
    %dma_start3A_88 = tpu.memref_slice %arg5[%dma_start3A_87] : memref<10000xi32, #tpu.memory_space<vmem>> -> memref<200xi32, #tpu.memory_space<vmem>>
    %dma_start3A_89 = arith.constant 0 : i32
    %dma_start3A_90 = arith.constant 0 : i32
    %dma_start3A_91 = tpu.memref_slice %arg2[%dma_start3A_89, %dma_start3A_90] : memref<10240x16xf32, #tpu.memory_space<hbm>> -> memref<10240x16xf32, #tpu.memory_space<hbm>>
    tpu.enqueue_indirect_dma source(%dma_start3A_91 : memref<10240x16xf32, #tpu.memory_space<hbm>>) target(%dma_start3A_86 : memref<200x16xf32, #tpu.memory_space<vmem>>) offsets(%dma_start3A_88 : memref<200xi32, #tpu.memory_space<vmem>>) semaphore(%arg12 : memref<!tpu.dma_semaphore, #tpu.memory_space<semaphore_mem>>)
    %dma_start3A_92 = arith.constant 7 : i32
    %dma_start3A_93 = arith.constant 0 : i32
    %dma_start3A_94 = arith.constant 0 : i32
    %dma_start3A_95 = tpu.memref_slice %arg7[%dma_start3A_92, %dma_start3A_93, %dma_start3A_94] : memref<16x200x16xf32, #tpu.memory_space<vmem>> -> memref<1x200x16xf32, #tpu.memory_space<vmem>>
    %dma_start3A_96 = tpu.memref_squeeze %dma_start3A_95 : memref<1x200x16xf32, #tpu.memory_space<vmem>> -> memref<200x16xf32, #tpu.memory_space<vmem>>
    %dma_start3A_97 = arith.constant 1400 : i32
    %dma_start3A_98 = tpu.memref_slice %arg5[%dma_start3A_97] : memref<10000xi32, #tpu.memory_space<vmem>> -> memref<200xi32, #tpu.memory_space<vmem>>
    %dma_start3A_99 = arith.constant 0 : i32
    %dma_start3A_100 = arith.constant 0 : i32
    %dma_start3A_101 = tpu.memref_slice %arg2[%dma_start3A_99, %dma_start3A_100] : memref<10240x16xf32, #tpu.memory_space<hbm>> -> memref<10240x16xf32, #tpu.memory_space<hbm>>
    tpu.enqueue_indirect_dma source(%dma_start3A_101 : memref<10240x16xf32, #tpu.memory_space<hbm>>) target(%dma_start3A_96 : memref<200x16xf32, #tpu.memory_space<vmem>>) offsets(%dma_start3A_98 : memref<200xi32, #tpu.memory_space<vmem>>) semaphore(%arg12 : memref<!tpu.dma_semaphore, #tpu.memory_space<semaphore_mem>>)
    %scan3A_102 = arith.constant 0 : i32
    %scan3A_103 = arith.constant 0 : i32
    %scan3A_104 = arith.constant 50 : i32
    %scan3A_105 = arith.addi %scan3A_103, %scan3A_104 : i32
    %scan3A_106 = arith.constant 1 : i32
    scf.for %scan3A_198 = %scan3A_103 to %scan3A_105 step %scan3A_106  : i32 {
      %rem3A = arith.constant 16 : i32
      %rem3A_199 = arith.remsi %scan3A_198, %rem3A : i32
      %ge3A = arith.constant 8 : i32
      %ge3A_200 = arith.cmpi sge, %scan3A_198, %ge3A : i32
      %convert_element_type3A = arith.extui %ge3A_200 : i1 to i32
      %cond3A = arith.constant 0 : i32
      %cond3A_201 = arith.cmpi ne, %convert_element_type3A, %cond3A : i32
      scf.if %cond3A_201 {
        %sub3A = arith.constant 8 : i32
        %sub3A_228 = arith.subi %scan3A_198, %sub3A : i32
        %rem3A_229 = arith.constant 16 : i32
        %rem3A_230 = arith.remsi %sub3A_228, %rem3A_229 : i32
        %mul3A_231 = arith.constant 200 : i32
        %mul3A_232 = arith.muli %sub3A_228, %mul3A_231 : i32
        %dma_wait3A_233 = arith.constant 0 : i32
        %dma_wait3A_234 = arith.constant 0 : i32
        %dma_wait3A_235 = tpu.memref_slice %arg7[%rem3A_230, %dma_wait3A_233, %dma_wait3A_234] : memref<16x200x16xf32, #tpu.memory_space<vmem>> -> memref<1x200x16xf32, #tpu.memory_space<vmem>>
        %dma_wait3A_236 = tpu.memref_squeeze %dma_wait3A_235 : memref<1x200x16xf32, #tpu.memory_space<vmem>> -> memref<200x16xf32, #tpu.memory_space<vmem>>
        %dma_wait3A_237 = tpu.memref_slice %arg6[%mul3A_232] : memref<10000xi32, #tpu.memory_space<vmem>> -> memref<200xi32, #tpu.memory_space<vmem>>
        %dma_wait3A_238 = arith.constant 0 : i32
        %dma_wait3A_239 = arith.constant 0 : i32
        %dma_wait3A_240 = tpu.memref_slice %arg11[%dma_wait3A_238, %dma_wait3A_239] : memref<10240x16xf32, #tpu.memory_space<vmem_shared>> -> memref<10240x16xf32, #tpu.memory_space<vmem_shared>>
        tpu.wait_indirect_dma semaphore(%arg13 : memref<!tpu.dma_semaphore, #tpu.memory_space<semaphore_mem>>) src(%dma_wait3A_236 : memref<200x16xf32, #tpu.memory_space<vmem>>) dst(%dma_wait3A_240 : memref<10240x16xf32, #tpu.memory_space<vmem_shared>>)
      } else {
      }
      %mul3A_202 = arith.constant 200 : i32
      %mul3A_203 = arith.muli %scan3A_198, %mul3A_202 : i32
      %dma_wait3A_204 = arith.constant 0 : i32
      %dma_wait3A_205 = arith.constant 0 : i32
      %dma_wait3A_206 = tpu.memref_slice %arg7[%rem3A_199, %dma_wait3A_204, %dma_wait3A_205] : memref<16x200x16xf32, #tpu.memory_space<vmem>> -> memref<1x200x16xf32, #tpu.memory_space<vmem>>
      %dma_wait3A_207 = tpu.memref_squeeze %dma_wait3A_206 : memref<1x200x16xf32, #tpu.memory_space<vmem>> -> memref<200x16xf32, #tpu.memory_space<vmem>>
      %dma_wait3A_208 = tpu.memref_slice %arg5[%mul3A_203] : memref<10000xi32, #tpu.memory_space<vmem>> -> memref<200xi32, #tpu.memory_space<vmem>>
      %dma_wait3A_209 = arith.constant 0 : i32
      %dma_wait3A_210 = arith.constant 0 : i32
      %dma_wait3A_211 = tpu.memref_slice %arg2[%dma_wait3A_209, %dma_wait3A_210] : memref<10240x16xf32, #tpu.memory_space<hbm>> -> memref<10240x16xf32, #tpu.memory_space<hbm>>
      tpu.wait_indirect_dma semaphore(%arg12 : memref<!tpu.dma_semaphore, #tpu.memory_space<semaphore_mem>>) src(%dma_wait3A_211 : memref<10240x16xf32, #tpu.memory_space<hbm>>) dst(%dma_wait3A_207 : memref<200x16xf32, #tpu.memory_space<vmem>>)
      %mul3A_212 = arith.constant 200 : i32
      %mul3A_213 = arith.muli %scan3A_198, %mul3A_212 : i32
      %dma_start3A_214 = arith.constant 0 : i32
      %dma_start3A_215 = arith.constant 0 : i32
      %dma_start3A_216 = tpu.memref_slice %arg7[%rem3A_199, %dma_start3A_214, %dma_start3A_215] : memref<16x200x16xf32, #tpu.memory_space<vmem>> -> memref<1x200x16xf32, #tpu.memory_space<vmem>>
      %dma_start3A_217 = tpu.memref_squeeze %dma_start3A_216 : memref<1x200x16xf32, #tpu.memory_space<vmem>> -> memref<200x16xf32, #tpu.memory_space<vmem>>
      %dma_start3A_218 = tpu.memref_slice %arg6[%mul3A_213] : memref<10000xi32, #tpu.memory_space<vmem>> -> memref<200xi32, #tpu.memory_space<vmem>>
      %dma_start3A_219 = arith.constant 0 : i32
      %dma_start3A_220 = arith.constant 0 : i32
      %dma_start3A_221 = tpu.memref_slice %arg11[%dma_start3A_219, %dma_start3A_220] : memref<10240x16xf32, #tpu.memory_space<vmem_shared>> -> memref<10240x16xf32, #tpu.memory_space<vmem_shared>>
      tpu.enqueue_indirect_dma source(%dma_start3A_217 : memref<200x16xf32, #tpu.memory_space<vmem>>) target(%dma_start3A_221 : memref<10240x16xf32, #tpu.memory_space<vmem_shared>>) offsets(%dma_start3A_218 : memref<200xi32, #tpu.memory_space<vmem>>) semaphore(%arg13 : memref<!tpu.dma_semaphore, #tpu.memory_space<semaphore_mem>>) {add = true}
      %add3A_222 = arith.constant 8 : i32
      %add3A_223 = arith.addi %scan3A_198, %add3A_222 : i32
      %lt3A = arith.constant 50 : i32
      %lt3A_224 = arith.cmpi slt, %add3A_223, %lt3A : i32
      %convert_element_type3A_225 = arith.extui %lt3A_224 : i1 to i32
      %cond3A_226 = arith.constant 0 : i32
      %cond3A_227 = arith.cmpi ne, %convert_element_type3A_225, %cond3A_226 : i32
      scf.if %cond3A_227 {
        %add3A_228 = arith.constant 8 : i32
        %add3A_229 = arith.addi %scan3A_198, %add3A_228 : i32
        %mul3A_230 = arith.constant 200 : i32
        %mul3A_231 = arith.muli %add3A_229, %mul3A_230 : i32
        %rem3A_232 = arith.constant 16 : i32
        %rem3A_233 = arith.remsi %add3A_229, %rem3A_232 : i32
        %dma_start3A_234 = arith.constant 0 : i32
        %dma_start3A_235 = arith.constant 0 : i32
        %dma_start3A_236 = tpu.memref_slice %arg7[%rem3A_233, %dma_start3A_234, %dma_start3A_235] : memref<16x200x16xf32, #tpu.memory_space<vmem>> -> memref<1x200x16xf32, #tpu.memory_space<vmem>>
        %dma_start3A_237 = tpu.memref_squeeze %dma_start3A_236 : memref<1x200x16xf32, #tpu.memory_space<vmem>> -> memref<200x16xf32, #tpu.memory_space<vmem>>
        %dma_start3A_238 = tpu.memref_slice %arg5[%mul3A_231] : memref<10000xi32, #tpu.memory_space<vmem>> -> memref<200xi32, #tpu.memory_space<vmem>>
        %dma_start3A_239 = arith.constant 0 : i32
        %dma_start3A_240 = arith.constant 0 : i32
        %dma_start3A_241 = tpu.memref_slice %arg2[%dma_start3A_239, %dma_start3A_240] : memref<10240x16xf32, #tpu.memory_space<hbm>> -> memref<10240x16xf32, #tpu.memory_space<hbm>>
        tpu.enqueue_indirect_dma source(%dma_start3A_241 : memref<10240x16xf32, #tpu.memory_space<hbm>>) target(%dma_start3A_237 : memref<200x16xf32, #tpu.memory_space<vmem>>) offsets(%dma_start3A_238 : memref<200xi32, #tpu.memory_space<vmem>>) semaphore(%arg12 : memref<!tpu.dma_semaphore, #tpu.memory_space<semaphore_mem>>)
      } else {
      }
    }
    %scan3A_107 = arith.constant 50 : i32
    %dma_start3A_108 = arith.constant 0 : i32
    %dma_start3A_109 = arith.constant 0 : i32
    %dma_start3A_110 = tpu.memref_slice %arg11[%dma_start3A_108, %dma_start3A_109] : memref<10240x16xf32, #tpu.memory_space<vmem_shared>> -> memref<10240x16xf32, #tpu.memory_space<vmem_shared>>
    tpu.enqueue_indirect_dma source(%arg8 : memref<320x16xf32, #tpu.memory_space<vmem>>) target(%dma_start3A_110 : memref<10240x16xf32, #tpu.memory_space<vmem_shared>>) offsets(%arg9 : memref<320xi32, #tpu.memory_space<vmem>>) semaphore(%arg13 : memref<!tpu.dma_semaphore, #tpu.memory_space<semaphore_mem>>) {add = true}
    %dma_wait3A = arith.constant 10 : i32
    %dma_wait3A_111 = arith.constant 0 : i32
    %dma_wait3A_112 = arith.constant 0 : i32
    %dma_wait3A_113 = tpu.memref_slice %arg7[%dma_wait3A, %dma_wait3A_111, %dma_wait3A_112] : memref<16x200x16xf32, #tpu.memory_space<vmem>> -> memref<1x200x16xf32, #tpu.memory_space<vmem>>
    %dma_wait3A_114 = tpu.memref_squeeze %dma_wait3A_113 : memref<1x200x16xf32, #tpu.memory_space<vmem>> -> memref<200x16xf32, #tpu.memory_space<vmem>>
    %dma_wait3A_115 = arith.constant 8400 : i32
    %dma_wait3A_116 = tpu.memref_slice %arg6[%dma_wait3A_115] : memref<10000xi32, #tpu.memory_space<vmem>> -> memref<200xi32, #tpu.memory_space<vmem>>
    %dma_wait3A_117 = arith.constant 0 : i32
    %dma_wait3A_118 = arith.constant 0 : i32
    %dma_wait3A_119 = tpu.memref_slice %arg11[%dma_wait3A_117, %dma_wait3A_118] : memref<10240x16xf32, #tpu.memory_space<vmem_shared>> -> memref<10240x16xf32, #tpu.memory_space<vmem_shared>>
    tpu.wait_indirect_dma semaphore(%arg13 : memref<!tpu.dma_semaphore, #tpu.memory_space<semaphore_mem>>) src(%dma_wait3A_114 : memref<200x16xf32, #tpu.memory_space<vmem>>) dst(%dma_wait3A_119 : memref<10240x16xf32, #tpu.memory_space<vmem_shared>>)
    %dma_wait3A_120 = arith.constant 11 : i32
    %dma_wait3A_121 = arith.constant 0 : i32
    %dma_wait3A_122 = arith.constant 0 : i32
    %dma_wait3A_123 = tpu.memref_slice %arg7[%dma_wait3A_120, %dma_wait3A_121, %dma_wait3A_122] : memref<16x200x16xf32, #tpu.memory_space<vmem>> -> memref<1x200x16xf32, #tpu.memory_space<vmem>>
    %dma_wait3A_124 = tpu.memref_squeeze %dma_wait3A_123 : memref<1x200x16xf32, #tpu.memory_space<vmem>> -> memref<200x16xf32, #tpu.memory_space<vmem>>
    %dma_wait3A_125 = arith.constant 8600 : i32
    %dma_wait3A_126 = tpu.memref_slice %arg6[%dma_wait3A_125] : memref<10000xi32, #tpu.memory_space<vmem>> -> memref<200xi32, #tpu.memory_space<vmem>>
    %dma_wait3A_127 = arith.constant 0 : i32
    %dma_wait3A_128 = arith.constant 0 : i32
    %dma_wait3A_129 = tpu.memref_slice %arg11[%dma_wait3A_127, %dma_wait3A_128] : memref<10240x16xf32, #tpu.memory_space<vmem_shared>> -> memref<10240x16xf32, #tpu.memory_space<vmem_shared>>
    tpu.wait_indirect_dma semaphore(%arg13 : memref<!tpu.dma_semaphore, #tpu.memory_space<semaphore_mem>>) src(%dma_wait3A_124 : memref<200x16xf32, #tpu.memory_space<vmem>>) dst(%dma_wait3A_129 : memref<10240x16xf32, #tpu.memory_space<vmem_shared>>)
    %dma_wait3A_130 = arith.constant 12 : i32
    %dma_wait3A_131 = arith.constant 0 : i32
    %dma_wait3A_132 = arith.constant 0 : i32
    %dma_wait3A_133 = tpu.memref_slice %arg7[%dma_wait3A_130, %dma_wait3A_131, %dma_wait3A_132] : memref<16x200x16xf32, #tpu.memory_space<vmem>> -> memref<1x200x16xf32, #tpu.memory_space<vmem>>
    %dma_wait3A_134 = tpu.memref_squeeze %dma_wait3A_133 : memref<1x200x16xf32, #tpu.memory_space<vmem>> -> memref<200x16xf32, #tpu.memory_space<vmem>>
    %dma_wait3A_135 = arith.constant 8800 : i32
    %dma_wait3A_136 = tpu.memref_slice %arg6[%dma_wait3A_135] : memref<10000xi32, #tpu.memory_space<vmem>> -> memref<200xi32, #tpu.memory_space<vmem>>
    %dma_wait3A_137 = arith.constant 0 : i32
    %dma_wait3A_138 = arith.constant 0 : i32
    %dma_wait3A_139 = tpu.memref_slice %arg11[%dma_wait3A_137, %dma_wait3A_138] : memref<10240x16xf32, #tpu.memory_space<vmem_shared>> -> memref<10240x16xf32, #tpu.memory_space<vmem_shared>>
    tpu.wait_indirect_dma semaphore(%arg13 : memref<!tpu.dma_semaphore, #tpu.memory_space<semaphore_mem>>) src(%dma_wait3A_134 : memref<200x16xf32, #tpu.memory_space<vmem>>) dst(%dma_wait3A_139 : memref<10240x16xf32, #tpu.memory_space<vmem_shared>>)
    %dma_wait3A_140 = arith.constant 13 : i32
    %dma_wait3A_141 = arith.constant 0 : i32
    %dma_wait3A_142 = arith.constant 0 : i32
    %dma_wait3A_143 = tpu.memref_slice %arg7[%dma_wait3A_140, %dma_wait3A_141, %dma_wait3A_142] : memref<16x200x16xf32, #tpu.memory_space<vmem>> -> memref<1x200x16xf32, #tpu.memory_space<vmem>>
    %dma_wait3A_144 = tpu.memref_squeeze %dma_wait3A_143 : memref<1x200x16xf32, #tpu.memory_space<vmem>> -> memref<200x16xf32, #tpu.memory_space<vmem>>
    %dma_wait3A_145 = arith.constant 9000 : i32
    %dma_wait3A_146 = tpu.memref_slice %arg6[%dma_wait3A_145] : memref<10000xi32, #tpu.memory_space<vmem>> -> memref<200xi32, #tpu.memory_space<vmem>>
    %dma_wait3A_147 = arith.constant 0 : i32
    %dma_wait3A_148 = arith.constant 0 : i32
    %dma_wait3A_149 = tpu.memref_slice %arg11[%dma_wait3A_147, %dma_wait3A_148] : memref<10240x16xf32, #tpu.memory_space<vmem_shared>> -> memref<10240x16xf32, #tpu.memory_space<vmem_shared>>
    tpu.wait_indirect_dma semaphore(%arg13 : memref<!tpu.dma_semaphore, #tpu.memory_space<semaphore_mem>>) src(%dma_wait3A_144 : memref<200x16xf32, #tpu.memory_space<vmem>>) dst(%dma_wait3A_149 : memref<10240x16xf32, #tpu.memory_space<vmem_shared>>)
    %dma_wait3A_150 = arith.constant 14 : i32
    %dma_wait3A_151 = arith.constant 0 : i32
    %dma_wait3A_152 = arith.constant 0 : i32
    %dma_wait3A_153 = tpu.memref_slice %arg7[%dma_wait3A_150, %dma_wait3A_151, %dma_wait3A_152] : memref<16x200x16xf32, #tpu.memory_space<vmem>> -> memref<1x200x16xf32, #tpu.memory_space<vmem>>
    %dma_wait3A_154 = tpu.memref_squeeze %dma_wait3A_153 : memref<1x200x16xf32, #tpu.memory_space<vmem>> -> memref<200x16xf32, #tpu.memory_space<vmem>>
    %dma_wait3A_155 = arith.constant 9200 : i32
    %dma_wait3A_156 = tpu.memref_slice %arg6[%dma_wait3A_155] : memref<10000xi32, #tpu.memory_space<vmem>> -> memref<200xi32, #tpu.memory_space<vmem>>
    %dma_wait3A_157 = arith.constant 0 : i32
    %dma_wait3A_158 = arith.constant 0 : i32
    %dma_wait3A_159 = tpu.memref_slice %arg11[%dma_wait3A_157, %dma_wait3A_158] : memref<10240x16xf32, #tpu.memory_space<vmem_shared>> -> memref<10240x16xf32, #tpu.memory_space<vmem_shared>>
    tpu.wait_indirect_dma semaphore(%arg13 : memref<!tpu.dma_semaphore, #tpu.memory_space<semaphore_mem>>) src(%dma_wait3A_154 : memref<200x16xf32, #tpu.memory_space<vmem>>) dst(%dma_wait3A_159 : memref<10240x16xf32, #tpu.memory_space<vmem_shared>>)
    %dma_wait3A_160 = arith.constant 15 : i32
    %dma_wait3A_161 = arith.constant 0 : i32
    %dma_wait3A_162 = arith.constant 0 : i32
    %dma_wait3A_163 = tpu.memref_slice %arg7[%dma_wait3A_160, %dma_wait3A_161, %dma_wait3A_162] : memref<16x200x16xf32, #tpu.memory_space<vmem>> -> memref<1x200x16xf32, #tpu.memory_space<vmem>>
    %dma_wait3A_164 = tpu.memref_squeeze %dma_wait3A_163 : memref<1x200x16xf32, #tpu.memory_space<vmem>> -> memref<200x16xf32, #tpu.memory_space<vmem>>
    %dma_wait3A_165 = arith.constant 9400 : i32
    %dma_wait3A_166 = tpu.memref_slice %arg6[%dma_wait3A_165] : memref<10000xi32, #tpu.memory_space<vmem>> -> memref<200xi32, #tpu.memory_space<vmem>>
    %dma_wait3A_167 = arith.constant 0 : i32
    %dma_wait3A_168 = arith.constant 0 : i32
    %dma_wait3A_169 = tpu.memref_slice %arg11[%dma_wait3A_167, %dma_wait3A_168] : memref<10240x16xf32, #tpu.memory_space<vmem_shared>> -> memref<10240x16xf32, #tpu.memory_space<vmem_shared>>
    tpu.wait_indirect_dma semaphore(%arg13 : memref<!tpu.dma_semaphore, #tpu.memory_space<semaphore_mem>>) src(%dma_wait3A_164 : memref<200x16xf32, #tpu.memory_space<vmem>>) dst(%dma_wait3A_169 : memref<10240x16xf32, #tpu.memory_space<vmem_shared>>)
    %dma_wait3A_170 = arith.constant 0 : i32
    %dma_wait3A_171 = arith.constant 0 : i32
    %dma_wait3A_172 = arith.constant 0 : i32
    %dma_wait3A_173 = tpu.memref_slice %arg7[%dma_wait3A_170, %dma_wait3A_171, %dma_wait3A_172] : memref<16x200x16xf32, #tpu.memory_space<vmem>> -> memref<1x200x16xf32, #tpu.memory_space<vmem>>
    %dma_wait3A_174 = tpu.memref_squeeze %dma_wait3A_173 : memref<1x200x16xf32, #tpu.memory_space<vmem>> -> memref<200x16xf32, #tpu.memory_space<vmem>>
    %dma_wait3A_175 = arith.constant 9600 : i32
    %dma_wait3A_176 = tpu.memref_slice %arg6[%dma_wait3A_175] : memref<10000xi32, #tpu.memory_space<vmem>> -> memref<200xi32, #tpu.memory_space<vmem>>
    %dma_wait3A_177 = arith.constant 0 : i32
    %dma_wait3A_178 = arith.constant 0 : i32
    %dma_wait3A_179 = tpu.memref_slice %arg11[%dma_wait3A_177, %dma_wait3A_178] : memref<10240x16xf32, #tpu.memory_space<vmem_shared>> -> memref<10240x16xf32, #tpu.memory_space<vmem_shared>>
    tpu.wait_indirect_dma semaphore(%arg13 : memref<!tpu.dma_semaphore, #tpu.memory_space<semaphore_mem>>) src(%dma_wait3A_174 : memref<200x16xf32, #tpu.memory_space<vmem>>) dst(%dma_wait3A_179 : memref<10240x16xf32, #tpu.memory_space<vmem_shared>>)
    %dma_wait3A_180 = arith.constant 1 : i32
    %dma_wait3A_181 = arith.constant 0 : i32
    %dma_wait3A_182 = arith.constant 0 : i32
    %dma_wait3A_183 = tpu.memref_slice %arg7[%dma_wait3A_180, %dma_wait3A_181, %dma_wait3A_182] : memref<16x200x16xf32, #tpu.memory_space<vmem>> -> memref<1x200x16xf32, #tpu.memory_space<vmem>>
    %dma_wait3A_184 = tpu.memref_squeeze %dma_wait3A_183 : memref<1x200x16xf32, #tpu.memory_space<vmem>> -> memref<200x16xf32, #tpu.memory_space<vmem>>
    %dma_wait3A_185 = arith.constant 9800 : i32
    %dma_wait3A_186 = tpu.memref_slice %arg6[%dma_wait3A_185] : memref<10000xi32, #tpu.memory_space<vmem>> -> memref<200xi32, #tpu.memory_space<vmem>>
    %dma_wait3A_187 = arith.constant 0 : i32
    %dma_wait3A_188 = arith.constant 0 : i32
    %dma_wait3A_189 = tpu.memref_slice %arg11[%dma_wait3A_187, %dma_wait3A_188] : memref<10240x16xf32, #tpu.memory_space<vmem_shared>> -> memref<10240x16xf32, #tpu.memory_space<vmem_shared>>
    tpu.wait_indirect_dma semaphore(%arg13 : memref<!tpu.dma_semaphore, #tpu.memory_space<semaphore_mem>>) src(%dma_wait3A_184 : memref<200x16xf32, #tpu.memory_space<vmem>>) dst(%dma_wait3A_189 : memref<10240x16xf32, #tpu.memory_space<vmem_shared>>)
    %dma_wait3A_190 = arith.constant 0 : i32
    %dma_wait3A_191 = arith.constant 0 : i32
    %dma_wait3A_192 = tpu.memref_slice %arg11[%dma_wait3A_190, %dma_wait3A_191] : memref<10240x16xf32, #tpu.memory_space<vmem_shared>> -> memref<10240x16xf32, #tpu.memory_space<vmem_shared>>
    tpu.wait_indirect_dma semaphore(%arg13 : memref<!tpu.dma_semaphore, #tpu.memory_space<semaphore_mem>>) src(%arg8 : memref<320x16xf32, #tpu.memory_space<vmem>>) dst(%dma_wait3A_192 : memref<10240x16xf32, #tpu.memory_space<vmem_shared>>)
    %barrier3A_193 = arith.constant 0 : index
    tpu.barrier barrier_id(%barrier3A_193)
    %mul3A_194 = arith.constant 640 : i32
    %mul3A_195 = arith.muli %arg1, %mul3A_194 : i32
    %mul3A_196 = arith.constant 640 : i32
    %mul3A_197 = arith.muli %arg1, %mul3A_196 : i32
    "tpu.region"() ({
      %run_scoped3A_198 = tpu.sem_alloc : memref<!tpu.dma_semaphore, #tpu.memory_space<semaphore_mem>>
      %dma_start3A_199 = arith.constant 0 : i32
      %dma_start3A_200 = tpu.memref_slice %arg4[%arg0, %mul3A_197, %dma_start3A_199] : memref<2x10240x16xf32, #tpu.memory_space<hbm>> -> memref<1x640x16xf32, #tpu.memory_space<hbm>>
      %dma_start3A_201 = tpu.memref_squeeze %dma_start3A_200 : memref<1x640x16xf32, #tpu.memory_space<hbm>> -> memref<640x16xf32, #tpu.memory_space<hbm>>
      %dma_start3A_202 = arith.constant 0 : i32
      %dma_start3A_203 = tpu.memref_slice %arg11[%mul3A_195, %dma_start3A_202] : memref<10240x16xf32, #tpu.memory_space<vmem_shared>> -> memref<640x16xf32, #tpu.memory_space<vmem_shared>>
      tpu.enqueue_dma source(%dma_start3A_203 : memref<640x16xf32, #tpu.memory_space<vmem_shared>>) target(%dma_start3A_201 : memref<640x16xf32, #tpu.memory_space<hbm>>) target_semaphore(%run_scoped3A_198 : memref<!tpu.dma_semaphore, #tpu.memory_space<semaphore_mem>>)
      %dma_wait3A_204 = arith.constant 0 : i32
      %dma_wait3A_205 = tpu.memref_slice %arg4[%arg0, %mul3A_197, %dma_wait3A_204] : memref<2x10240x16xf32, #tpu.memory_space<hbm>> -> memref<1x640x16xf32, #tpu.memory_space<hbm>>
      %dma_wait3A_206 = tpu.memref_squeeze %dma_wait3A_205 : memref<1x640x16xf32, #tpu.memory_space<hbm>> -> memref<640x16xf32, #tpu.memory_space<hbm>>
      %dma_wait3A_207 = arith.constant 0 : i32
      %dma_wait3A_208 = tpu.memref_slice %arg11[%mul3A_195, %dma_wait3A_207] : memref<10240x16xf32, #tpu.memory_space<vmem_shared>> -> memref<640x16xf32, #tpu.memory_space<vmem_shared>>
      tpu.wait_dma2 semaphore(%run_scoped3A_198 : memref<!tpu.dma_semaphore, #tpu.memory_space<semaphore_mem>>) src(%dma_wait3A_208 : memref<640x16xf32, #tpu.memory_space<vmem_shared>>) dst(%dma_wait3A_206 : memref<640x16xf32, #tpu.memory_space<hbm>>)
      tpu.yield
    }) : () -> ()
    return
  }
}

#map = affine_map<(d0, d1) -> (0, 0)>
#map1 = affine_map<(d0, d1) -> (0, 0, 0)>
module attributes {stable_mosaic.version = 14 : i64} {
  func.func @_prop_pass(%arg0: i32, %arg1: i32, %arg2: memref<10240x16xf32, #tpu.memory_space<hbm>>, %arg3: memref<2x320000xi32, #tpu.memory_space<hbm>>, %arg4: memref<2x10240x16xf32, #tpu.memory_space<hbm>>, %arg5: memref<10000xi32, #tpu.memory_space<vmem>>, %arg6: memref<10000xi32, #tpu.memory_space<vmem>>, %arg7: memref<16x200x16xf32, #tpu.memory_space<vmem>>, %arg8: memref<320x16xf32, #tpu.memory_space<vmem>>, %arg9: memref<320xi32, #tpu.memory_space<vmem>>, %arg10: memref<640x16xf32, #tpu.memory_space<vmem>>, %arg11: memref<10240x16xf32, #tpu.memory_space<vmem_shared>>, %arg12: memref<!tpu.dma_semaphore, #tpu.memory_space<semaphore_mem>>, %arg13: memref<!tpu.dma_semaphore, #tpu.memory_space<semaphore_mem>>) attributes {dimension_semantics = [#tpu.dimension_semantics<core_parallel>, #tpu.dimension_semantics<subcore_parallel>], iteration_bounds = array<i64: 2, 16>, scalar_prefetch = 0 : i64, scratch_operands = 9 : i64, tpu.core_type = #tpu.core_type<sc_vector_subcore>, window_params = [{transform_indices = #map}, {transform_indices = #map}, {transform_indices = #map1}]} {
    %mul3A = arith.constant 16 : i32
    %mul3A_0 = arith.muli %arg0, %mul3A : i32
    %add3A = arith.addi %mul3A_0, %arg1 : i32
    %scan3A = arith.constant 0 : i32
    %scan3A_1 = arith.constant 0 : i32
    %scan3A_2 = arith.constant 640 : i32
    %scan3A_3 = arith.addi %scan3A_1, %scan3A_2 : i32
    %scan3A_4 = arith.constant 1 : i32
    scf.for %scan3A_198 = %scan3A_1 to %scan3A_3 step %scan3A_4  : i32 {
      %broadcast_in_dim3A = arith.constant 0.000000e+00 : f32
      %broadcast_in_dim3A_199 = vector.broadcast %broadcast_in_dim3A : f32 to vector<16xf32>
      %swap3A = arith.index_cast %scan3A_198 : i32 to index
      %swap3A_200 = arith.constant 0 : index
      %swap3A_201 = tpu.vector_load %arg10[%swap3A, %swap3A_200] {strides = array<i32>} : memref<640x16xf32, #tpu.memory_space<vmem>>, vector<1x16xf32>,
      %swap3A_202 = vector.shape_cast %swap3A_201 : vector<1x16xf32> to vector<16xf32>
      %swap3A_203 = vector.shape_cast %broadcast_in_dim3A_199 : vector<16xf32> to vector<1x16xf32>
      tpu.vector_store %arg10[%swap3A, %swap3A_200], %swap3A_203 {strides = array<i32>} : memref<640x16xf32, #tpu.memory_space<vmem>>, vector<1x16xf32>,
    }
    %scan3A_5 = arith.constant 640 : i32
    %mul3A_6 = arith.constant 640 : i32
    %mul3A_7 = arith.muli %arg1, %mul3A_6 : i32
    "tpu.region"() ({
      %run_scoped3A_198 = tpu.sem_alloc : memref<!tpu.dma_semaphore, #tpu.memory_space<semaphore_mem>>
      %dma_start3A_199 = arith.constant 0 : i32
      %dma_start3A_200 = tpu.memref_slice %arg11[%mul3A_7, %dma_start3A_199] : memref<10240x16xf32, #tpu.memory_space<vmem_shared>> -> memref<640x16xf32, #tpu.memory_space<vmem_shared>>
      %dma_start3A_201 = arith.constant 0 : i32
      %dma_start3A_202 = tpu.memref_slice %arg11[%mul3A_7, %dma_start3A_201] : memref<10240x16xf32, #tpu.memory_space<vmem_shared>> -> memref<640x16xf32, #tpu.memory_space<vmem_shared>>
      tpu.enqueue_dma source(%arg10 : memref<640x16xf32, #tpu.memory_space<vmem>>) target(%dma_start3A_202 : memref<640x16xf32, #tpu.memory_space<vmem_shared>>) target_semaphore(%run_scoped3A_198 : memref<!tpu.dma_semaphore, #tpu.memory_space<semaphore_mem>>)
      %dma_wait3A_203 = arith.constant 0 : i32
      %dma_wait3A_204 = tpu.memref_slice %arg11[%mul3A_7, %dma_wait3A_203] : memref<10240x16xf32, #tpu.memory_space<vmem_shared>> -> memref<640x16xf32, #tpu.memory_space<vmem_shared>>
      %dma_wait3A_205 = arith.constant 0 : i32
      %dma_wait3A_206 = tpu.memref_slice %arg11[%mul3A_7, %dma_wait3A_205] : memref<10240x16xf32, #tpu.memory_space<vmem_shared>> -> memref<640x16xf32, #tpu.memory_space<vmem_shared>>
      tpu.wait_dma2 semaphore(%run_scoped3A_198 : memref<!tpu.dma_semaphore, #tpu.memory_space<semaphore_mem>>) src(%arg10 : memref<640x16xf32, #tpu.memory_space<vmem>>) dst(%dma_wait3A_206 : memref<640x16xf32, #tpu.memory_space<vmem_shared>>)
      tpu.yield
    }) : () -> ()
    %mul3A_8 = arith.constant 10000 : i32
    %mul3A_9 = arith.muli %add3A, %mul3A_8 : i32
    %run_scoped3A = arith.constant 0 : i32
    "tpu.region"() ({
      %run_scoped3A_198 = tpu.sem_alloc : memref<!tpu.dma_semaphore, #tpu.memory_space<semaphore_mem>>
      %dma_start3A_199 = tpu.memref_slice %arg3[%run_scoped3A, %mul3A_9] : memref<2x320000xi32, #tpu.memory_space<hbm>> -> memref<1x10000xi32, #tpu.memory_space<hbm>>
      %dma_start3A_200 = tpu.memref_squeeze %dma_start3A_199 : memref<1x10000xi32, #tpu.memory_space<hbm>> -> memref<10000xi32, #tpu.memory_space<hbm>>
      %dma_start3A_201 = tpu.memref_slice %arg3[%run_scoped3A, %mul3A_9] : memref<2x320000xi32, #tpu.memory_space<hbm>> -> memref<1x10000xi32, #tpu.memory_space<hbm>>
      %dma_start3A_202 = tpu.memref_squeeze %dma_start3A_201 : memref<1x10000xi32, #tpu.memory_space<hbm>> -> memref<10000xi32, #tpu.memory_space<hbm>>
      tpu.enqueue_dma source(%dma_start3A_202 : memref<10000xi32, #tpu.memory_space<hbm>>) target(%arg5 : memref<10000xi32, #tpu.memory_space<vmem>>) target_semaphore(%run_scoped3A_198 : memref<!tpu.dma_semaphore, #tpu.memory_space<semaphore_mem>>)
      %dma_wait3A_203 = tpu.memref_slice %arg3[%run_scoped3A, %mul3A_9] : memref<2x320000xi32, #tpu.memory_space<hbm>> -> memref<1x10000xi32, #tpu.memory_space<hbm>>
      %dma_wait3A_204 = tpu.memref_squeeze %dma_wait3A_203 : memref<1x10000xi32, #tpu.memory_space<hbm>> -> memref<10000xi32, #tpu.memory_space<hbm>>
      %dma_wait3A_205 = tpu.memref_slice %arg3[%run_scoped3A, %mul3A_9] : memref<2x320000xi32, #tpu.memory_space<hbm>> -> memref<1x10000xi32, #tpu.memory_space<hbm>>
      %dma_wait3A_206 = tpu.memref_squeeze %dma_wait3A_205 : memref<1x10000xi32, #tpu.memory_space<hbm>> -> memref<10000xi32, #tpu.memory_space<hbm>>
      tpu.wait_dma2 semaphore(%run_scoped3A_198 : memref<!tpu.dma_semaphore, #tpu.memory_space<semaphore_mem>>) src(%dma_wait3A_206 : memref<10000xi32, #tpu.memory_space<hbm>>) dst(%arg5 : memref<10000xi32, #tpu.memory_space<vmem>>)
      tpu.yield
    }) : () -> ()
    %mul3A_10 = arith.constant 10000 : i32
    %mul3A_11 = arith.muli %add3A, %mul3A_10 : i32
    %run_scoped3A_12 = arith.constant 1 : i32
    "tpu.region"() ({
      %run_scoped3A_198 = tpu.sem_alloc : memref<!tpu.dma_semaphore, #tpu.memory_space<semaphore_mem>>
      %dma_start3A_199 = tpu.memref_slice %arg3[%run_scoped3A_12, %mul3A_11] : memref<2x320000xi32, #tpu.memory_space<hbm>> -> memref<1x10000xi32, #tpu.memory_space<hbm>>
      %dma_start3A_200 = tpu.memref_squeeze %dma_start3A_199 : memref<1x10000xi32, #tpu.memory_space<hbm>> -> memref<10000xi32, #tpu.memory_space<hbm>>
      %dma_start3A_201 = tpu.memref_slice %arg3[%run_scoped3A_12, %mul3A_11] : memref<2x320000xi32, #tpu.memory_space<hbm>> -> memref<1x10000xi32, #tpu.memory_space<hbm>>
      %dma_start3A_202 = tpu.memref_squeeze %dma_start3A_201 : memref<1x10000xi32, #tpu.memory_space<hbm>> -> memref<10000xi32, #tpu.memory_space<hbm>>
      tpu.enqueue_dma source(%dma_start3A_202 : memref<10000xi32, #tpu.memory_space<hbm>>) target(%arg6 : memref<10000xi32, #tpu.memory_space<vmem>>) target_semaphore(%run_scoped3A_198 : memref<!tpu.dma_semaphore, #tpu.memory_space<semaphore_mem>>)
      %dma_wait3A_203 = tpu.memref_slice %arg3[%run_scoped3A_12, %mul3A_11] : memref<2x320000xi32, #tpu.memory_space<hbm>> -> memref<1x10000xi32, #tpu.memory_space<hbm>>
      %dma_wait3A_204 = tpu.memref_squeeze %dma_wait3A_203 : memref<1x10000xi32, #tpu.memory_space<hbm>> -> memref<10000xi32, #tpu.memory_space<hbm>>
      %dma_wait3A_205 = tpu.memref_slice %arg3[%run_scoped3A_12, %mul3A_11] : memref<2x320000xi32, #tpu.memory_space<hbm>> -> memref<1x10000xi32, #tpu.memory_space<hbm>>
      %dma_wait3A_206 = tpu.memref_squeeze %dma_wait3A_205 : memref<1x10000xi32, #tpu.memory_space<hbm>> -> memref<10000xi32, #tpu.memory_space<hbm>>
      tpu.wait_dma2 semaphore(%run_scoped3A_198 : memref<!tpu.dma_semaphore, #tpu.memory_space<semaphore_mem>>) src(%dma_wait3A_206 : memref<10000xi32, #tpu.memory_space<hbm>>) dst(%arg6 : memref<10000xi32, #tpu.memory_space<vmem>>)
      tpu.yield
    }) : () -> ()
    %mul3A_13 = arith.constant 320 : i32
    %mul3A_14 = arith.muli %add3A, %mul3A_13 : i32
    "tpu.region"() ({
      %run_scoped3A_198 = tpu.sem_alloc : memref<!tpu.dma_semaphore, #tpu.memory_space<semaphore_mem>>
      %dma_start3A_199 = arith.constant 0 : i32
      %dma_start3A_200 = tpu.memref_slice %arg2[%mul3A_14, %dma_start3A_199] : memref<10240x16xf32, #tpu.memory_space<hbm>> -> memref<320x16xf32, #tpu.memory_space<hbm>>
      %dma_start3A_201 = arith.constant 0 : i32
      %dma_start3A_202 = tpu.memref_slice %arg2[%mul3A_14, %dma_start3A_201] : memref<10240x16xf32, #tpu.memory_space<hbm>> -> memref<320x16xf32, #tpu.memory_space<hbm>>
      tpu.enqueue_dma source(%dma_start3A_202 : memref<320x16xf32, #tpu.memory_space<hbm>>) target(%arg8 : memref<320x16xf32, #tpu.memory_space<vmem>>) target_semaphore(%run_scoped3A_198 : memref<!tpu.dma_semaphore, #tpu.memory_space<semaphore_mem>>)
      %dma_wait3A_203 = arith.constant 0 : i32
      %dma_wait3A_204 = tpu.memref_slice %arg2[%mul3A_14, %dma_wait3A_203] : memref<10240x16xf32, #tpu.memory_space<hbm>> -> memref<320x16xf32, #tpu.memory_space<hbm>>
      %dma_wait3A_205 = arith.constant 0 : i32
      %dma_wait3A_206 = tpu.memref_slice %arg2[%mul3A_14, %dma_wait3A_205] : memref<10240x16xf32, #tpu.memory_space<hbm>> -> memref<320x16xf32, #tpu.memory_space<hbm>>
      tpu.wait_dma2 semaphore(%run_scoped3A_198 : memref<!tpu.dma_semaphore, #tpu.memory_space<semaphore_mem>>) src(%dma_wait3A_206 : memref<320x16xf32, #tpu.memory_space<hbm>>) dst(%arg8 : memref<320x16xf32, #tpu.memory_space<vmem>>)
      tpu.yield
    }) : () -> ()
    %mul3A_15 = arith.constant 320 : i32
    %mul3A_16 = arith.muli %add3A, %mul3A_15 : i32
    %scan3A_17 = arith.constant 0 : i32
    %scan3A_18 = arith.constant 0 : i32
    %scan3A_19 = arith.constant 20 : i32
    %scan3A_20 = arith.addi %scan3A_18, %scan3A_19 : i32
    %scan3A_21 = arith.constant 1 : i32
    scf.for %scan3A_198 = %scan3A_18 to %scan3A_20 step %scan3A_21  : i32 {
      %mul3A_199 = arith.constant 16 : i32
      %mul3A_200 = arith.muli %scan3A_198, %mul3A_199 : i32
      %add3A_201 = arith.addi %mul3A_16, %mul3A_200 : i32
      %iota3A = tpu.iota {dimensions = array<i32: 0>} : vector<16xi32>
      %add3A_202 = vector.broadcast %add3A_201 : i32 to vector<16xi32>
      %add3A_203 = arith.addi %add3A_202, %iota3A : vector<16xi32>
      %mul3A_204 = arith.constant 16 : i32
      %mul3A_205 = arith.muli %scan3A_198, %mul3A_204 : i32
      %swap3A = arith.index_cast %mul3A_205 : i32 to index
      %swap3A_206 = tpu.vector_load %arg9[%swap3A] {strides = array<i32>} : memref<320xi32, #tpu.memory_space<vmem>>, vector<16xi32>,
      %swap3A_207 = vector.shape_cast %swap3A_206 : vector<16xi32> to vector<16xi32>
      %swap3A_208 = vector.shape_cast %add3A_203 : vector<16xi32> to vector<16xi32>
      tpu.vector_store %arg9[%swap3A], %swap3A_208 {strides = array<i32>} : memref<320xi32, #tpu.memory_space<vmem>>, vector<16xi32>,
    }
    %scan3A_22 = arith.constant 20 : i32
    %barrier3A = arith.constant 0 : index
    tpu.barrier barrier_id(%barrier3A)
    %dma_start3A = arith.constant 0 : i32
    %dma_start3A_23 = arith.constant 0 : i32
    %dma_start3A_24 = arith.constant 0 : i32
    %dma_start3A_25 = tpu.memref_slice %arg7[%dma_start3A, %dma_start3A_23, %dma_start3A_24] : memref<16x200x16xf32, #tpu.memory_space<vmem>> -> memref<1x200x16xf32, #tpu.memory_space<vmem>>
    %dma_start3A_26 = tpu.memref_squeeze %dma_start3A_25 : memref<1x200x16xf32, #tpu.memory_space<vmem>> -> memref<200x16xf32, #tpu.memory_space<vmem>>
    %dma_start3A_27 = arith.constant 0 : i32
    %dma_start3A_28 = tpu.memref_slice %arg5[%dma_start3A_27] : memref<10000xi32, #tpu.memory_space<vmem>> -> memref<200xi32, #tpu.memory_space<vmem>>
    %dma_start3A_29 = arith.constant 0 : i32
    %dma_start3A_30 = arith.constant 0 : i32
    %dma_start3A_31 = tpu.memref_slice %arg2[%dma_start3A_29, %dma_start3A_30] : memref<10240x16xf32, #tpu.memory_space<hbm>> -> memref<10240x16xf32, #tpu.memory_space<hbm>>
    tpu.enqueue_indirect_dma source(%dma_start3A_31 : memref<10240x16xf32, #tpu.memory_space<hbm>>) target(%dma_start3A_26 : memref<200x16xf32, #tpu.memory_space<vmem>>) offsets(%dma_start3A_28 : memref<200xi32, #tpu.memory_space<vmem>>) semaphore(%arg12 : memref<!tpu.dma_semaphore, #tpu.memory_space<semaphore_mem>>)
    %dma_start3A_32 = arith.constant 1 : i32
    %dma_start3A_33 = arith.constant 0 : i32
    %dma_start3A_34 = arith.constant 0 : i32
    %dma_start3A_35 = tpu.memref_slice %arg7[%dma_start3A_32, %dma_start3A_33, %dma_start3A_34] : memref<16x200x16xf32, #tpu.memory_space<vmem>> -> memref<1x200x16xf32, #tpu.memory_space<vmem>>
    %dma_start3A_36 = tpu.memref_squeeze %dma_start3A_35 : memref<1x200x16xf32, #tpu.memory_space<vmem>> -> memref<200x16xf32, #tpu.memory_space<vmem>>
    %dma_start3A_37 = arith.constant 200 : i32
    %dma_start3A_38 = tpu.memref_slice %arg5[%dma_start3A_37] : memref<10000xi32, #tpu.memory_space<vmem>> -> memref<200xi32, #tpu.memory_space<vmem>>
    %dma_start3A_39 = arith.constant 0 : i32
    %dma_start3A_40 = arith.constant 0 : i32
    %dma_start3A_41 = tpu.memref_slice %arg2[%dma_start3A_39, %dma_start3A_40] : memref<10240x16xf32, #tpu.memory_space<hbm>> -> memref<10240x16xf32, #tpu.memory_space<hbm>>
    tpu.enqueue_indirect_dma source(%dma_start3A_41 : memref<10240x16xf32, #tpu.memory_space<hbm>>) target(%dma_start3A_36 : memref<200x16xf32, #tpu.memory_space<vmem>>) offsets(%dma_start3A_38 : memref<200xi32, #tpu.memory_space<vmem>>) semaphore(%arg12 : memref<!tpu.dma_semaphore, #tpu.memory_space<semaphore_mem>>)
    %dma_start3A_42 = arith.constant 2 : i32
    %dma_start3A_43 = arith.constant 0 : i32
    %dma_start3A_44 = arith.constant 0 : i32
    %dma_start3A_45 = tpu.memref_slice %arg7[%dma_start3A_42, %dma_start3A_43, %dma_start3A_44] : memref<16x200x16xf32, #tpu.memory_space<vmem>> -> memref<1x200x16xf32, #tpu.memory_space<vmem>>
    %dma_start3A_46 = tpu.memref_squeeze %dma_start3A_45 : memref<1x200x16xf32, #tpu.memory_space<vmem>> -> memref<200x16xf32, #tpu.memory_space<vmem>>
    %dma_start3A_47 = arith.constant 400 : i32
    %dma_start3A_48 = tpu.memref_slice %arg5[%dma_start3A_47] : memref<10000xi32, #tpu.memory_space<vmem>> -> memref<200xi32, #tpu.memory_space<vmem>>
    %dma_start3A_49 = arith.constant 0 : i32
    %dma_start3A_50 = arith.constant 0 : i32
    %dma_start3A_51 = tpu.memref_slice %arg2[%dma_start3A_49, %dma_start3A_50] : memref<10240x16xf32, #tpu.memory_space<hbm>> -> memref<10240x16xf32, #tpu.memory_space<hbm>>
    tpu.enqueue_indirect_dma source(%dma_start3A_51 : memref<10240x16xf32, #tpu.memory_space<hbm>>) target(%dma_start3A_46 : memref<200x16xf32, #tpu.memory_space<vmem>>) offsets(%dma_start3A_48 : memref<200xi32, #tpu.memory_space<vmem>>) semaphore(%arg12 : memref<!tpu.dma_semaphore, #tpu.memory_space<semaphore_mem>>)
    %dma_start3A_52 = arith.constant 3 : i32
    %dma_start3A_53 = arith.constant 0 : i32
    %dma_start3A_54 = arith.constant 0 : i32
    %dma_start3A_55 = tpu.memref_slice %arg7[%dma_start3A_52, %dma_start3A_53, %dma_start3A_54] : memref<16x200x16xf32, #tpu.memory_space<vmem>> -> memref<1x200x16xf32, #tpu.memory_space<vmem>>
    %dma_start3A_56 = tpu.memref_squeeze %dma_start3A_55 : memref<1x200x16xf32, #tpu.memory_space<vmem>> -> memref<200x16xf32, #tpu.memory_space<vmem>>
    %dma_start3A_57 = arith.constant 600 : i32
    %dma_start3A_58 = tpu.memref_slice %arg5[%dma_start3A_57] : memref<10000xi32, #tpu.memory_space<vmem>> -> memref<200xi32, #tpu.memory_space<vmem>>
    %dma_start3A_59 = arith.constant 0 : i32
    %dma_start3A_60 = arith.constant 0 : i32
    %dma_start3A_61 = tpu.memref_slice %arg2[%dma_start3A_59, %dma_start3A_60] : memref<10240x16xf32, #tpu.memory_space<hbm>> -> memref<10240x16xf32, #tpu.memory_space<hbm>>
    tpu.enqueue_indirect_dma source(%dma_start3A_61 : memref<10240x16xf32, #tpu.memory_space<hbm>>) target(%dma_start3A_56 : memref<200x16xf32, #tpu.memory_space<vmem>>) offsets(%dma_start3A_58 : memref<200xi32, #tpu.memory_space<vmem>>) semaphore(%arg12 : memref<!tpu.dma_semaphore, #tpu.memory_space<semaphore_mem>>)
    %dma_start3A_62 = arith.constant 4 : i32
    %dma_start3A_63 = arith.constant 0 : i32
    %dma_start3A_64 = arith.constant 0 : i32
    %dma_start3A_65 = tpu.memref_slice %arg7[%dma_start3A_62, %dma_start3A_63, %dma_start3A_64] : memref<16x200x16xf32, #tpu.memory_space<vmem>> -> memref<1x200x16xf32, #tpu.memory_space<vmem>>
    %dma_start3A_66 = tpu.memref_squeeze %dma_start3A_65 : memref<1x200x16xf32, #tpu.memory_space<vmem>> -> memref<200x16xf32, #tpu.memory_space<vmem>>
    %dma_start3A_67 = arith.constant 800 : i32
    %dma_start3A_68 = tpu.memref_slice %arg5[%dma_start3A_67] : memref<10000xi32, #tpu.memory_space<vmem>> -> memref<200xi32, #tpu.memory_space<vmem>>
    %dma_start3A_69 = arith.constant 0 : i32
    %dma_start3A_70 = arith.constant 0 : i32
    %dma_start3A_71 = tpu.memref_slice %arg2[%dma_start3A_69, %dma_start3A_70] : memref<10240x16xf32, #tpu.memory_space<hbm>> -> memref<10240x16xf32, #tpu.memory_space<hbm>>
    tpu.enqueue_indirect_dma source(%dma_start3A_71 : memref<10240x16xf32, #tpu.memory_space<hbm>>) target(%dma_start3A_66 : memref<200x16xf32, #tpu.memory_space<vmem>>) offsets(%dma_start3A_68 : memref<200xi32, #tpu.memory_space<vmem>>) semaphore(%arg12 : memref<!tpu.dma_semaphore, #tpu.memory_space<semaphore_mem>>)
    %dma_start3A_72 = arith.constant 5 : i32
    %dma_start3A_73 = arith.constant 0 : i32
    %dma_start3A_74 = arith.constant 0 : i32
    %dma_start3A_75 = tpu.memref_slice %arg7[%dma_start3A_72, %dma_start3A_73, %dma_start3A_74] : memref<16x200x16xf32, #tpu.memory_space<vmem>> -> memref<1x200x16xf32, #tpu.memory_space<vmem>>
    %dma_start3A_76 = tpu.memref_squeeze %dma_start3A_75 : memref<1x200x16xf32, #tpu.memory_space<vmem>> -> memref<200x16xf32, #tpu.memory_space<vmem>>
    %dma_start3A_77 = arith.constant 1000 : i32
    %dma_start3A_78 = tpu.memref_slice %arg5[%dma_start3A_77] : memref<10000xi32, #tpu.memory_space<vmem>> -> memref<200xi32, #tpu.memory_space<vmem>>
    %dma_start3A_79 = arith.constant 0 : i32
    %dma_start3A_80 = arith.constant 0 : i32
    %dma_start3A_81 = tpu.memref_slice %arg2[%dma_start3A_79, %dma_start3A_80] : memref<10240x16xf32, #tpu.memory_space<hbm>> -> memref<10240x16xf32, #tpu.memory_space<hbm>>
    tpu.enqueue_indirect_dma source(%dma_start3A_81 : memref<10240x16xf32, #tpu.memory_space<hbm>>) target(%dma_start3A_76 : memref<200x16xf32, #tpu.memory_space<vmem>>) offsets(%dma_start3A_78 : memref<200xi32, #tpu.memory_space<vmem>>) semaphore(%arg12 : memref<!tpu.dma_semaphore, #tpu.memory_space<semaphore_mem>>)
    %dma_start3A_82 = arith.constant 6 : i32
    %dma_start3A_83 = arith.constant 0 : i32
    %dma_start3A_84 = arith.constant 0 : i32
    %dma_start3A_85 = tpu.memref_slice %arg7[%dma_start3A_82, %dma_start3A_83, %dma_start3A_84] : memref<16x200x16xf32, #tpu.memory_space<vmem>> -> memref<1x200x16xf32, #tpu.memory_space<vmem>>
    %dma_start3A_86 = tpu.memref_squeeze %dma_start3A_85 : memref<1x200x16xf32, #tpu.memory_space<vmem>> -> memref<200x16xf32, #tpu.memory_space<vmem>>
    %dma_start3A_87 = arith.constant 1200 : i32
    %dma_start3A_88 = tpu.memref_slice %arg5[%dma_start3A_87] : memref<10000xi32, #tpu.memory_space<vmem>> -> memref<200xi32, #tpu.memory_space<vmem>>
    %dma_start3A_89 = arith.constant 0 : i32
    %dma_start3A_90 = arith.constant 0 : i32
    %dma_start3A_91 = tpu.memref_slice %arg2[%dma_start3A_89, %dma_start3A_90] : memref<10240x16xf32, #tpu.memory_space<hbm>> -> memref<10240x16xf32, #tpu.memory_space<hbm>>
    tpu.enqueue_indirect_dma source(%dma_start3A_91 : memref<10240x16xf32, #tpu.memory_space<hbm>>) target(%dma_start3A_86 : memref<200x16xf32, #tpu.memory_space<vmem>>) offsets(%dma_start3A_88 : memref<200xi32, #tpu.memory_space<vmem>>) semaphore(%arg12 : memref<!tpu.dma_semaphore, #tpu.memory_space<semaphore_mem>>)
    %dma_start3A_92 = arith.constant 7 : i32
    %dma_start3A_93 = arith.constant 0 : i32
    %dma_start3A_94 = arith.constant 0 : i32
    %dma_start3A_95 = tpu.memref_slice %arg7[%dma_start3A_92, %dma_start3A_93, %dma_start3A_94] : memref<16x200x16xf32, #tpu.memory_space<vmem>> -> memref<1x200x16xf32, #tpu.memory_space<vmem>>
    %dma_start3A_96 = tpu.memref_squeeze %dma_start3A_95 : memref<1x200x16xf32, #tpu.memory_space<vmem>> -> memref<200x16xf32, #tpu.memory_space<vmem>>
    %dma_start3A_97 = arith.constant 1400 : i32
    %dma_start3A_98 = tpu.memref_slice %arg5[%dma_start3A_97] : memref<10000xi32, #tpu.memory_space<vmem>> -> memref<200xi32, #tpu.memory_space<vmem>>
    %dma_start3A_99 = arith.constant 0 : i32
    %dma_start3A_100 = arith.constant 0 : i32
    %dma_start3A_101 = tpu.memref_slice %arg2[%dma_start3A_99, %dma_start3A_100] : memref<10240x16xf32, #tpu.memory_space<hbm>> -> memref<10240x16xf32, #tpu.memory_space<hbm>>
    tpu.enqueue_indirect_dma source(%dma_start3A_101 : memref<10240x16xf32, #tpu.memory_space<hbm>>) target(%dma_start3A_96 : memref<200x16xf32, #tpu.memory_space<vmem>>) offsets(%dma_start3A_98 : memref<200xi32, #tpu.memory_space<vmem>>) semaphore(%arg12 : memref<!tpu.dma_semaphore, #tpu.memory_space<semaphore_mem>>)
    %scan3A_102 = arith.constant 0 : i32
    %scan3A_103 = arith.constant 0 : i32
    %scan3A_104 = arith.constant 50 : i32
    %scan3A_105 = arith.addi %scan3A_103, %scan3A_104 : i32
    %scan3A_106 = arith.constant 1 : i32
    scf.for %scan3A_198 = %scan3A_103 to %scan3A_105 step %scan3A_106  : i32 {
      %rem3A = arith.constant 16 : i32
      %rem3A_199 = arith.remsi %scan3A_198, %rem3A : i32
      %ge3A = arith.constant 8 : i32
      %ge3A_200 = arith.cmpi sge, %scan3A_198, %ge3A : i32
      %convert_element_type3A = arith.extui %ge3A_200 : i1 to i32
      %cond3A = arith.constant 0 : i32
      %cond3A_201 = arith.cmpi ne, %convert_element_type3A, %cond3A : i32
      scf.if %cond3A_201 {
        %sub3A = arith.constant 8 : i32
        %sub3A_228 = arith.subi %scan3A_198, %sub3A : i32
        %rem3A_229 = arith.constant 16 : i32
        %rem3A_230 = arith.remsi %sub3A_228, %rem3A_229 : i32
        %mul3A_231 = arith.constant 200 : i32
        %mul3A_232 = arith.muli %sub3A_228, %mul3A_231 : i32
        %dma_wait3A_233 = arith.constant 0 : i32
        %dma_wait3A_234 = arith.constant 0 : i32
        %dma_wait3A_235 = tpu.memref_slice %arg7[%rem3A_230, %dma_wait3A_233, %dma_wait3A_234] : memref<16x200x16xf32, #tpu.memory_space<vmem>> -> memref<1x200x16xf32, #tpu.memory_space<vmem>>
        %dma_wait3A_236 = tpu.memref_squeeze %dma_wait3A_235 : memref<1x200x16xf32, #tpu.memory_space<vmem>> -> memref<200x16xf32, #tpu.memory_space<vmem>>
        %dma_wait3A_237 = tpu.memref_slice %arg6[%mul3A_232] : memref<10000xi32, #tpu.memory_space<vmem>> -> memref<200xi32, #tpu.memory_space<vmem>>
        %dma_wait3A_238 = arith.constant 0 : i32
        %dma_wait3A_239 = arith.constant 0 : i32
        %dma_wait3A_240 = tpu.memref_slice %arg11[%dma_wait3A_238, %dma_wait3A_239] : memref<10240x16xf32, #tpu.memory_space<vmem_shared>> -> memref<10240x16xf32, #tpu.memory_space<vmem_shared>>
        tpu.wait_indirect_dma semaphore(%arg13 : memref<!tpu.dma_semaphore, #tpu.memory_space<semaphore_mem>>) src(%dma_wait3A_236 : memref<200x16xf32, #tpu.memory_space<vmem>>) dst(%dma_wait3A_240 : memref<10240x16xf32, #tpu.memory_space<vmem_shared>>)
      } else {
      }
      %mul3A_202 = arith.constant 200 : i32
      %mul3A_203 = arith.muli %scan3A_198, %mul3A_202 : i32
      %dma_wait3A_204 = arith.constant 0 : i32
      %dma_wait3A_205 = arith.constant 0 : i32
      %dma_wait3A_206 = tpu.memref_slice %arg7[%rem3A_199, %dma_wait3A_204, %dma_wait3A_205] : memref<16x200x16xf32, #tpu.memory_space<vmem>> -> memref<1x200x16xf32, #tpu.memory_space<vmem>>
      %dma_wait3A_207 = tpu.memref_squeeze %dma_wait3A_206 : memref<1x200x16xf32, #tpu.memory_space<vmem>> -> memref<200x16xf32, #tpu.memory_space<vmem>>
      %dma_wait3A_208 = tpu.memref_slice %arg5[%mul3A_203] : memref<10000xi32, #tpu.memory_space<vmem>> -> memref<200xi32, #tpu.memory_space<vmem>>
      %dma_wait3A_209 = arith.constant 0 : i32
      %dma_wait3A_210 = arith.constant 0 : i32
      %dma_wait3A_211 = tpu.memref_slice %arg2[%dma_wait3A_209, %dma_wait3A_210] : memref<10240x16xf32, #tpu.memory_space<hbm>> -> memref<10240x16xf32, #tpu.memory_space<hbm>>
      tpu.wait_indirect_dma semaphore(%arg12 : memref<!tpu.dma_semaphore, #tpu.memory_space<semaphore_mem>>) src(%dma_wait3A_211 : memref<10240x16xf32, #tpu.memory_space<hbm>>) dst(%dma_wait3A_207 : memref<200x16xf32, #tpu.memory_space<vmem>>)
      %mul3A_212 = arith.constant 200 : i32
      %mul3A_213 = arith.muli %scan3A_198, %mul3A_212 : i32
      %dma_start3A_214 = arith.constant 0 : i32
      %dma_start3A_215 = arith.constant 0 : i32
      %dma_start3A_216 = tpu.memref_slice %arg7[%rem3A_199, %dma_start3A_214, %dma_start3A_215] : memref<16x200x16xf32, #tpu.memory_space<vmem>> -> memref<1x200x16xf32, #tpu.memory_space<vmem>>
      %dma_start3A_217 = tpu.memref_squeeze %dma_start3A_216 : memref<1x200x16xf32, #tpu.memory_space<vmem>> -> memref<200x16xf32, #tpu.memory_space<vmem>>
      %dma_start3A_218 = tpu.memref_slice %arg6[%mul3A_213] : memref<10000xi32, #tpu.memory_space<vmem>> -> memref<200xi32, #tpu.memory_space<vmem>>
      %dma_start3A_219 = arith.constant 0 : i32
      %dma_start3A_220 = arith.constant 0 : i32
      %dma_start3A_221 = tpu.memref_slice %arg11[%dma_start3A_219, %dma_start3A_220] : memref<10240x16xf32, #tpu.memory_space<vmem_shared>> -> memref<10240x16xf32, #tpu.memory_space<vmem_shared>>
      tpu.enqueue_indirect_dma source(%dma_start3A_217 : memref<200x16xf32, #tpu.memory_space<vmem>>) target(%dma_start3A_221 : memref<10240x16xf32, #tpu.memory_space<vmem_shared>>) offsets(%dma_start3A_218 : memref<200xi32, #tpu.memory_space<vmem>>) semaphore(%arg13 : memref<!tpu.dma_semaphore, #tpu.memory_space<semaphore_mem>>) {add = true}
      %add3A_222 = arith.constant 8 : i32
      %add3A_223 = arith.addi %scan3A_198, %add3A_222 : i32
      %lt3A = arith.constant 50 : i32
      %lt3A_224 = arith.cmpi slt, %add3A_223, %lt3A : i32
      %convert_element_type3A_225 = arith.extui %lt3A_224 : i1 to i32
      %cond3A_226 = arith.constant 0 : i32
      %cond3A_227 = arith.cmpi ne, %convert_element_type3A_225, %cond3A_226 : i32
      scf.if %cond3A_227 {
        %add3A_228 = arith.constant 8 : i32
        %add3A_229 = arith.addi %scan3A_198, %add3A_228 : i32
        %mul3A_230 = arith.constant 200 : i32
        %mul3A_231 = arith.muli %add3A_229, %mul3A_230 : i32
        %rem3A_232 = arith.constant 16 : i32
        %rem3A_233 = arith.remsi %add3A_229, %rem3A_232 : i32
        %dma_start3A_234 = arith.constant 0 : i32
        %dma_start3A_235 = arith.constant 0 : i32
        %dma_start3A_236 = tpu.memref_slice %arg7[%rem3A_233, %dma_start3A_234, %dma_start3A_235] : memref<16x200x16xf32, #tpu.memory_space<vmem>> -> memref<1x200x16xf32, #tpu.memory_space<vmem>>
        %dma_start3A_237 = tpu.memref_squeeze %dma_start3A_236 : memref<1x200x16xf32, #tpu.memory_space<vmem>> -> memref<200x16xf32, #tpu.memory_space<vmem>>
        %dma_start3A_238 = tpu.memref_slice %arg5[%mul3A_231] : memref<10000xi32, #tpu.memory_space<vmem>> -> memref<200xi32, #tpu.memory_space<vmem>>
        %dma_start3A_239 = arith.constant 0 : i32
        %dma_start3A_240 = arith.constant 0 : i32
        %dma_start3A_241 = tpu.memref_slice %arg2[%dma_start3A_239, %dma_start3A_240] : memref<10240x16xf32, #tpu.memory_space<hbm>> -> memref<10240x16xf32, #tpu.memory_space<hbm>>
        tpu.enqueue_indirect_dma source(%dma_start3A_241 : memref<10240x16xf32, #tpu.memory_space<hbm>>) target(%dma_start3A_237 : memref<200x16xf32, #tpu.memory_space<vmem>>) offsets(%dma_start3A_238 : memref<200xi32, #tpu.memory_space<vmem>>) semaphore(%arg12 : memref<!tpu.dma_semaphore, #tpu.memory_space<semaphore_mem>>)
      } else {
      }
    }
    %scan3A_107 = arith.constant 50 : i32
    %dma_start3A_108 = arith.constant 0 : i32
    %dma_start3A_109 = arith.constant 0 : i32
    %dma_start3A_110 = tpu.memref_slice %arg11[%dma_start3A_108, %dma_start3A_109] : memref<10240x16xf32, #tpu.memory_space<vmem_shared>> -> memref<10240x16xf32, #tpu.memory_space<vmem_shared>>
    tpu.enqueue_indirect_dma source(%arg8 : memref<320x16xf32, #tpu.memory_space<vmem>>) target(%dma_start3A_110 : memref<10240x16xf32, #tpu.memory_space<vmem_shared>>) offsets(%arg9 : memref<320xi32, #tpu.memory_space<vmem>>) semaphore(%arg13 : memref<!tpu.dma_semaphore, #tpu.memory_space<semaphore_mem>>) {add = true}
    %dma_wait3A = arith.constant 10 : i32
    %dma_wait3A_111 = arith.constant 0 : i32
    %dma_wait3A_112 = arith.constant 0 : i32
    %dma_wait3A_113 = tpu.memref_slice %arg7[%dma_wait3A, %dma_wait3A_111, %dma_wait3A_112] : memref<16x200x16xf32, #tpu.memory_space<vmem>> -> memref<1x200x16xf32, #tpu.memory_space<vmem>>
    %dma_wait3A_114 = tpu.memref_squeeze %dma_wait3A_113 : memref<1x200x16xf32, #tpu.memory_space<vmem>> -> memref<200x16xf32, #tpu.memory_space<vmem>>
    %dma_wait3A_115 = arith.constant 8400 : i32
    %dma_wait3A_116 = tpu.memref_slice %arg6[%dma_wait3A_115] : memref<10000xi32, #tpu.memory_space<vmem>> -> memref<200xi32, #tpu.memory_space<vmem>>
    %dma_wait3A_117 = arith.constant 0 : i32
    %dma_wait3A_118 = arith.constant 0 : i32
    %dma_wait3A_119 = tpu.memref_slice %arg11[%dma_wait3A_117, %dma_wait3A_118] : memref<10240x16xf32, #tpu.memory_space<vmem_shared>> -> memref<10240x16xf32, #tpu.memory_space<vmem_shared>>
    tpu.wait_indirect_dma semaphore(%arg13 : memref<!tpu.dma_semaphore, #tpu.memory_space<semaphore_mem>>) src(%dma_wait3A_114 : memref<200x16xf32, #tpu.memory_space<vmem>>) dst(%dma_wait3A_119 : memref<10240x16xf32, #tpu.memory_space<vmem_shared>>)
    %dma_wait3A_120 = arith.constant 11 : i32
    %dma_wait3A_121 = arith.constant 0 : i32
    %dma_wait3A_122 = arith.constant 0 : i32
    %dma_wait3A_123 = tpu.memref_slice %arg7[%dma_wait3A_120, %dma_wait3A_121, %dma_wait3A_122] : memref<16x200x16xf32, #tpu.memory_space<vmem>> -> memref<1x200x16xf32, #tpu.memory_space<vmem>>
    %dma_wait3A_124 = tpu.memref_squeeze %dma_wait3A_123 : memref<1x200x16xf32, #tpu.memory_space<vmem>> -> memref<200x16xf32, #tpu.memory_space<vmem>>
    %dma_wait3A_125 = arith.constant 8600 : i32
    %dma_wait3A_126 = tpu.memref_slice %arg6[%dma_wait3A_125] : memref<10000xi32, #tpu.memory_space<vmem>> -> memref<200xi32, #tpu.memory_space<vmem>>
    %dma_wait3A_127 = arith.constant 0 : i32
    %dma_wait3A_128 = arith.constant 0 : i32
    %dma_wait3A_129 = tpu.memref_slice %arg11[%dma_wait3A_127, %dma_wait3A_128] : memref<10240x16xf32, #tpu.memory_space<vmem_shared>> -> memref<10240x16xf32, #tpu.memory_space<vmem_shared>>
    tpu.wait_indirect_dma semaphore(%arg13 : memref<!tpu.dma_semaphore, #tpu.memory_space<semaphore_mem>>) src(%dma_wait3A_124 : memref<200x16xf32, #tpu.memory_space<vmem>>) dst(%dma_wait3A_129 : memref<10240x16xf32, #tpu.memory_space<vmem_shared>>)
    %dma_wait3A_130 = arith.constant 12 : i32
    %dma_wait3A_131 = arith.constant 0 : i32
    %dma_wait3A_132 = arith.constant 0 : i32
    %dma_wait3A_133 = tpu.memref_slice %arg7[%dma_wait3A_130, %dma_wait3A_131, %dma_wait3A_132] : memref<16x200x16xf32, #tpu.memory_space<vmem>> -> memref<1x200x16xf32, #tpu.memory_space<vmem>>
    %dma_wait3A_134 = tpu.memref_squeeze %dma_wait3A_133 : memref<1x200x16xf32, #tpu.memory_space<vmem>> -> memref<200x16xf32, #tpu.memory_space<vmem>>
    %dma_wait3A_135 = arith.constant 8800 : i32
    %dma_wait3A_136 = tpu.memref_slice %arg6[%dma_wait3A_135] : memref<10000xi32, #tpu.memory_space<vmem>> -> memref<200xi32, #tpu.memory_space<vmem>>
    %dma_wait3A_137 = arith.constant 0 : i32
    %dma_wait3A_138 = arith.constant 0 : i32
    %dma_wait3A_139 = tpu.memref_slice %arg11[%dma_wait3A_137, %dma_wait3A_138] : memref<10240x16xf32, #tpu.memory_space<vmem_shared>> -> memref<10240x16xf32, #tpu.memory_space<vmem_shared>>
    tpu.wait_indirect_dma semaphore(%arg13 : memref<!tpu.dma_semaphore, #tpu.memory_space<semaphore_mem>>) src(%dma_wait3A_134 : memref<200x16xf32, #tpu.memory_space<vmem>>) dst(%dma_wait3A_139 : memref<10240x16xf32, #tpu.memory_space<vmem_shared>>)
    %dma_wait3A_140 = arith.constant 13 : i32
    %dma_wait3A_141 = arith.constant 0 : i32
    %dma_wait3A_142 = arith.constant 0 : i32
    %dma_wait3A_143 = tpu.memref_slice %arg7[%dma_wait3A_140, %dma_wait3A_141, %dma_wait3A_142] : memref<16x200x16xf32, #tpu.memory_space<vmem>> -> memref<1x200x16xf32, #tpu.memory_space<vmem>>
    %dma_wait3A_144 = tpu.memref_squeeze %dma_wait3A_143 : memref<1x200x16xf32, #tpu.memory_space<vmem>> -> memref<200x16xf32, #tpu.memory_space<vmem>>
    %dma_wait3A_145 = arith.constant 9000 : i32
    %dma_wait3A_146 = tpu.memref_slice %arg6[%dma_wait3A_145] : memref<10000xi32, #tpu.memory_space<vmem>> -> memref<200xi32, #tpu.memory_space<vmem>>
    %dma_wait3A_147 = arith.constant 0 : i32
    %dma_wait3A_148 = arith.constant 0 : i32
    %dma_wait3A_149 = tpu.memref_slice %arg11[%dma_wait3A_147, %dma_wait3A_148] : memref<10240x16xf32, #tpu.memory_space<vmem_shared>> -> memref<10240x16xf32, #tpu.memory_space<vmem_shared>>
    tpu.wait_indirect_dma semaphore(%arg13 : memref<!tpu.dma_semaphore, #tpu.memory_space<semaphore_mem>>) src(%dma_wait3A_144 : memref<200x16xf32, #tpu.memory_space<vmem>>) dst(%dma_wait3A_149 : memref<10240x16xf32, #tpu.memory_space<vmem_shared>>)
    %dma_wait3A_150 = arith.constant 14 : i32
    %dma_wait3A_151 = arith.constant 0 : i32
    %dma_wait3A_152 = arith.constant 0 : i32
    %dma_wait3A_153 = tpu.memref_slice %arg7[%dma_wait3A_150, %dma_wait3A_151, %dma_wait3A_152] : memref<16x200x16xf32, #tpu.memory_space<vmem>> -> memref<1x200x16xf32, #tpu.memory_space<vmem>>
    %dma_wait3A_154 = tpu.memref_squeeze %dma_wait3A_153 : memref<1x200x16xf32, #tpu.memory_space<vmem>> -> memref<200x16xf32, #tpu.memory_space<vmem>>
    %dma_wait3A_155 = arith.constant 9200 : i32
    %dma_wait3A_156 = tpu.memref_slice %arg6[%dma_wait3A_155] : memref<10000xi32, #tpu.memory_space<vmem>> -> memref<200xi32, #tpu.memory_space<vmem>>
    %dma_wait3A_157 = arith.constant 0 : i32
    %dma_wait3A_158 = arith.constant 0 : i32
    %dma_wait3A_159 = tpu.memref_slice %arg11[%dma_wait3A_157, %dma_wait3A_158] : memref<10240x16xf32, #tpu.memory_space<vmem_shared>> -> memref<10240x16xf32, #tpu.memory_space<vmem_shared>>
    tpu.wait_indirect_dma semaphore(%arg13 : memref<!tpu.dma_semaphore, #tpu.memory_space<semaphore_mem>>) src(%dma_wait3A_154 : memref<200x16xf32, #tpu.memory_space<vmem>>) dst(%dma_wait3A_159 : memref<10240x16xf32, #tpu.memory_space<vmem_shared>>)
    %dma_wait3A_160 = arith.constant 15 : i32
    %dma_wait3A_161 = arith.constant 0 : i32
    %dma_wait3A_162 = arith.constant 0 : i32
    %dma_wait3A_163 = tpu.memref_slice %arg7[%dma_wait3A_160, %dma_wait3A_161, %dma_wait3A_162] : memref<16x200x16xf32, #tpu.memory_space<vmem>> -> memref<1x200x16xf32, #tpu.memory_space<vmem>>
    %dma_wait3A_164 = tpu.memref_squeeze %dma_wait3A_163 : memref<1x200x16xf32, #tpu.memory_space<vmem>> -> memref<200x16xf32, #tpu.memory_space<vmem>>
    %dma_wait3A_165 = arith.constant 9400 : i32
    %dma_wait3A_166 = tpu.memref_slice %arg6[%dma_wait3A_165] : memref<10000xi32, #tpu.memory_space<vmem>> -> memref<200xi32, #tpu.memory_space<vmem>>
    %dma_wait3A_167 = arith.constant 0 : i32
    %dma_wait3A_168 = arith.constant 0 : i32
    %dma_wait3A_169 = tpu.memref_slice %arg11[%dma_wait3A_167, %dma_wait3A_168] : memref<10240x16xf32, #tpu.memory_space<vmem_shared>> -> memref<10240x16xf32, #tpu.memory_space<vmem_shared>>
    tpu.wait_indirect_dma semaphore(%arg13 : memref<!tpu.dma_semaphore, #tpu.memory_space<semaphore_mem>>) src(%dma_wait3A_164 : memref<200x16xf32, #tpu.memory_space<vmem>>) dst(%dma_wait3A_169 : memref<10240x16xf32, #tpu.memory_space<vmem_shared>>)
    %dma_wait3A_170 = arith.constant 0 : i32
    %dma_wait3A_171 = arith.constant 0 : i32
    %dma_wait3A_172 = arith.constant 0 : i32
    %dma_wait3A_173 = tpu.memref_slice %arg7[%dma_wait3A_170, %dma_wait3A_171, %dma_wait3A_172] : memref<16x200x16xf32, #tpu.memory_space<vmem>> -> memref<1x200x16xf32, #tpu.memory_space<vmem>>
    %dma_wait3A_174 = tpu.memref_squeeze %dma_wait3A_173 : memref<1x200x16xf32, #tpu.memory_space<vmem>> -> memref<200x16xf32, #tpu.memory_space<vmem>>
    %dma_wait3A_175 = arith.constant 9600 : i32
    %dma_wait3A_176 = tpu.memref_slice %arg6[%dma_wait3A_175] : memref<10000xi32, #tpu.memory_space<vmem>> -> memref<200xi32, #tpu.memory_space<vmem>>
    %dma_wait3A_177 = arith.constant 0 : i32
    %dma_wait3A_178 = arith.constant 0 : i32
    %dma_wait3A_179 = tpu.memref_slice %arg11[%dma_wait3A_177, %dma_wait3A_178] : memref<10240x16xf32, #tpu.memory_space<vmem_shared>> -> memref<10240x16xf32, #tpu.memory_space<vmem_shared>>
    tpu.wait_indirect_dma semaphore(%arg13 : memref<!tpu.dma_semaphore, #tpu.memory_space<semaphore_mem>>) src(%dma_wait3A_174 : memref<200x16xf32, #tpu.memory_space<vmem>>) dst(%dma_wait3A_179 : memref<10240x16xf32, #tpu.memory_space<vmem_shared>>)
    %dma_wait3A_180 = arith.constant 1 : i32
    %dma_wait3A_181 = arith.constant 0 : i32
    %dma_wait3A_182 = arith.constant 0 : i32
    %dma_wait3A_183 = tpu.memref_slice %arg7[%dma_wait3A_180, %dma_wait3A_181, %dma_wait3A_182] : memref<16x200x16xf32, #tpu.memory_space<vmem>> -> memref<1x200x16xf32, #tpu.memory_space<vmem>>
    %dma_wait3A_184 = tpu.memref_squeeze %dma_wait3A_183 : memref<1x200x16xf32, #tpu.memory_space<vmem>> -> memref<200x16xf32, #tpu.memory_space<vmem>>
    %dma_wait3A_185 = arith.constant 9800 : i32
    %dma_wait3A_186 = tpu.memref_slice %arg6[%dma_wait3A_185] : memref<10000xi32, #tpu.memory_space<vmem>> -> memref<200xi32, #tpu.memory_space<vmem>>
    %dma_wait3A_187 = arith.constant 0 : i32
    %dma_wait3A_188 = arith.constant 0 : i32
    %dma_wait3A_189 = tpu.memref_slice %arg11[%dma_wait3A_187, %dma_wait3A_188] : memref<10240x16xf32, #tpu.memory_space<vmem_shared>> -> memref<10240x16xf32, #tpu.memory_space<vmem_shared>>
    tpu.wait_indirect_dma semaphore(%arg13 : memref<!tpu.dma_semaphore, #tpu.memory_space<semaphore_mem>>) src(%dma_wait3A_184 : memref<200x16xf32, #tpu.memory_space<vmem>>) dst(%dma_wait3A_189 : memref<10240x16xf32, #tpu.memory_space<vmem_shared>>)
    %dma_wait3A_190 = arith.constant 0 : i32
    %dma_wait3A_191 = arith.constant 0 : i32
    %dma_wait3A_192 = tpu.memref_slice %arg11[%dma_wait3A_190, %dma_wait3A_191] : memref<10240x16xf32, #tpu.memory_space<vmem_shared>> -> memref<10240x16xf32, #tpu.memory_space<vmem_shared>>
    tpu.wait_indirect_dma semaphore(%arg13 : memref<!tpu.dma_semaphore, #tpu.memory_space<semaphore_mem>>) src(%arg8 : memref<320x16xf32, #tpu.memory_space<vmem>>) dst(%dma_wait3A_192 : memref<10240x16xf32, #tpu.memory_space<vmem_shared>>)
    %barrier3A_193 = arith.constant 0 : index
    tpu.barrier barrier_id(%barrier3A_193)
    %mul3A_194 = arith.constant 640 : i32
    %mul3A_195 = arith.muli %arg1, %mul3A_194 : i32
    %mul3A_196 = arith.constant 640 : i32
    %mul3A_197 = arith.muli %arg1, %mul3A_196 : i32
    "tpu.region"() ({
      %run_scoped3A_198 = tpu.sem_alloc : memref<!tpu.dma_semaphore, #tpu.memory_space<semaphore_mem>>
      %dma_start3A_199 = arith.constant 0 : i32
      %dma_start3A_200 = tpu.memref_slice %arg4[%arg0, %mul3A_197, %dma_start3A_199] : memref<2x10240x16xf32, #tpu.memory_space<hbm>> -> memref<1x640x16xf32, #tpu.memory_space<hbm>>
      %dma_start3A_201 = tpu.memref_squeeze %dma_start3A_200 : memref<1x640x16xf32, #tpu.memory_space<hbm>> -> memref<640x16xf32, #tpu.memory_space<hbm>>
      %dma_start3A_202 = arith.constant 0 : i32
      %dma_start3A_203 = tpu.memref_slice %arg11[%mul3A_195, %dma_start3A_202] : memref<10240x16xf32, #tpu.memory_space<vmem_shared>> -> memref<640x16xf32, #tpu.memory_space<vmem_shared>>
      tpu.enqueue_dma source(%dma_start3A_203 : memref<640x16xf32, #tpu.memory_space<vmem_shared>>) target(%dma_start3A_201 : memref<640x16xf32, #tpu.memory_space<hbm>>) target_semaphore(%run_scoped3A_198 : memref<!tpu.dma_semaphore, #tpu.memory_space<semaphore_mem>>)
      %dma_wait3A_204 = arith.constant 0 : i32
      %dma_wait3A_205 = tpu.memref_slice %arg4[%arg0, %mul3A_197, %dma_wait3A_204] : memref<2x10240x16xf32, #tpu.memory_space<hbm>> -> memref<1x640x16xf32, #tpu.memory_space<hbm>>
      %dma_wait3A_206 = tpu.memref_squeeze %dma_wait3A_205 : memref<1x640x16xf32, #tpu.memory_space<hbm>> -> memref<640x16xf32, #tpu.memory_space<hbm>>
      %dma_wait3A_207 = arith.constant 0 : i32
      %dma_wait3A_208 = tpu.memref_slice %arg11[%mul3A_195, %dma_wait3A_207] : memref<10240x16xf32, #tpu.memory_space<vmem_shared>> -> memref<640x16xf32, #tpu.memory_space<vmem_shared>>
      tpu.wait_dma2 semaphore(%run_scoped3A_198 : memref<!tpu.dma_semaphore, #tpu.memory_space<semaphore_mem>>) src(%dma_wait3A_208 : memref<640x16xf32, #tpu.memory_space<vmem_shared>>) dst(%dma_wait3A_206 : memref<640x16xf32, #tpu.memory_space<hbm>>)
      tpu.yield
    }) : () -> ()
    return
  }
}

module attributes {stable_mosaic.version = 14 : i64} {
  func.func @_dA_body(%arg0: memref<1280x1024xf32, #tpu.memory_space<vmem>>, %arg1: memref<1024x128xf32, #tpu.memory_space<vmem>>, %arg2: memref<1280x128xf32, #tpu.memory_space<vmem>>) attributes {dimension_semantics = [], scalar_prefetch = 0 : i64, scratch_operands = 0 : i64, tpu.core_type = #tpu.core_type<tc>} {
    %get3A = arith.constant 0 : index
    %get3A_0 = arith.constant 0 : index
    %get3A_1 = vector.load %arg0[%get3A, %get3A_0] : memref<1280x1024xf32, #tpu.memory_space<vmem>>, vector<1280x1024xf32>
    %get3A_2 = arith.constant 0 : index
    %get3A_3 = arith.constant 0 : index
    %get3A_4 = vector.load %arg1[%get3A_2, %get3A_3] : memref<1024x128xf32, #tpu.memory_space<vmem>>, vector<1024x128xf32>
    %dot_general3A = arith.constant dense<0.000000e+00> : vector<1280x128xf32>
    %dot_general3A_5 = tpu.matmul %get3A_1, %get3A_4, %dot_general3A {dimension_numbers = #tpu.dot_dimension_numbers<[1], [0], [0], [1], [0, 0, 1, 1], [], []>, transpose_lhs_hint = false} : vector<1280x1024xf32>, vector<1024x128xf32>, vector<1280x128xf32> -> vector<1280x128xf32>
    %swap3A = arith.constant 0 : index
    %swap3A_6 = arith.constant 0 : index
    %swap3A_7 = vector.load %arg2[%swap3A, %swap3A_6] : memref<1280x128xf32, #tpu.memory_space<vmem>>, vector<1280x128xf32>
    tpu.vector_store %arg2[%swap3A, %swap3A_6], %dot_general3A_5 {strides = array<i32>} : memref<1280x128xf32, #tpu.memory_space<vmem>>, vector<1280x128xf32>,
    return
  }
}

module attributes {stable_mosaic.version = 14 : i64} {
  func.func @_dB_body(%arg0: memref<2x1280x128xf32, #tpu.memory_space<vmem>>, %arg1: memref<1280x128xf32, #tpu.memory_space<vmem>>, %arg2: memref<1280x128xf32, #tpu.memory_space<vmem>>, %arg3: memref<1280x128xf32, #tpu.memory_space<vmem>>) attributes {dimension_semantics = [], scalar_prefetch = 0 : i64, scratch_operands = 0 : i64, tpu.core_type = #tpu.core_type<tc>} {
    %get3A = arith.constant 0 : index
    %get3A_0 = arith.constant 0 : index
    %get3A_1 = arith.constant 0 : index
    %get3A_2 = vector.load %arg0[%get3A, %get3A_0, %get3A_1] : memref<2x1280x128xf32, #tpu.memory_space<vmem>>, vector<1x1280x128xf32>
    %get3A_3 = vector.shape_cast %get3A_2 : vector<1x1280x128xf32> to vector<1280x128xf32>
    %get3A_4 = arith.constant 1 : index
    %get3A_5 = arith.constant 0 : index
    %get3A_6 = arith.constant 0 : index
    %get3A_7 = vector.load %arg0[%get3A_4, %get3A_5, %get3A_6] : memref<2x1280x128xf32, #tpu.memory_space<vmem>>, vector<1x1280x128xf32>
    %get3A_8 = vector.shape_cast %get3A_7 : vector<1x1280x128xf32> to vector<1280x128xf32>
    %add3A = arith.addf %get3A_3, %get3A_8 : vector<1280x128xf32>
    %rsqrt3A = math.rsqrt %add3A : vector<1280x128xf32>
    %swap3A = arith.constant 0 : index
    %swap3A_9 = arith.constant 0 : index
    %swap3A_10 = vector.load %arg3[%swap3A, %swap3A_9] : memref<1280x128xf32, #tpu.memory_space<vmem>>, vector<1280x128xf32>
    tpu.vector_store %arg3[%swap3A, %swap3A_9], %rsqrt3A {strides = array<i32>} : memref<1280x128xf32, #tpu.memory_space<vmem>>, vector<1280x128xf32>,
    %get3A_11 = arith.constant 0 : index
    %get3A_12 = arith.constant 0 : index
    %get3A_13 = vector.load %arg1[%get3A_11, %get3A_12] : memref<1280x128xf32, #tpu.memory_space<vmem>>, vector<1280x128xf32>
    %mul3A = arith.mulf %rsqrt3A, %get3A_13 : vector<1280x128xf32>
    %swap3A_14 = arith.constant 0 : index
    %swap3A_15 = arith.constant 0 : index
    %swap3A_16 = vector.load %arg2[%swap3A_14, %swap3A_15] : memref<1280x128xf32, #tpu.memory_space<vmem>>, vector<1280x128xf32>
    tpu.vector_store %arg2[%swap3A_14, %swap3A_15], %mul3A {strides = array<i32>} : memref<1280x128xf32, #tpu.memory_space<vmem>>, vector<1280x128xf32>,
    return
  }
}

module attributes {stable_mosaic.version = 14 : i64} {
  func.func @_d1_body(%arg0: memref<2x1280x128xf32, #tpu.memory_space<vmem>>, %arg1: memref<1280x128xf32, #tpu.memory_space<vmem>>, %arg2: memref<128x128xf32, #tpu.memory_space<vmem>>, %arg3: memref<1x128xf32, #tpu.memory_space<vmem>>, %arg4: memref<1280x128xf32, #tpu.memory_space<vmem>>) attributes {dimension_semantics = [], scalar_prefetch = 0 : i64, scratch_operands = 0 : i64, tpu.core_type = #tpu.core_type<tc>} {
    %get3A = arith.constant 0 : index
    %get3A_0 = arith.constant 0 : index
    %get3A_1 = vector.load %arg1[%get3A, %get3A_0] : memref<1280x128xf32, #tpu.memory_space<vmem>>, vector<1280x128xf32>
    %get3A_2 = arith.constant 0 : index
    %get3A_3 = arith.constant 0 : index
    %get3A_4 = arith.constant 0 : index
    %get3A_5 = vector.load %arg0[%get3A_2, %get3A_3, %get3A_4] : memref<2x1280x128xf32, #tpu.memory_space<vmem>>, vector<1x1280x128xf32>
    %get3A_6 = vector.shape_cast %get3A_5 : vector<1x1280x128xf32> to vector<1280x128xf32>
    %get3A_7 = arith.constant 1 : index
    %get3A_8 = arith.constant 0 : index
    %get3A_9 = arith.constant 0 : index
    %get3A_10 = vector.load %arg0[%get3A_7, %get3A_8, %get3A_9] : memref<2x1280x128xf32, #tpu.memory_space<vmem>>, vector<1x1280x128xf32>
    %get3A_11 = vector.shape_cast %get3A_10 : vector<1x1280x128xf32> to vector<1280x128xf32>
    %add3A = arith.addf %get3A_6, %get3A_11 : vector<1280x128xf32>
    %mul3A = arith.mulf %get3A_1, %add3A : vector<1280x128xf32>
    %get3A_12 = arith.constant 0 : index
    %get3A_13 = arith.constant 0 : index
    %get3A_14 = vector.load %arg3[%get3A_12, %get3A_13] : memref<1x128xf32, #tpu.memory_space<vmem>>, vector<1x128xf32>
    %add3A_15 = vector.broadcast %get3A_14 : vector<1x128xf32> to vector<1280x128xf32>
    %add3A_16 = arith.addf %mul3A, %add3A_15 : vector<1280x128xf32>
    %max3A = arith.constant 0.000000e+00 : f32
    %max3A_17 = vector.broadcast %max3A : f32 to vector<1280x128xf32>
    %max3A_18 = arith.maximumf %add3A_16, %max3A_17 : vector<1280x128xf32>
    %get3A_19 = arith.constant 0 : index
    %get3A_20 = arith.constant 0 : index
    %get3A_21 = vector.load %arg2[%get3A_19, %get3A_20] : memref<128x128xf32, #tpu.memory_space<vmem>>, vector<128x128xf32>
    %dot_general3A = arith.constant dense<0.000000e+00> : vector<1280x128xf32>
    %dot_general3A_22 = tpu.matmul %max3A_18, %get3A_21, %dot_general3A {dimension_numbers = #tpu.dot_dimension_numbers<[1], [0], [0], [1], [0, 0, 1, 1], [], []>, transpose_lhs_hint = false} : vector<1280x128xf32>, vector<128x128xf32>, vector<1280x128xf32> -> vector<1280x128xf32>
    %mul3A_23 = arith.mulf %get3A_1, %dot_general3A_22 : vector<1280x128xf32>
    %swap3A = arith.constant 0 : index
    %swap3A_24 = arith.constant 0 : index
    %swap3A_25 = vector.load %arg4[%swap3A, %swap3A_24] : memref<1280x128xf32, #tpu.memory_space<vmem>>, vector<1280x128xf32>
    tpu.vector_store %arg4[%swap3A, %swap3A_24], %mul3A_23 {strides = array<i32>} : memref<1280x128xf32, #tpu.memory_space<vmem>>, vector<1280x128xf32>,
    return
  }
}

module attributes {stable_mosaic.version = 14 : i64} {
  func.func @_d2_body(%arg0: memref<2x1280x128xf32, #tpu.memory_space<vmem>>, %arg1: memref<1280x128xf32, #tpu.memory_space<vmem>>, %arg2: memref<1x128xf32, #tpu.memory_space<vmem>>, %arg3: memref<1280x128xf32, #tpu.memory_space<vmem>>) attributes {dimension_semantics = [], scalar_prefetch = 0 : i64, scratch_operands = 0 : i64, tpu.core_type = #tpu.core_type<tc>} {
    %get3A = arith.constant 0 : index
    %get3A_0 = arith.constant 0 : index
    %get3A_1 = vector.load %arg1[%get3A, %get3A_0] : memref<1280x128xf32, #tpu.memory_space<vmem>>, vector<1280x128xf32>
    %get3A_2 = arith.constant 0 : index
    %get3A_3 = arith.constant 0 : index
    %get3A_4 = arith.constant 0 : index
    %get3A_5 = vector.load %arg0[%get3A_2, %get3A_3, %get3A_4] : memref<2x1280x128xf32, #tpu.memory_space<vmem>>, vector<1x1280x128xf32>
    %get3A_6 = vector.shape_cast %get3A_5 : vector<1x1280x128xf32> to vector<1280x128xf32>
    %get3A_7 = arith.constant 1 : index
    %get3A_8 = arith.constant 0 : index
    %get3A_9 = arith.constant 0 : index
    %get3A_10 = vector.load %arg0[%get3A_7, %get3A_8, %get3A_9] : memref<2x1280x128xf32, #tpu.memory_space<vmem>>, vector<1x1280x128xf32>
    %get3A_11 = vector.shape_cast %get3A_10 : vector<1x1280x128xf32> to vector<1280x128xf32>
    %add3A = arith.addf %get3A_6, %get3A_11 : vector<1280x128xf32>
    %mul3A = arith.mulf %get3A_1, %add3A : vector<1280x128xf32>
    %get3A_12 = arith.constant 0 : index
    %get3A_13 = arith.constant 0 : index
    %get3A_14 = vector.load %arg2[%get3A_12, %get3A_13] : memref<1x128xf32, #tpu.memory_space<vmem>>, vector<1x128xf32>
    %add3A_15 = vector.broadcast %get3A_14 : vector<1x128xf32> to vector<1280x128xf32>
    %add3A_16 = arith.addf %mul3A, %add3A_15 : vector<1280x128xf32>
    %max3A = arith.constant 0.000000e+00 : f32
    %max3A_17 = vector.broadcast %max3A : f32 to vector<1280x128xf32>
    %max3A_18 = arith.maximumf %add3A_16, %max3A_17 : vector<1280x128xf32>
    %mul3A_19 = arith.mulf %get3A_1, %max3A_18 : vector<1280x128xf32>
    %swap3A = arith.constant 0 : index
    %swap3A_20 = arith.constant 0 : index
    %swap3A_21 = vector.load %arg3[%swap3A, %swap3A_20] : memref<1280x128xf32, #tpu.memory_space<vmem>>, vector<1280x128xf32>
    tpu.vector_store %arg3[%swap3A, %swap3A_20], %mul3A_19 {strides = array<i32>} : memref<1280x128xf32, #tpu.memory_space<vmem>>, vector<1280x128xf32>,
    return
  }
}

module attributes {stable_mosaic.version = 14 : i64} {
  func.func @_d3_body(%arg0: memref<2x1280x128xf32, #tpu.memory_space<vmem>>, %arg1: memref<1280x128xf32, #tpu.memory_space<vmem>>, %arg2: memref<128x1024xf32, #tpu.memory_space<vmem>>, %arg3: memref<1x1024xf32, #tpu.memory_space<vmem>>, %arg4: memref<10000x128xf32, #tpu.memory_space<vmem>>) attributes {dimension_semantics = [], scalar_prefetch = 0 : i64, scratch_operands = 0 : i64, tpu.core_type = #tpu.core_type<tc>} {
    %get3A = arith.constant 0 : index
    %get3A_0 = arith.constant 0 : index
    %get3A_1 = vector.load %arg1[%get3A, %get3A_0] : memref<1280x128xf32, #tpu.memory_space<vmem>>, vector<1250x128xf32>
    %get3A_2 = arith.constant 0 : index
    %get3A_3 = arith.constant 0 : index
    %get3A_4 = arith.constant 0 : index
    %get3A_5 = vector.load %arg0[%get3A_2, %get3A_3, %get3A_4] : memref<2x1280x128xf32, #tpu.memory_space<vmem>>, vector<1x1250x128xf32>
    %get3A_6 = vector.shape_cast %get3A_5 : vector<1x1250x128xf32> to vector<1250x128xf32>
    %get3A_7 = arith.constant 1 : index
    %get3A_8 = arith.constant 0 : index
    %get3A_9 = arith.constant 0 : index
    %get3A_10 = vector.load %arg0[%get3A_7, %get3A_8, %get3A_9] : memref<2x1280x128xf32, #tpu.memory_space<vmem>>, vector<1x1250x128xf32>
    %get3A_11 = vector.shape_cast %get3A_10 : vector<1x1250x128xf32> to vector<1250x128xf32>
    %add3A = arith.addf %get3A_6, %get3A_11 : vector<1250x128xf32>
    %mul3A = arith.mulf %get3A_1, %add3A : vector<1250x128xf32>
    %get3A_12 = arith.constant 0 : index
    %get3A_13 = arith.constant 0 : index
    %get3A_14 = vector.load %arg2[%get3A_12, %get3A_13] : memref<128x1024xf32, #tpu.memory_space<vmem>>, vector<128x1024xf32>
    %dot_general3A = arith.constant dense<0.000000e+00> : vector<1250x1024xf32>
    %dot_general3A_15 = tpu.matmul %mul3A, %get3A_14, %dot_general3A {dimension_numbers = #tpu.dot_dimension_numbers<[1], [0], [0], [1], [0, 0, 1, 1], [], []>, transpose_lhs_hint = false} : vector<1250x128xf32>, vector<128x1024xf32>, vector<1250x1024xf32> -> vector<1250x1024xf32>
    %get3A_16 = arith.constant 0 : index
    %get3A_17 = arith.constant 0 : index
    %get3A_18 = vector.load %arg3[%get3A_16, %get3A_17] : memref<1x1024xf32, #tpu.memory_space<vmem>>, vector<1x1024xf32>
    %add3A_19 = vector.broadcast %get3A_18 : vector<1x1024xf32> to vector<1250x1024xf32>
    %add3A_20 = arith.addf %dot_general3A_15, %add3A_19 : vector<1250x1024xf32>
    %reshape3A = vector.shape_cast %add3A_20 : vector<1250x1024xf32> to vector<10000x128xf32>
    %swap3A = arith.constant 0 : index
    %swap3A_21 = arith.constant 0 : index
    %swap3A_22 = vector.load %arg4[%swap3A, %swap3A_21] : memref<10000x128xf32, #tpu.memory_space<vmem>>, vector<10000x128xf32>
    tpu.vector_store %arg4[%swap3A, %swap3A_21], %reshape3A {strides = array<i32>} : memref<10000x128xf32, #tpu.memory_space<vmem>>, vector<10000x128xf32>,
    return
  }
}

</mosaic_0001>

<sc_bundles>
// kernel: kernel.11.cloned.1.call-start
scs
__scs_entry_jumppad:
0x0: {  	(pc) =	sbr.rel $0x88, $3  }
0x1: {  	(tag) =	ssettag $0x0;
	lr =	simm.s32 $0x1  }
0x2: {  	[smem:$0x3F99] =	sst lr;
	_ =	strace $0xD0000000  }
0x3: {  	_ = 	snop  }
0x4: {  	_ = 	snop  }
0x5: {  	_ = 	snop  }
0x6: {  	_ = 	snop  }
0x7: {  	_ = 	snop  }
__scs_overlays_trampoline_lowered:
0x8: {  	[smem:$0x3FA8] =	sst s0  }
0x9: {  	[smem:$0x3FA9] =	sst s1  }
0xa: {  	[smem:$0x3FAA] =	sst s2  }
0xb: {  	[smem:$0x3FAB] =	sst s3  }
0xc: {  	[smem:$0x3FAC] =	sst s4  }
0xd: {  	[smem:$0x3FAD] =	sst s5  }
0xe: {  	[smem:$0x3FAE] =	sst s6  }
0xf: {  	[smem:$0x3FAF] =	sst s7  }
0x10: {  	[smem:$0x3FB0] =	sst s8  }
0x11: {  	[smem:$0x3FB1] =	sst s9;
	s0 =	simm.s32 @!p0 $0x0  }
0x12: {  	s1 =	sld [smem:$0x3F97];
	s0 =	simm.s32 @p0 $0x1  }
0x13: {  	[smem:$0x3FB2] =	sst s0;
	s0 =	simm.s32 @!p1 $0x0  }
0x14: {  	s2 =	sld [smem:$0x3F96];
	s0 =	simm.s32 @p1 $0x1  }
0x15: {  	[smem:$0x3FB3] =	sst s0;
	s0 =	simm.s32 @!p2 $0x0  }
0x16: {  	s3 =	sld [smem:$0x3FDB];
	s0 =	simm.s32 @p2 $0x1  }
0x17: {  	s4 =	simm.s32 $0x1BF5;
	[smem:$0x3FB5] =	sst s0  }
0x18: {  	s0 =	sld [smem:$0x3F98];
	_ =	swait.ge [sflag:s4], $0x0  }
0x19: {  	s7 =	sld [smem:$0x3F99]  }
0x1a: {  	s8 =	sadd.s32 $0xFFFFE003, lr  }
0x1b: {  	s9 =	sadd.s32 $0xFFFFFEF7, lr;
	s5 =	simm.s32 $0xFFFFFFFF;
	p2 =	slt.u32 s8, $0xFFFFF086  }
0x1c: {  	p1 =	slt.u32 s9, $0xF7A;
	s5 =	simm.s32 @!p2 $0x0  }
0x1d: {  	s5 =	simm.s32 @p1 $0x1;
	p0 =	seq.s32 s7, s2  }
0x1e: {  	s7 =	smul.u32 @!p0 $0xF7A, s2;
	p2 =	seq.s32 @!p0 s5, $0x0  }
0x1f: {  	s9 =	smul.u32 $0xF7A, s1;
	s8 =	simm.s32 @!p0 $0x1BF5;
	p2 =	por !p2, p0  }
0x20: {  	[sflag:s8] =	ssyncset.s32 @!p0 $0xFFFFF086;
	s6 =	sadd.s32 @!p0 s3, s7;
	s7 =	simm.s32 @!p0 $0x108  }
0x21: {  	s3 =	sadd.s32 s3, s9;
	s6 =	sadd.s32 @!p0 $0x88, s6;
	s7 =	simm.s32 @p2 $0x1082  }
0x22: {  	[simem:s7], [sflag:s8] =	dma.local @!p0 [hbm:s6], $0xF7A  }
0x23: {  	s9 =	sor.u32 $0xD0000000, s2;
	s6 =	simm.s32 $0x108;
	_ =	swait.ge @!p0 [sflag:s8], $0x0  }
0x24: {  	s3 =	sadd.s32 $0x88, s3;
	s6 =	simm.s32 @!p1 $0x1082;
	[sflag:s4] =	ssyncset.s32 $0xFFFFF086  }
0x25: {  	[simem:s6], [sflag:s4] =	dma.local [hbm:s3], $0xF7A  }
0x26: {  	[smem:$0x3F99] =	sst s1;
	(tag) =	ssettag s2;
	_ =	strace s9  }
0x27: {  	s1 =	sld [smem:$0x3FA9]  }
0x28: {  	s2 =	sld [smem:$0x3FAA]  }
0x29: {  	s4 =	sld [smem:$0x3FAC]  }
0x2a: {  	p0 =	seq.s32 s5, $0x0;
	s5 =	sld [smem:$0x3FAD]  }
0x2b: {  	s6 =	sld [smem:$0x3FAE]  }
0x2c: {  	s7 =	sld [smem:$0x3FAF]  }
0x2d: {  	s3 =	simm.s32 $0x108;
	s8 =	sld [smem:$0x3FB0]  }
0x2e: {  	s3 =	simm.s32 @!p0 $0x1082;
	s9 =	sld [smem:$0x3FB1]  }
0x2f: {  	lr =	sadd.s32 s0, s3;
	s0 =	sld [smem:$0x3FA8]  }
0x30: {  	s3 =	sld [smem:$0x3FAB]  }
0x31: {  	[smem:$0x3FB4] =	sst s10  }
0x32: {  	s10 =	sld [smem:$0x3FB2];
	_ =	sdelay $0x3  }
0x33: {  	p0 =	seq.s32 s10, $0x1;
	s10 =	sld [smem:$0x3FB4];
	_ =	sdelay $0x3  }
0x34: {  	[smem:$0x3FB4] =	sst s10  }
0x35: {  	s10 =	sld [smem:$0x3FB3];
	_ =	sdelay $0x3  }
0x36: {  	p1 =	seq.s32 s10, $0x1;
	s10 =	sld [smem:$0x3FB4];
	_ =	sdelay $0x3  }
0x37: {  	[smem:$0x3FB4] =	sst s10  }
0x38: {  	s10 =	sld [smem:$0x3FB5]  }
0x39: {  	_ = 	snop;
	(pc) =	sbr.ind lr, $3  }
0x3a: {  	_ = 	snop  }
0x3b: {  	_ = 	snop  }
0x3c: {  	p2 =	seq.s32 s10, $0x1;
	s10 =	sld [smem:$0x3FB4]  }
0x3d: {  	_ =	shalt  }
0x3e: {  	_ =	shalt  }
0x3f: {  	_ =	shalt  }
0x40: {  	_ =	shalt  }
0x41: {  	_ =	shalt  }
0x42: {  	_ =	shalt  }
0x43: {  	_ =	shalt  }
0x44: {  	_ =	shalt  }
0x45: {  	_ =	shalt  }
0x46: {  	_ =	shalt  }
0x47: {  	_ =	shalt  }
0x48: {  	_ =	shalt  }
0x49: {  	_ =	shalt  }
0x4a: {  	_ =	shalt  }
0x4b: {  	_ =	shalt  }
0x4c: {  	_ =	shalt  }
0x4d: {  	_ =	shalt  }
0x4e: {  	_ =	shalt  }
0x4f: {  	_ =	shalt  }
0x50: {  	_ =	shalt  }
0x51: {  	_ =	shalt  }
0x52: {  	_ =	shalt  }
0x53: {  	_ =	shalt  }
0x54: {  	_ =	shalt  }
0x55: {  	_ =	shalt  }
0x56: {  	_ =	shalt  }
0x57: {  	_ =	shalt  }
0x58: {  	_ =	shalt  }
0x59: {  	_ =	shalt  }
0x5a: {  	_ =	shalt  }
0x5b: {  	_ =	shalt  }
0x5c: {  	_ =	shalt  }
0x5d: {  	_ =	shalt  }
0x5e: {  	_ =	shalt  }
0x5f: {  	_ =	shalt  }
0x60: {  	_ =	shalt  }
0x61: {  	_ =	shalt  }
0x62: {  	_ =	shalt  }
0x63: {  	_ =	shalt  }
0x64: {  	_ =	shalt  }
0x65: {  	_ =	shalt  }
0x66: {  	_ =	shalt  }
0x67: {  	_ =	shalt  }
0x68: {  	_ =	shalt  }
0x69: {  	_ =	shalt  }
0x6a: {  	_ =	shalt  }
0x6b: {  	_ =	shalt  }
0x6c: {  	_ =	shalt  }
0x6d: {  	_ =	shalt  }
0x6e: {  	_ =	shalt  }
0x6f: {  	_ =	shalt  }
0x70: {  	_ =	shalt  }
0x71: {  	_ =	shalt  }
0x72: {  	_ =	shalt  }
0x73: {  	_ =	shalt  }
0x74: {  	_ =	shalt  }
0x75: {  	_ =	shalt  }
0x76: {  	_ =	shalt  }
0x77: {  	_ =	shalt  }
0x78: {  	_ =	shalt  }
0x79: {  	_ =	shalt  }
0x7a: {  	_ =	shalt  }
0x7b: {  	_ =	shalt  }
0x7c: {  	_ =	shalt  }
0x7d: {  	_ =	shalt  }
0x7e: {  	_ =	shalt  }
0x7f: {  	_ =	shalt  }
0x80: {  	_ =	shalt  }
0x81: {  	_ =	shalt  }
0x82: {  	_ =	shalt  }
0x83: {  	_ =	shalt  }
0x84: {  	_ =	shalt  }
0x85: {  	_ =	shalt  }
0x86: {  	_ =	shalt  }
0x87: {  	_ =	shalt  }
.Lfunc_end0:
.L_simem_size_0:
called_computation_lowered:
.L_overlay_start_0:
0x88: {  	s2 =	sld [smem:$0x3FD9]  }
0x89: {  	s3 =	sld [smem:$0x3FFE];
	_ =	sdelay $0x1  }
0x8a: {  	s1 =	srdreg.scid  }
0x8b: {  	s0 =	sand.u32 $0x1, s1  }
0x8c: {  	s17 =	sshll.u32 s0, $0xA;
	s2 =	sadd.s32 s3, s2  }
0x8d: {  	s2 =	sadd.s32 s2, s17  }
0x8e: {  	[smem:$0x3FC0] =	sst s2  }
0x8f: {  	_ = 	snop  }
0x90: {  	s2 =	sld [smem:$0x3FD0];
	(tm) =	ssettm $0x1  }
0x91: {  	s18 =	sld [smem:$0x3FFB];
	_ =	sdelay $0x3  }
0x92: {  	_ =	strace s18  }
0x93: {  	s3 =	sld [smem:$0x3FFC];
	_ =	sdelay $0x3  }
0x94: {  	_ =	strace s3  }
0x95: {  	s3 =	sld [smem:$0x3FFD];
	_ =	sdelay $0x3  }
0x96: {  	_ =	strace s3  }
0x97: {  	_ =	strace $0x8FFFFFFF  }
0x98: {  	s19 =	sld [smem:$0x3FDB];
	_ =	sdelay $0x1  }
0x99: {  	s4 =	simm.s32 $_scs_section_size  }
0x9a: {  	s5 =	simm.s32 $_size__tile_overlayer_lowered;
	s6 =	simm.s32 $_tile_overlayer_lowered  }
0x9b: {  	s22 =	simm.s32 $0x1BFF;
	s21 =	sshll.u32 s6, $0x1;
	s3 =	sadd.s32 s4, s19  }
0x9c: {  	s7 =	simm.s32 $0x0;
	s20 =	sshll.u32 s5, $0x1;
	s5 =	sadd.s32 s21, s3  }
0x9d: {  	[timem:s7], [sflag:s22] =	dma.local [hbm:s5], s20  }
0x9e: {  	_ =	swait.ge [sflag:s22], s20  }
0x9f: {  	s4 =	ssub.s32 $0x0, s20;
	[sflag:s22] =	ssyncset.done $0x0  }
0xa0: {  	[sflag:s22] =	ssyncadd.s32 s4;
	_ =	sdelay $0x1  }
0xa1: {  	s23 =	simm.s32 $0x1B8B  }
0xa2: {  	_ =	swait.ge [sflag:s23], $0x1  }
0xa3: {  	[sflag:s23] =	ssyncset.done $0x0  }
0xa4: {  	s25 =	simm.s32 $0x1B8E;
	s24 =	sld [smem:$0x3FFE];
	[sflag:s23] =	ssyncadd.s32 $0xFFFFFFFF  }
0xa5: {  	s26 =	simm.s32 $execute0_lowered;
	[smem:$0x3FD2] =	sst s25  }
0xa6: {  	s5 =	sshll.u32 s26, $0x1;
	_ =	strace $0x80000046;
	[dreg:$0x1] =	wrdreg $0xFFFFFFFF  }
0xa7: {  	s28 =	simm.s32 $_size_execute0_lowered;
	s3 =	sadd.s32 s3, s5;
	[dreg:$0x0] =	wrdreg $0x0  }
0xa8: {  	s5 =	sshll.u32 s28, $0x1;
	[dreg:$0x2] =	wrdreg s3  }
0xa9: {  	[dreg:$0x3] =	wrdreg s5  }
0xaa: {  	[dreg:$0x4] =	wrdreg $0xC0  }
0xab: {  	_ =	task [dreg:s7], $0x5FFFF  }
0xac: {  	[dreg:$0x1] =	wrdreg $0xFFFFFFFF  }
0xad: {  	[dreg:$0x0] =	wrdreg $0x60  }
0xae: {  	[dreg:$0x2] =	wrdreg s2  }
0xaf: {  	[dreg:$0x3] =	wrdreg s24  }
0xb0: {  	[dreg:$0x4] =	wrdreg $0x64500  }
0xb1: {  	[dreg:$0x5] =	wrdreg $0x9  }
0xb2: {  	_ =	task.clear_ibuf [dreg:s7], $0x6FFFF;
	_ =	strace $0x90000046  }
0xb3: {  	s29 =	simm.s32 $0x9;
	_ =	strace $0x80000048  }
0xb4: {  	_ =	swait.ge [sflag:s29], $0x1  }
0xb5: {  	[sflag:s29] =	ssyncadd.s32 $0xFFFFFFFF  }
0xb6: {  	_ =	strace $0x90000048  }
0xb7: {  	_ =	sfence  }
0xb8: {  	s30 =	sld [smem:$0x0];
	_ =	sdelay $0x2  }
0xb9: {  	s31 =	sshll.u32 s1, $0xD;
	s1 =	sshrl.u32 s1, $0x2  }
0xba: {  	s3 =	sand.u32 $0x4000, s31;
	s1 =	sadd.s32 s1, s30  }
0xbb: {  	s0 =	sor.u32 s3, s0;
	s1 =	sshll.u32 s1, $0x11  }
0xbc: {  	s0 =	sor.u32 s1, s0  }
0xbd: {  	s0 =	sadd.s32 $0x8F2B, s0  }
0xbe: {  	[sflag:s0] =	ssyncadd.remote.s32 $0x1  }
0xbf: {  	_ =	sfence.sel $0xFFFF  }
0xc0: {  	[dreg:$0x0] =	wrdreg $0xFFFFFFFF;
	(pc) =	sbr.abs _section_cstart, $3  }
0xc1: {  	[dreg:$0x1] =	wrdreg $0xFFFFFFFF  }
0xc2: {  	_ =	task.clear_ibuf [dreg:s7], $0x2FFFF;
	_ =	strace $0x9FFFFFFF  }
0xc3: {  	(tm) =	ssettm $0x7FFFFFFF  }
tec
execute0_lowered:
.L_overlay_start_1:
0x0: {  	(tag) =	ssettag $0x1  }
0x1: {  	s4 =	rddreg [dreg:$0x0];
	s1 =	srdreg.scid  }
0x2: {  	s0 =	stileid.u32;
	s5 =	rddreg [dreg:$0x1]  }
0x3: {  	s2 =	rddreg [dreg:$0x2];
	s3 =	simm.s32 $0x0;
	s12 =	simm.s32 $0x2710  }
0x4: {  	s13 =	simm.s32 $0x140;
	s14 =	simm.s32 $0x3B10;
	s15 =	simm.s32 $0x1  }
0x5: {  	s6 =	sand.u32 $0x1, s1;
	s7 =	smul.u32 $0x2800, s0;
	s1 =	rddreg [dreg:$0x3]  }
0x6: {  	[smem:$0x7FF] =	sst s3;
	s8 =	smul.u32 $0x28000, s6;
	s9 =	sshll.u32 s6, $0x4  }
0x7: {  	s31 =	smul.u32 $0x140, s0;
	_ =	strace $0x80000047;
	s9 =	sor.u32 s0, s9  }
0x8: {  	s29 =	ssub.s32 $0x2, s6;
	s8 =	sadd.s32 s7, s8;
	s9 =	smul.u32 $0x2710, s9  }
0x9: {  	s11 =	smul.u32 $0x1400, s6;
	s10 =	sshrl.u32 s29, $0x1;
	s8 =	sshrl.u32 s8, $0x3  }
0xa: {  	s10 =	ssub.s32 s29, s10;
	s8 =	sadd.s32 s8, s5;
	s9 =	sshrl.u32 s9, $0x3  }
0xb: {  	s30 =	sadd.s32 s4, s9;
	s4 =	sadd.s32 s7, s2;
	s6 =	sadd.s32 $0x3400, s8  }
0xc: {  	s7 =	smax.u32 s10, $0x1;
	s8 =	sadd.s32 s31, s11;
	s9 =	simm.s32 $0x3C50  }
0xd: {  	v0 =	vimm.f32 $0.0e+00;
	v1 =	vimm.f32 $1.000000000e+00;
	v2 =	vlaneseq.u32;
	s10 =	simm.s32 $0x2;
	s11 =	simm.s32 $0xC8;
	s5 =	sadd.s32 $0x9C40, s30  }
.LBB2_1:
0xe: {  	s16 =	simm.s32 $0x40;
	s17 =	simm.s32 $0x0  }
.LBB2_2:
0xf: {  	p0 =	sne.s32 s16, $0x9FC0;
	[tilespmem:s17+$0x3C50] =	vst v0;
	s17 =	smov.u32 s16;
	s16 =	sadd.s32 $0x40, s16  }
.Ltmp0:
0x10: {  	(pc) =	sbr.rel @p0 .LBB2_2-.Ltmp0, $2  }
0x11: {  	_ =	sdelay $0x2  }
0x12: {  	s17 =	sshra.s32 s17, $0x2  }
0x13: {  	[tilespmem:s17+$0x3C50] =	vst v0  }
0x14: {  	[spmem:s4] =	stream.linear.scatter [tilespmem:s9], [sflag:$0x2], $0x2800, $0x38;
	[tilespmem:$0x8C50] =	vst v63  }
0x15: {  	_ =	swait.ge [sflag:s10], $0x2800  }
0x16: {  	[sflag:s10] =	ssyncset.done $0x0  }
0x17: {  	s16 =	simm.s32 $0x40;
	s17 =	simm.s32 $0x0;
	[sflag:s10] =	ssyncadd.s32 $0xFFFFD800  }
.LBB2_4:
0x18: {  	p0 =	sne.s32 s16, $0x4FC0;
	[tilespmem:s17+$0x2710] =	vst v1;
	s17 =	smov.u32 s16;
	s16 =	sadd.s32 $0x40, s16  }
.Ltmp1:
0x19: {  	(pc) =	sbr.rel @p0 .LBB2_4-.Ltmp1, $2  }
0x1a: {  	_ =	sdelay $0x2  }
0x1b: {  	s17 =	sshra.s32 s17, $0x2  }
0x1c: {  	[tilespmem:s17+$0x2710] =	vst v1;
	s16 =	simm.s32 $0x40;
	v3 =	vor.u32 s8, v2;
	s18 =	simm.s32 $0x0;
	s17 =	smov.u32 s8  }
.LBB2_6:
0x1d: {  	p0 =	sne.s32 s16, $0x4C0  }
0x1e: {  	[tilespmem:s18+$0x3B10] =	vst v3;
	s17 =	sadd.s32 $0x10, s17;
	s18 =	smov.u32 s16;
	s16 =	sadd.s32 $0x40, s16  }
.Ltmp2:
0x1f: {  	(pc) =	sbr.rel @p0 .LBB2_6-.Ltmp2, $2  }
0x20: {  	_ =	sdelay $0x2  }
0x21: {  	v3 =	vor.u32 s17, v2;
	s18 =	sshra.s32 s18, $0x2  }
0x22: {  	[tilespmem:s18+$0x3B10] =	vst v3;
	s16 =	simm.s32 $0x0  }
0x23: {  	[tilespmem:s16], [sflag:$0x2] =	stream.linear.gather [hbm4b:s5+s16], $0x2710, $0x38;
	[tilespmem:$0x8C50] =	vst v63  }
0x24: {  	_ =	swait.ge [sflag:s10], $0x2710  }
0x25: {  	[sflag:s10] =	ssyncset.done $0x0  }
0x26: {  	p0 =	por $0x1, $0x1;
	[sflag:s10] =	ssyncadd.s32 $0xFFFFD8F0  }
0x27: {  	s18 =	simm.s32 @!p0 $0x1;
	[bflag:$0x0] =	sbarrier.arrive $0xFFFF  }
0x28: {  	_ =	swait.ge @!p0 [sflag:s18], $0xC80  }
0x29: {  	[sflag:s18] =	ssyncset.done @!p0 $0x0  }
0x2a: {  	s17 =	simm.s32 $0x1;
	[sflag:s18] =	ssyncadd.s32 @!p0 $0xFFFFF380;
	s18 =	simm.s32 $0xC8  }
.LBB2_8:
0x2b: {  	[spmem:s2] =	stream.indirect.scatter.add.f32 [tilespmem:s12], [sflag:$0x1], $0x10, s16, s11, $0xb8;
	[tilespmem:$0x8C50] =	vst v63  }
0x2c: {  	p0 =	slt.u32 s17, $0x8;
	s17 =	sadd.s32 $0x1, s17  }
0x2d: {  	p1 =	sne.s32 s17, $0x32  }
.Ltmp3:
0x2e: {  	(pc) =	sbr.rel @p1 .LBB2_8-.Ltmp3, $4  }
0x2f: {  	s16 =	smov.u32 s18;
	s19 =	simm.s32 @!p0 $0x1  }
0x30: {  	_ =	swait.ge @!p0 [sflag:s19], $0xC80  }
0x31: {  	[sflag:s19] =	ssyncset.done @!p0 $0x0  }
0x32: {  	s18 =	sadd.s32 $0xC8, s18;
	[sflag:s19] =	ssyncadd.s32 @!p0 $0xFFFFF380  }
0x33: {  	[spmem:s2] =	stream.indirect.scatter.add.f32 [tilespmem:s12], [sflag:$0x1], $0x10, s16, s11, $0xb8;
	[tilespmem:$0x8C50] =	vst v63  }
0x34: {  	_ = 	snop  }
0x35: {  	[spmem:s2] =	stream.indirect.scatter.add.f32 [tilespmem:s12], [sflag:$0x1], $0x10, s14, s13, $0xb8;
	[tilespmem:$0x8C50] =	vst v63  }
0x36: {  	_ =	swait.ge [sflag:s15], $0xC80  }
0x37: {  	[sflag:s15] =	ssyncset.done $0x0  }
0x38: {  	[sflag:s15] =	ssyncadd.s32 $0xFFFFF380  }
0x39: {  	_ =	swait.ge [sflag:s15], $0xC80  }
0x3a: {  	[sflag:s15] =	ssyncset.done $0x0  }
0x3b: {  	[sflag:s15] =	ssyncadd.s32 $0xFFFFF380  }
0x3c: {  	_ =	swait.ge [sflag:s15], $0xC80  }
0x3d: {  	[sflag:s15] =	ssyncset.done $0x0  }
0x3e: {  	[sflag:s15] =	ssyncadd.s32 $0xFFFFF380  }
0x3f: {  	_ =	swait.ge [sflag:s15], $0xC80  }
0x40: {  	[sflag:s15] =	ssyncset.done $0x0  }
0x41: {  	[sflag:s15] =	ssyncadd.s32 $0xFFFFF380  }
0x42: {  	_ =	swait.ge [sflag:s15], $0xC80  }
0x43: {  	[sflag:s15] =	ssyncset.done $0x0  }
0x44: {  	[sflag:s15] =	ssyncadd.s32 $0xFFFFF380  }
0x45: {  	_ =	swait.ge [sflag:s15], $0xC80  }
0x46: {  	[sflag:s15] =	ssyncset.done $0x0  }
0x47: {  	[sflag:s15] =	ssyncadd.s32 $0xFFFFF380  }
0x48: {  	_ =	swait.ge [sflag:s15], $0xC80  }
0x49: {  	[sflag:s15] =	ssyncset.done $0x0  }
0x4a: {  	[sflag:s15] =	ssyncadd.s32 $0xFFFFF380  }
0x4b: {  	_ =	swait.ge [sflag:s15], $0xC80  }
0x4c: {  	[sflag:s15] =	ssyncset.done $0x0  }
0x4d: {  	[sflag:s15] =	ssyncadd.s32 $0xFFFFF380  }
0x4e: {  	_ =	swait.ge [sflag:s15], $0x1400  }
0x4f: {  	s31 =	sshll.u32 s0, $0x6;
	s3 =	sadd.s32 $0x1, s3;
	[sflag:s15] =	ssyncset.done $0x0  }
0x50: {  	s17 =	sshrl.u32 s4, $0x3;
	p0 =	sne.s32 s3, s7;
	[sflag:s15] =	ssyncadd.s32 $0xFFFFEC00  }
.Ltmp4:
0x51: {  	s16 =	sor.u32 $0x1C02, s31;
	[bflag:$0x0] =	sbarrier.arrive $0xFFFF;
	(pc) =	sbr.rel @p0 .LBB2_1-.Ltmp4, $4  }
0x52: {  	[hbm:s6], [sflag:s16] =	dma.local [spmem:s17], $0x500  }
0x53: {  	_ =	swait.ge [sflag:s10], $0x500  }
0x54: {  	[sflag:s10] =	ssyncset.done $0x0  }
0x55: {  	[sflag:s10] =	ssyncadd.s32 $0xFFFFFB00  }
0x56: {  	_ =	sfence.sel $0x180000  }
0x57: {  	[bflag:$0x0] =	sbarrier.arrive $0xFFFF  }
0x58: {  	p0 =	sne.s32 s0, $0x0;
	_ =	strace $0x90000047  }
0x59: {  	s0 =	sadd.s32 @!p0 $0x100000, s1;
	[bflag:$0x2] =	sbarrier.arrive $0xFFFF  }
0x5a: {  	[sflag:s0] =	ssyncadd.tile.s32 @!p0 $0x1;
	_ =	shalt  }
.Lfunc_end2:
_tile_overlayer_lowered:
.L_overlay_start_2:
0x5b: {  	(tag) =	ssettag $0x2  }
0x5c: {  	s0 =	rddreg [dreg:$0x0];
	s2 =	stileid.u32  }
0x5d: {  	s1 =	rddreg [dreg:$0x1];
	p0 =	sne.s32 s2, $0x0  }
0x5e: {  	s3 =	rddreg [dreg:$0x2];
	[bflag:$0x3] =	sbarrier.arrive $0xFFFF;
	s2 =	simm.s32 @!p0 $0x1C02  }
0x5f: {  	[timem:s3], [sflag:s2] =	dma.local @!p0 [hbm:s0], s1  }
0x60: {  	s0 =	simm.s32 @!p0 $0x2  }
0x61: {  	_ =	swait.ge @!p0 [sflag:s0], s1  }
0x62: {  	s1 =	ssub.s32 @!p0 $0x0, s1;
	[sflag:s0] =	ssyncset.done @!p0 $0x0  }
0x63: {  	[sflag:s0] =	ssyncadd.s32 @!p0 s1  }
0x64: {  	[bflag:$0x3] =	sbarrier.arrive $0xFFFF  }
0x65: {  	_ =	shalt  }

// kernel: kernel.14.cloned.1.call-start
scs
__scs_entry_jumppad:
0x0: {  	(pc) =	sbr.rel $0x88, $3  }
0x1: {  	(tag) =	ssettag $0x0;
	lr =	simm.s32 $0x1  }
0x2: {  	[smem:$0x3F99] =	sst lr;
	_ =	strace $0xD0000000  }
0x3: {  	_ = 	snop  }
0x4: {  	_ = 	snop  }
0x5: {  	_ = 	snop  }
0x6: {  	_ = 	snop  }
0x7: {  	_ = 	snop  }
__scs_overlays_trampoline_lowered:
0x8: {  	[smem:$0x3FA8] =	sst s0  }
0x9: {  	[smem:$0x3FA9] =	sst s1  }
0xa: {  	[smem:$0x3FAA] =	sst s2  }
0xb: {  	[smem:$0x3FAB] =	sst s3  }
0xc: {  	[smem:$0x3FAC] =	sst s4  }
0xd: {  	[smem:$0x3FAD] =	sst s5  }
0xe: {  	[smem:$0x3FAE] =	sst s6  }
0xf: {  	[smem:$0x3FAF] =	sst s7  }
0x10: {  	[smem:$0x3FB0] =	sst s8  }
0x11: {  	[smem:$0x3FB1] =	sst s9;
	s0 =	simm.s32 @!p0 $0x0  }
0x12: {  	s1 =	sld [smem:$0x3F97];
	s0 =	simm.s32 @p0 $0x1  }
0x13: {  	[smem:$0x3FB2] =	sst s0;
	s0 =	simm.s32 @!p1 $0x0  }
0x14: {  	s2 =	sld [smem:$0x3F96];
	s0 =	simm.s32 @p1 $0x1  }
0x15: {  	[smem:$0x3FB3] =	sst s0;
	s0 =	simm.s32 @!p2 $0x0  }
0x16: {  	s3 =	sld [smem:$0x3FDB];
	s0 =	simm.s32 @p2 $0x1  }
0x17: {  	s4 =	simm.s32 $0x1BF5;
	[smem:$0x3FB5] =	sst s0  }
0x18: {  	s0 =	sld [smem:$0x3F98];
	_ =	swait.ge [sflag:s4], $0x0  }
0x19: {  	s7 =	sld [smem:$0x3F99]  }
0x1a: {  	s8 =	sadd.s32 $0xFFFFE003, lr  }
0x1b: {  	s9 =	sadd.s32 $0xFFFFFEF7, lr;
	s5 =	simm.s32 $0xFFFFFFFF;
	p2 =	slt.u32 s8, $0xFFFFF086  }
0x1c: {  	p1 =	slt.u32 s9, $0xF7A;
	s5 =	simm.s32 @!p2 $0x0  }
0x1d: {  	s5 =	simm.s32 @p1 $0x1;
	p0 =	seq.s32 s7, s2  }
0x1e: {  	s7 =	smul.u32 @!p0 $0xF7A, s2;
	p2 =	seq.s32 @!p0 s5, $0x0  }
0x1f: {  	s9 =	smul.u32 $0xF7A, s1;
	s8 =	simm.s32 @!p0 $0x1BF5;
	p2 =	por !p2, p0  }
0x20: {  	[sflag:s8] =	ssyncset.s32 @!p0 $0xFFFFF086;
	s6 =	sadd.s32 @!p0 s3, s7;
	s7 =	simm.s32 @!p0 $0x108  }
0x21: {  	s3 =	sadd.s32 s3, s9;
	s6 =	sadd.s32 @!p0 $0x88, s6;
	s7 =	simm.s32 @p2 $0x1082  }
0x22: {  	[simem:s7], [sflag:s8] =	dma.local @!p0 [hbm:s6], $0xF7A  }
0x23: {  	s9 =	sor.u32 $0xD0000000, s2;
	s6 =	simm.s32 $0x108;
	_ =	swait.ge @!p0 [sflag:s8], $0x0  }
0x24: {  	s3 =	sadd.s32 $0x88, s3;
	s6 =	simm.s32 @!p1 $0x1082;
	[sflag:s4] =	ssyncset.s32 $0xFFFFF086  }
0x25: {  	[simem:s6], [sflag:s4] =	dma.local [hbm:s3], $0xF7A  }
0x26: {  	[smem:$0x3F99] =	sst s1;
	(tag) =	ssettag s2;
	_ =	strace s9  }
0x27: {  	s1 =	sld [smem:$0x3FA9]  }
0x28: {  	s2 =	sld [smem:$0x3FAA]  }
0x29: {  	s4 =	sld [smem:$0x3FAC]  }
0x2a: {  	p0 =	seq.s32 s5, $0x0;
	s5 =	sld [smem:$0x3FAD]  }
0x2b: {  	s6 =	sld [smem:$0x3FAE]  }
0x2c: {  	s7 =	sld [smem:$0x3FAF]  }
0x2d: {  	s3 =	simm.s32 $0x108;
	s8 =	sld [smem:$0x3FB0]  }
0x2e: {  	s3 =	simm.s32 @!p0 $0x1082;
	s9 =	sld [smem:$0x3FB1]  }
0x2f: {  	lr =	sadd.s32 s0, s3;
	s0 =	sld [smem:$0x3FA8]  }
0x30: {  	s3 =	sld [smem:$0x3FAB]  }
0x31: {  	[smem:$0x3FB4] =	sst s10  }
0x32: {  	s10 =	sld [smem:$0x3FB2];
	_ =	sdelay $0x3  }
0x33: {  	p0 =	seq.s32 s10, $0x1;
	s10 =	sld [smem:$0x3FB4];
	_ =	sdelay $0x3  }
0x34: {  	[smem:$0x3FB4] =	sst s10  }
0x35: {  	s10 =	sld [smem:$0x3FB3];
	_ =	sdelay $0x3  }
0x36: {  	p1 =	seq.s32 s10, $0x1;
	s10 =	sld [smem:$0x3FB4];
	_ =	sdelay $0x3  }
0x37: {  	[smem:$0x3FB4] =	sst s10  }
0x38: {  	s10 =	sld [smem:$0x3FB5]  }
0x39: {  	_ = 	snop;
	(pc) =	sbr.ind lr, $3  }
0x3a: {  	_ = 	snop  }
0x3b: {  	_ = 	snop  }
0x3c: {  	p2 =	seq.s32 s10, $0x1;
	s10 =	sld [smem:$0x3FB4]  }
0x3d: {  	_ =	shalt  }
0x3e: {  	_ =	shalt  }
0x3f: {  	_ =	shalt  }
0x40: {  	_ =	shalt  }
0x41: {  	_ =	shalt  }
0x42: {  	_ =	shalt  }
0x43: {  	_ =	shalt  }
0x44: {  	_ =	shalt  }
0x45: {  	_ =	shalt  }
0x46: {  	_ =	shalt  }
0x47: {  	_ =	shalt  }
0x48: {  	_ =	shalt  }
0x49: {  	_ =	shalt  }
0x4a: {  	_ =	shalt  }
0x4b: {  	_ =	shalt  }
0x4c: {  	_ =	shalt  }
0x4d: {  	_ =	shalt  }
0x4e: {  	_ =	shalt  }
0x4f: {  	_ =	shalt  }
0x50: {  	_ =	shalt  }
0x51: {  	_ =	shalt  }
0x52: {  	_ =	shalt  }
0x53: {  	_ =	shalt  }
0x54: {  	_ =	shalt  }
0x55: {  	_ =	shalt  }
0x56: {  	_ =	shalt  }
0x57: {  	_ =	shalt  }
0x58: {  	_ =	shalt  }
0x59: {  	_ =	shalt  }
0x5a: {  	_ =	shalt  }
0x5b: {  	_ =	shalt  }
0x5c: {  	_ =	shalt  }
0x5d: {  	_ =	shalt  }
0x5e: {  	_ =	shalt  }
0x5f: {  	_ =	shalt  }
0x60: {  	_ =	shalt  }
0x61: {  	_ =	shalt  }
0x62: {  	_ =	shalt  }
0x63: {  	_ =	shalt  }
0x64: {  	_ =	shalt  }
0x65: {  	_ =	shalt  }
0x66: {  	_ =	shalt  }
0x67: {  	_ =	shalt  }
0x68: {  	_ =	shalt  }
0x69: {  	_ =	shalt  }
0x6a: {  	_ =	shalt  }
0x6b: {  	_ =	shalt  }
0x6c: {  	_ =	shalt  }
0x6d: {  	_ =	shalt  }
0x6e: {  	_ =	shalt  }
0x6f: {  	_ =	shalt  }
0x70: {  	_ =	shalt  }
0x71: {  	_ =	shalt  }
0x72: {  	_ =	shalt  }
0x73: {  	_ =	shalt  }
0x74: {  	_ =	shalt  }
0x75: {  	_ =	shalt  }
0x76: {  	_ =	shalt  }
0x77: {  	_ =	shalt  }
0x78: {  	_ =	shalt  }
0x79: {  	_ =	shalt  }
0x7a: {  	_ =	shalt  }
0x7b: {  	_ =	shalt  }
0x7c: {  	_ =	shalt  }
0x7d: {  	_ =	shalt  }
0x7e: {  	_ =	shalt  }
0x7f: {  	_ =	shalt  }
0x80: {  	_ =	shalt  }
0x81: {  	_ =	shalt  }
0x82: {  	_ =	shalt  }
0x83: {  	_ =	shalt  }
0x84: {  	_ =	shalt  }
0x85: {  	_ =	shalt  }
0x86: {  	_ =	shalt  }
0x87: {  	_ =	shalt  }
.Lfunc_end0:
.L_simem_size_0:
called_computation.1_lowered:
.L_overlay_start_0:
0x88: {  	s2 =	sld [smem:$0x3FD9]  }
0x89: {  	s3 =	sld [smem:$0x3FFE];
	_ =	sdelay $0x1  }
0x8a: {  	s1 =	srdreg.scid  }
0x8b: {  	s0 =	sand.u32 $0x1, s1  }
0x8c: {  	s17 =	sshll.u32 s0, $0xA;
	s2 =	sadd.s32 s3, s2  }
0x8d: {  	s2 =	sadd.s32 s2, s17  }
0x8e: {  	[smem:$0x3FC0] =	sst s2  }
0x8f: {  	_ = 	snop  }
0x90: {  	s2 =	sld [smem:$0x3FD0];
	(tm) =	ssettm $0x1  }
0x91: {  	s18 =	sld [smem:$0x3FFB];
	_ =	sdelay $0x3  }
0x92: {  	_ =	strace s18  }
0x93: {  	s3 =	sld [smem:$0x3FFC];
	_ =	sdelay $0x3  }
0x94: {  	_ =	strace s3  }
0x95: {  	s3 =	sld [smem:$0x3FFD];
	_ =	sdelay $0x3  }
0x96: {  	_ =	strace s3  }
0x97: {  	_ =	strace $0x8FFFFFFF  }
0x98: {  	s19 =	sld [smem:$0x3FDB];
	_ =	sdelay $0x1  }
0x99: {  	s4 =	simm.s32 $_scs_section_size  }
0x9a: {  	s5 =	simm.s32 $_size__tile_overlayer_lowered;
	s6 =	simm.s32 $_tile_overlayer_lowered  }
0x9b: {  	s22 =	simm.s32 $0x1BFF;
	s21 =	sshll.u32 s6, $0x1;
	s3 =	sadd.s32 s4, s19  }
0x9c: {  	s7 =	simm.s32 $0x0;
	s20 =	sshll.u32 s5, $0x1;
	s5 =	sadd.s32 s21, s3  }
0x9d: {  	[timem:s7], [sflag:s22] =	dma.local [hbm:s5], s20  }
0x9e: {  	_ =	swait.ge [sflag:s22], s20  }
0x9f: {  	s4 =	ssub.s32 $0x0, s20;
	[sflag:s22] =	ssyncset.done $0x0  }
0xa0: {  	[sflag:s22] =	ssyncadd.s32 s4;
	_ =	sdelay $0x1  }
0xa1: {  	s23 =	simm.s32 $0x1B8B  }
0xa2: {  	_ =	swait.ge [sflag:s23], $0x1  }
0xa3: {  	[sflag:s23] =	ssyncset.done $0x0  }
0xa4: {  	s25 =	simm.s32 $0x1B8E;
	s24 =	sld [smem:$0x3FFE];
	[sflag:s23] =	ssyncadd.s32 $0xFFFFFFFF  }
0xa5: {  	s26 =	simm.s32 $execute0_lowered;
	[smem:$0x3FD2] =	sst s25  }
0xa6: {  	s5 =	sshll.u32 s26, $0x1;
	_ =	strace $0x80000049;
	[dreg:$0x1] =	wrdreg $0xFFFFFFFF  }
0xa7: {  	s28 =	simm.s32 $_size_execute0_lowered;
	s3 =	sadd.s32 s3, s5;
	[dreg:$0x0] =	wrdreg $0x0  }
0xa8: {  	s5 =	sshll.u32 s28, $0x1;
	[dreg:$0x2] =	wrdreg s3  }
0xa9: {  	[dreg:$0x3] =	wrdreg s5  }
0xaa: {  	[dreg:$0x4] =	wrdreg $0xC0  }
0xab: {  	_ =	task [dreg:s7], $0x5FFFF  }
0xac: {  	[dreg:$0x1] =	wrdreg $0xFFFFFFFF  }
0xad: {  	[dreg:$0x0] =	wrdreg $0x60  }
0xae: {  	[dreg:$0x2] =	wrdreg s24  }
0xaf: {  	[dreg:$0x3] =	wrdreg s2  }
0xb0: {  	[dreg:$0x4] =	wrdreg $0x153600  }
0xb1: {  	[dreg:$0x5] =	wrdreg $0x9  }
0xb2: {  	_ =	task.clear_ibuf [dreg:s7], $0x6FFFF;
	_ =	strace $0x90000049  }
0xb3: {  	s29 =	simm.s32 $0x9;
	_ =	strace $0x8000004B  }
0xb4: {  	_ =	swait.ge [sflag:s29], $0x1  }
0xb5: {  	[sflag:s29] =	ssyncadd.s32 $0xFFFFFFFF  }
0xb6: {  	_ =	strace $0x9000004B  }
0xb7: {  	_ =	sfence  }
0xb8: {  	s30 =	sld [smem:$0x0];
	_ =	sdelay $0x2  }
0xb9: {  	s31 =	sshll.u32 s1, $0xD;
	s1 =	sshrl.u32 s1, $0x2  }
0xba: {  	s3 =	sand.u32 $0x4000, s31;
	s1 =	sadd.s32 s1, s30  }
0xbb: {  	s0 =	sor.u32 s3, s0;
	s1 =	sshll.u32 s1, $0x11  }
0xbc: {  	s0 =	sor.u32 s1, s0  }
0xbd: {  	s0 =	sadd.s32 $0x8F2B, s0  }
0xbe: {  	[sflag:s0] =	ssyncadd.remote.s32 $0x1  }
0xbf: {  	_ =	sfence.sel $0xFFFF  }
0xc0: {  	[dreg:$0x0] =	wrdreg $0xFFFFFFFF;
	(pc) =	sbr.abs _section_cstart, $3  }
0xc1: {  	[dreg:$0x1] =	wrdreg $0xFFFFFFFF  }
0xc2: {  	_ =	task.clear_ibuf [dreg:s7], $0x2FFFF;
	_ =	strace $0x9FFFFFFF  }
0xc3: {  	(tm) =	ssettm $0x7FFFFFFF  }
tec
execute0_lowered:
.L_overlay_start_1:
0x0: {  	(tag) =	ssettag $0x1  }
0x1: {  	s0 =	rddreg [dreg:$0x0]  }
0x2: {  	s1 =	rddreg [dreg:$0x1];
	s3 =	srdreg.scid  }
0x3: {  	s11 =	stileid.u32;
	s2 =	rddreg [dreg:$0x2]  }
0x4: {  	s5 =	simm.s32 $0x0;
	s13 =	simm.s32 $0x3;
	s15 =	simm.s32 $0x11620  }
0x5: {  	s16 =	simm.s32 $0xC8;
	s31 =	simm.s32 $0xA5A0;
	s6 =	smul.u32 $0x2800, s11  }
0x6: {  	s12 =	simm.s32 $0x2;
	s3 =	sand.u32 $0x1, s3;
	s30 =	smul.u32 $0x140, s11  }
0x7: {  	s14 =	simm.s32 $0x0;
	[smem:$0x7FF] =	sst s5;
	s4 =	smul.u32 $0x28000, s3  }
0x8: {  	s26 =	sshll.u32 s3, $0x4;
	_ =	strace $0x8000004A;
	s28 =	ssub.s32 $0x2, s3  }
0x9: {  	s3 =	smul.u32 $0x1400, s3;
	s5 =	sor.u32 s11, s26;
	s29 =	sshrl.u32 s28, $0x1  }
0xa: {  	s7 =	sadd.s32 s6, s4;
	s4 =	sadd.s32 $0x3400, s0;
	s8 =	smul.u32 $0x2710, s5  }
0xb: {  	s9 =	smul.u32 $0x280, s5;
	s10 =	ssub.s32 s28, s29;
	s6 =	sadd.s32 s6, s2  }
0xc: {  	s11 =	sadd.s32 s30, s3;
	s3 =	simm.s32 $0x140;
	s7 =	sshrl.u32 s7, $0x3  }
0xd: {  	s10 =	smax.u32 s10, $0x1;
	s0 =	sadd.s32 s7, s0;
	s8 =	sshrl.u32 s8, $0x3  }
0xe: {  	s5 =	sadd.s32 s1, s8;
	s8 =	sadd.s32 s4, s9;
	s9 =	sadd.s32 $0x8400, s0  }
0xf: {  	v0 =	vimm.f32 $0.0e+00;
	v1 =	vlaneseq.u32;
	s1 =	simm.s32 $0x1;
	s0 =	simm.s32 $0x12A20;
	s7 =	sadd.s32 $0x9C40, s5  }
.LBB2_1:
0x10: {  	s17 =	simm.s32 $0x40;
	s18 =	simm.s32 $0x0  }
.LBB2_2:
0x11: {  	p0 =	sne.s32 s17, $0x9FC0;
	[tilespmem:s18+$0x12B60] =	vst v0;
	s18 =	smov.u32 s17;
	s17 =	sadd.s32 $0x40, s17  }
.Ltmp0:
0x12: {  	(pc) =	sbr.rel @p0 .LBB2_2-.Ltmp0, $2  }
0x13: {  	_ =	sdelay $0x2  }
0x14: {  	s18 =	sshra.s32 s18, $0x2  }
0x15: {  	[tilespmem:s18+$0x12B60] =	vst v0;
	s17 =	simm.s32 $0x12B60  }
0x16: {  	[spmem:s6] =	stream.linear.scatter [tilespmem:s17], [sflag:$0x3], $0x2800, $0x38;
	[tilespmem:$0x17B60] =	vst v63  }
0x17: {  	_ =	swait.ge [sflag:s13], $0x2800  }
0x18: {  	[sflag:s13] =	ssyncset.done $0x0  }
0x19: {  	s29 =	simm.s32 $0x0;
	[sflag:s13] =	ssyncadd.s32 $0xFFFFD800  }
0x1a: {  	[tilespmem:s29], [sflag:$0x3] =	stream.linear.gather [hbm4b:s5+s29], $0x2710, $0x38;
	[tilespmem:$0x17B60] =	vst v63  }
0x1b: {  	_ =	swait.ge [sflag:s13], $0x2710  }
0x1c: {  	[sflag:s13] =	ssyncset.done $0x0  }
0x1d: {  	s30 =	simm.s32 $0x2710;
	[sflag:s13] =	ssyncadd.s32 $0xFFFFD8F0  }
0x1e: {  	[tilespmem:s30], [sflag:$0x3] =	stream.linear.gather [hbm4b:s7+s29], $0x2710, $0x38;
	[tilespmem:$0x17B60] =	vst v63  }
0x1f: {  	_ =	swait.ge [sflag:s13], $0x2710  }
0x20: {  	[sflag:s13] =	ssyncset.done $0x0  }
0x21: {  	[sflag:s13] =	ssyncadd.s32 $0xFFFFD8F0  }
0x22: {  	[tilespmem:s15], [sflag:$0x3] =	stream.linear.gather [hbm4b:s8+s29], $0x1400, $0x38;
	[tilespmem:$0x17B60] =	vst v63  }
0x23: {  	_ =	swait.ge [sflag:s13], $0x1400  }
0x24: {  	s19 =	simm.s32 $0x0;
	[sflag:s13] =	ssyncset.done $0x0  }
0x25: {  	v2 =	vor.u32 s11, v1;
	s18 =	smov.u32 s11;
	s17 =	simm.s32 $0x40;
	[sflag:s13] =	ssyncadd.s32 $0xFFFFEC00  }
.LBB2_4:
0x26: {  	p0 =	sne.s32 s17, $0x4C0  }
0x27: {  	[tilespmem:s19+$0x12A20] =	vst v2;
	s18 =	sadd.s32 $0x10, s18;
	s19 =	smov.u32 s17;
	s17 =	sadd.s32 $0x40, s17  }
.Ltmp1:
0x28: {  	(pc) =	sbr.rel @p0 .LBB2_4-.Ltmp1, $2  }
0x29: {  	_ =	sdelay $0x2  }
0x2a: {  	v2 =	vor.u32 s18, v1;
	s19 =	sshra.s32 s19, $0x2  }
0x2b: {  	[tilespmem:s19+$0x12A20] =	vst v2  }
0x2c: {  	s17 =	simm.s32 $0x0;
	s18 =	simm.s32 $0x4E20;
	[bflag:$0x0] =	sbarrier.arrive $0xFFFF  }
0x2d: {  	[tilespmem:s18], [sflag:$0x1] =	stream.indirect.gather [hbm4b:s4+s16], $0x10, s17, s16, $0xb8;
	[tilespmem:$0x17B60] =	vst v63  }
0x2e: {  	s25 =	simm.s32 $0x5AA0;
	s26 =	simm.s32 $0x190;
	s28 =	simm.s32 $0x6720  }
0x2f: {  	[tilespmem:s25], [sflag:$0x1] =	stream.indirect.gather [hbm4b:s4+s16], $0x10, s16, s16, $0xb8;
	[tilespmem:$0x17B60] =	vst v63  }
0x30: {  	s29 =	simm.s32 $0x258;
	s30 =	simm.s32 $0x73A0;
	s19 =	simm.s32 $0x320  }
0x31: {  	[tilespmem:s28], [sflag:$0x1] =	stream.indirect.gather [hbm4b:s4+s16], $0x10, s26, s16, $0xb8;
	[tilespmem:$0x17B60] =	vst v63  }
0x32: {  	s20 =	simm.s32 $0x8020;
	s21 =	simm.s32 $0x3E8;
	s22 =	simm.s32 $0x8CA0  }
0x33: {  	[tilespmem:s30], [sflag:$0x1] =	stream.indirect.gather [hbm4b:s4+s16], $0x10, s29, s16, $0xb8;
	[tilespmem:$0x17B60] =	vst v63  }
0x34: {  	s23 =	simm.s32 $0x4B0;
	s24 =	simm.s32 $0x9920;
	s26 =	simm.s32 $0x0  }
0x35: {  	[tilespmem:s20], [sflag:$0x1] =	stream.indirect.gather [hbm4b:s4+s16], $0x10, s19, s16, $0xb8;
	[tilespmem:$0x17B60] =	vst v63  }
0x36: {  	p0 =	por $0x1, $0x1;
	p1 =	por $0x1, $0x1;
	s17 =	sand.u32 $0xF, s26  }
0x37: {  	[tilespmem:s22], [sflag:$0x1] =	stream.indirect.gather [hbm4b:s4+s16], $0x10, s21, s16, $0xb8;
	[tilespmem:$0x17B60] =	vst v63  }
0x38: {  	s18 =	simm.s32 $0x1;
	s25 =	simm.s32 $0x578;
	s28 =	smul.u32 $0x3200, s17  }
0x39: {  	[tilespmem:s24], [sflag:$0x1] =	stream.indirect.gather [hbm4b:s4+s16], $0x10, s23, s16, $0xb8;
	[tilespmem:$0x17B60] =	vst v63  }
0x3a: {  	s17 =	simm.s32 $0x9;
	s29 =	sand.u32 $0xF, s18;
	s20 =	simm.s32 @!p0 $0x2  }
0x3b: {  	[tilespmem:s31], [sflag:$0x1] =	stream.indirect.gather [hbm4b:s4+s16], $0x10, s25, s16, $0xb8;
	[tilespmem:$0x17B60] =	vst v63  }
0x3c: {  	s19 =	simm.s32 $0x8;
	s22 =	simm.s32 $0x640;
	_ =	swait.ge @!p0 [sflag:s20], $0xC80  }
0x3d: {  	s21 =	simm.s32 $0xA;
	s24 =	sshrl.u32 s28, $0x2;
	[sflag:s20] =	ssyncset.done @!p0 $0x0  }
0x3e: {  	s23 =	simm.s32 $0x2710;
	s30 =	sadd.s32 $0x4E20, s24;
	[sflag:s20] =	ssyncadd.s32 @!p0 $0xFFFFF380  }
0x3f: {  	p0 =	por $0x0, $0x0;
	s20 =	smul.u32 $0x3200, s29;
	_ =	swait.ge [sflag:s1], $0xC80  }
0x40: {  	s19 =	sand.u32 @!p0 $0xF, s19;
	s24 =	simm.s32 @!p0 $0xC8;
	[sflag:s1] =	ssyncset.done $0x0  }
0x41: {  	s25 =	smul.u32 @!p0 $0x3200, s19;
	s19 =	simm.s32 $0x708;
	[sflag:s1] =	ssyncadd.s32 $0xFFFFF380  }
0x42: {  	[spmem:s2] =	stream.indirect.scatter.add.f32 [tilespmem:s30], [sflag:$0x2], $0x10, s23, s16, $0xb8;
	[tilespmem:$0x17B60] =	vst v63  }
0x43: {  	s23 =	sshrl.u32 s20, $0x2;
	s20 =	simm.s32 $0x27D8;
	s25 =	sshrl.u32 @!p0 s25, $0x2  }
.LBB2_6:
0x44: {  	s25 =	sadd.s32 @!p0 $0x4E20, s25;
	s26 =	smov.u32 s18;
	s18 =	sadd.s32 $0xFFFFFFF8, s21  }
0x45: {  	s28 =	smov.u32 s17;
	s17 =	smov.u32 s21;
	s21 =	sadd.s32 $0x1, s21  }
0x46: {  	[tilespmem:s25], [sflag:$0x1] =	stream.indirect.gather @!p0 [hbm4b:s4+s24], $0x10, s22, s24, $0xb8;
	[tilespmem:$0x17B60] =	vst v63  }
0x47: {  	s22 =	sand.u32 $0xF, s18;
	p2 =	sne.s32 s21, $0x3A;
	s24 =	simm.s32 @!p1 $0x2  }
0x48: {  	s29 =	smov.u32 s23;
	s25 =	smul.u32 $0x3200, s22;
	_ =	swait.ge @!p1 [sflag:s24], $0xC80  }
0x49: {  	s30 =	smov.u32 s20;
	s22 =	smov.u32 s19;
	[sflag:s24] =	ssyncset.done @!p1 $0x0  }
0x4a: {  	p0 =	sgt.u32 s26, $0x29;
	s23 =	sshrl.u32 s25, $0x2;
	[sflag:s24] =	ssyncadd.s32 @!p1 $0xFFFFF380  }
.Ltmp2:
0x4b: {  	s24 =	sand.u32 @!p0 $0xF, s28;
	_ =	swait.ge [sflag:s1], $0xC80;
	(pc) =	sbr.rel @p2 .LBB2_6-.Ltmp2, $4  }
0x4c: {  	s20 =	sadd.s32 $0xC8, s20;
	s24 =	smul.u32 @!p0 $0x3200, s24;
	[sflag:s1] =	ssyncset.done $0x0  }
0x4d: {  	s19 =	sadd.s32 $0xC8, s19;
	s25 =	sadd.s32 $0x4E20, s29;
	[sflag:s1] =	ssyncadd.s32 $0xFFFFF380  }
0x4e: {  	[spmem:s2] =	stream.indirect.scatter.add.f32 [tilespmem:s25], [sflag:$0x2], $0x10, s30, s16, $0xb8;
	[tilespmem:$0x17B60] =	vst v63  }
0x4f: {  	p1 =	slt.u32 s18, $0x8;
	s25 =	sshrl.u32 @!p0 s24, $0x2;
	s24 =	simm.s32 @!p0 $0xC8  }
0x50: {  	s21 =	sadd.s32 @!p0 $0x4E20, s25  }
0x51: {  	[tilespmem:s21], [sflag:$0x1] =	stream.indirect.gather @!p0 [hbm4b:s4+s24], $0x10, s22, s24, $0xb8;
	[tilespmem:$0x17B60] =	vst v63  }
0x52: {  	s21 =	simm.s32 @!p1 $0x2  }
0x53: {  	_ =	swait.ge @!p1 [sflag:s21], $0xC80  }
0x54: {  	p0 =	sgt.u32 s18, $0x29;
	[sflag:s21] =	ssyncset.done @!p1 $0x0  }
0x55: {  	s17 =	sand.u32 @!p0 $0xF, s17;
	[sflag:s21] =	ssyncadd.s32 @!p1 $0xFFFFF380  }
0x56: {  	s17 =	smul.u32 @!p0 $0x3200, s17;
	_ =	swait.ge [sflag:s1], $0xC80  }
0x57: {  	[sflag:s1] =	ssyncset.done $0x0  }
0x58: {  	s28 =	sadd.s32 $0x4E20, s23;
	s17 =	sshrl.u32 @!p0 s17, $0x2;
	[sflag:s1] =	ssyncadd.s32 $0xFFFFF380  }
0x59: {  	[spmem:s2] =	stream.indirect.scatter.add.f32 [tilespmem:s28], [sflag:$0x2], $0x10, s20, s16, $0xb8;
	[tilespmem:$0x17B60] =	vst v63  }
0x5a: {  	s18 =	simm.s32 @!p0 $0xC8;
	s17 =	sadd.s32 @!p0 $0x4E20, s17  }
0x5b: {  	[tilespmem:s17], [sflag:$0x1] =	stream.indirect.gather @!p0 [hbm4b:s4+s18], $0x10, s19, s18, $0xb8;
	[tilespmem:$0x17B60] =	vst v63  }
0x5c: {  	_ = 	snop  }
0x5d: {  	[spmem:s2] =	stream.indirect.scatter.add.f32 [tilespmem:s15], [sflag:$0x2], $0x10, s0, s3, $0xb8;
	[tilespmem:$0x17B60] =	vst v63  }
0x5e: {  	_ =	swait.ge [sflag:s12], $0xC80  }
0x5f: {  	[sflag:s12] =	ssyncset.done $0x0  }
0x60: {  	[sflag:s12] =	ssyncadd.s32 $0xFFFFF380  }
0x61: {  	_ =	swait.ge [sflag:s12], $0xC80  }
0x62: {  	[sflag:s12] =	ssyncset.done $0x0  }
0x63: {  	[sflag:s12] =	ssyncadd.s32 $0xFFFFF380  }
0x64: {  	_ =	swait.ge [sflag:s12], $0xC80  }
0x65: {  	[sflag:s12] =	ssyncset.done $0x0  }
0x66: {  	[sflag:s12] =	ssyncadd.s32 $0xFFFFF380  }
0x67: {  	_ =	swait.ge [sflag:s12], $0xC80  }
0x68: {  	[sflag:s12] =	ssyncset.done $0x0  }
0x69: {  	[sflag:s12] =	ssyncadd.s32 $0xFFFFF380  }
0x6a: {  	_ =	swait.ge [sflag:s12], $0xC80  }
0x6b: {  	[sflag:s12] =	ssyncset.done $0x0  }
0x6c: {  	[sflag:s12] =	ssyncadd.s32 $0xFFFFF380  }
0x6d: {  	_ =	swait.ge [sflag:s12], $0xC80  }
0x6e: {  	[sflag:s12] =	ssyncset.done $0x0  }
0x6f: {  	[sflag:s12] =	ssyncadd.s32 $0xFFFFF380  }
0x70: {  	_ =	swait.ge [sflag:s12], $0xC80  }
0x71: {  	[sflag:s12] =	ssyncset.done $0x0  }
0x72: {  	[sflag:s12] =	ssyncadd.s32 $0xFFFFF380  }
0x73: {  	_ =	swait.ge [sflag:s12], $0xC80  }
0x74: {  	[sflag:s12] =	ssyncset.done $0x0  }
0x75: {  	[sflag:s12] =	ssyncadd.s32 $0xFFFFF380  }
0x76: {  	s29 =	stileid.u32;
	_ =	swait.ge [sflag:s12], $0x1400  }
0x77: {  	s30 =	sshrl.u32 s6, $0x3;
	s14 =	sadd.s32 $0x1, s14;
	[sflag:s12] =	ssyncset.done $0x0  }
0x78: {  	s17 =	sshll.u32 s29, $0x6;
	p0 =	sne.s32 s14, s10;
	[sflag:s12] =	ssyncadd.s32 $0xFFFFEC00  }
.Ltmp3:
0x79: {  	s17 =	sor.u32 $0x1C03, s17;
	[bflag:$0x0] =	sbarrier.arrive $0xFFFF;
	(pc) =	sbr.rel @p0 .LBB2_1-.Ltmp3, $4  }
0x7a: {  	[hbm:s9], [sflag:s17] =	dma.local [spmem:s30], $0x500  }
0x7b: {  	_ =	swait.ge [sflag:s13], $0x500  }
0x7c: {  	[sflag:s13] =	ssyncset.done $0x0  }
0x7d: {  	[sflag:s13] =	ssyncadd.s32 $0xFFFFFB00  }
0x7e: {  	_ =	sfence.sel $0x180000  }
0x7f: {  	[bflag:$0x0] =	sbarrier.arrive $0xFFFF  }
0x80: {  	_ =	strace $0x9000004A  }
0x81: {  	s0 =	stileid.u32;
	[bflag:$0x2] =	sbarrier.arrive $0xFFFF  }
0x82: {  	p0 =	sne.s32 s0, $0x0;
	s0 =	rddreg [dreg:$0x3]  }
0x83: {  	s0 =	sadd.s32 @!p0 $0x100000, s0  }
0x84: {  	[sflag:s0] =	ssyncadd.tile.s32 @!p0 $0x1;
	_ =	shalt  }
.Lfunc_end2:
_tile_overlayer_lowered:
.L_overlay_start_2:
0x85: {  	(tag) =	ssettag $0x2  }
0x86: {  	s0 =	rddreg [dreg:$0x0];
	s2 =	stileid.u32  }
0x87: {  	s1 =	rddreg [dreg:$0x1];
	p0 =	sne.s32 s2, $0x0  }
0x88: {  	s3 =	rddreg [dreg:$0x2];
	[bflag:$0x3] =	sbarrier.arrive $0xFFFF;
	s2 =	simm.s32 @!p0 $0x1C03  }
0x89: {  	[timem:s3], [sflag:s2] =	dma.local @!p0 [hbm:s0], s1  }
0x8a: {  	s0 =	simm.s32 @!p0 $0x3  }
0x8b: {  	_ =	swait.ge @!p0 [sflag:s0], s1  }
0x8c: {  	s1 =	ssub.s32 @!p0 $0x0, s1;
	[sflag:s0] =	ssyncset.done @!p0 $0x0  }
0x8d: {  	[sflag:s0] =	ssyncadd.s32 @!p0 s1  }
0x8e: {  	[bflag:$0x3] =	sbarrier.arrive $0xFFFF  }
0x8f: {  	_ =	shalt  }

// kernel: kernel.17.cloned.1.call-start
scs
__scs_entry_jumppad:
0x0: {  	(pc) =	sbr.rel $0x88, $3  }
0x1: {  	(tag) =	ssettag $0x0;
	lr =	simm.s32 $0x1  }
0x2: {  	[smem:$0x3F99] =	sst lr;
	_ =	strace $0xD0000000  }
0x3: {  	_ = 	snop  }
0x4: {  	_ = 	snop  }
0x5: {  	_ = 	snop  }
0x6: {  	_ = 	snop  }
0x7: {  	_ = 	snop  }
__scs_overlays_trampoline_lowered:
0x8: {  	[smem:$0x3FA8] =	sst s0  }
0x9: {  	[smem:$0x3FA9] =	sst s1  }
0xa: {  	[smem:$0x3FAA] =	sst s2  }
0xb: {  	[smem:$0x3FAB] =	sst s3  }
0xc: {  	[smem:$0x3FAC] =	sst s4  }
0xd: {  	[smem:$0x3FAD] =	sst s5  }
0xe: {  	[smem:$0x3FAE] =	sst s6  }
0xf: {  	[smem:$0x3FAF] =	sst s7  }
0x10: {  	[smem:$0x3FB0] =	sst s8  }
0x11: {  	[smem:$0x3FB1] =	sst s9;
	s0 =	simm.s32 @!p0 $0x0  }
0x12: {  	s1 =	sld [smem:$0x3F97];
	s0 =	simm.s32 @p0 $0x1  }
0x13: {  	[smem:$0x3FB2] =	sst s0;
	s0 =	simm.s32 @!p1 $0x0  }
0x14: {  	s2 =	sld [smem:$0x3F96];
	s0 =	simm.s32 @p1 $0x1  }
0x15: {  	[smem:$0x3FB3] =	sst s0;
	s0 =	simm.s32 @!p2 $0x0  }
0x16: {  	s3 =	sld [smem:$0x3FDB];
	s0 =	simm.s32 @p2 $0x1  }
0x17: {  	s4 =	simm.s32 $0x1BF5;
	[smem:$0x3FB5] =	sst s0  }
0x18: {  	s0 =	sld [smem:$0x3F98];
	_ =	swait.ge [sflag:s4], $0x0  }
0x19: {  	s7 =	sld [smem:$0x3F99]  }
0x1a: {  	s8 =	sadd.s32 $0xFFFFE003, lr  }
0x1b: {  	s9 =	sadd.s32 $0xFFFFFEF7, lr;
	s5 =	simm.s32 $0xFFFFFFFF;
	p2 =	slt.u32 s8, $0xFFFFF086  }
0x1c: {  	p1 =	slt.u32 s9, $0xF7A;
	s5 =	simm.s32 @!p2 $0x0  }
0x1d: {  	s5 =	simm.s32 @p1 $0x1;
	p0 =	seq.s32 s7, s2  }
0x1e: {  	s7 =	smul.u32 @!p0 $0xF7A, s2;
	p2 =	seq.s32 @!p0 s5, $0x0  }
0x1f: {  	s9 =	smul.u32 $0xF7A, s1;
	s8 =	simm.s32 @!p0 $0x1BF5;
	p2 =	por !p2, p0  }
0x20: {  	[sflag:s8] =	ssyncset.s32 @!p0 $0xFFFFF086;
	s6 =	sadd.s32 @!p0 s3, s7;
	s7 =	simm.s32 @!p0 $0x108  }
0x21: {  	s3 =	sadd.s32 s3, s9;
	s6 =	sadd.s32 @!p0 $0x88, s6;
	s7 =	simm.s32 @p2 $0x1082  }
0x22: {  	[simem:s7], [sflag:s8] =	dma.local @!p0 [hbm:s6], $0xF7A  }
0x23: {  	s9 =	sor.u32 $0xD0000000, s2;
	s6 =	simm.s32 $0x108;
	_ =	swait.ge @!p0 [sflag:s8], $0x0  }
0x24: {  	s3 =	sadd.s32 $0x88, s3;
	s6 =	simm.s32 @!p1 $0x1082;
	[sflag:s4] =	ssyncset.s32 $0xFFFFF086  }
0x25: {  	[simem:s6], [sflag:s4] =	dma.local [hbm:s3], $0xF7A  }
0x26: {  	[smem:$0x3F99] =	sst s1;
	(tag) =	ssettag s2;
	_ =	strace s9  }
0x27: {  	s1 =	sld [smem:$0x3FA9]  }
0x28: {  	s2 =	sld [smem:$0x3FAA]  }
0x29: {  	s4 =	sld [smem:$0x3FAC]  }
0x2a: {  	p0 =	seq.s32 s5, $0x0;
	s5 =	sld [smem:$0x3FAD]  }
0x2b: {  	s6 =	sld [smem:$0x3FAE]  }
0x2c: {  	s7 =	sld [smem:$0x3FAF]  }
0x2d: {  	s3 =	simm.s32 $0x108;
	s8 =	sld [smem:$0x3FB0]  }
0x2e: {  	s3 =	simm.s32 @!p0 $0x1082;
	s9 =	sld [smem:$0x3FB1]  }
0x2f: {  	lr =	sadd.s32 s0, s3;
	s0 =	sld [smem:$0x3FA8]  }
0x30: {  	s3 =	sld [smem:$0x3FAB]  }
0x31: {  	[smem:$0x3FB4] =	sst s10  }
0x32: {  	s10 =	sld [smem:$0x3FB2];
	_ =	sdelay $0x3  }
0x33: {  	p0 =	seq.s32 s10, $0x1;
	s10 =	sld [smem:$0x3FB4];
	_ =	sdelay $0x3  }
0x34: {  	[smem:$0x3FB4] =	sst s10  }
0x35: {  	s10 =	sld [smem:$0x3FB3];
	_ =	sdelay $0x3  }
0x36: {  	p1 =	seq.s32 s10, $0x1;
	s10 =	sld [smem:$0x3FB4];
	_ =	sdelay $0x3  }
0x37: {  	[smem:$0x3FB4] =	sst s10  }
0x38: {  	s10 =	sld [smem:$0x3FB5]  }
0x39: {  	_ = 	snop;
	(pc) =	sbr.ind lr, $3  }
0x3a: {  	_ = 	snop  }
0x3b: {  	_ = 	snop  }
0x3c: {  	p2 =	seq.s32 s10, $0x1;
	s10 =	sld [smem:$0x3FB4]  }
0x3d: {  	_ =	shalt  }
0x3e: {  	_ =	shalt  }
0x3f: {  	_ =	shalt  }
0x40: {  	_ =	shalt  }
0x41: {  	_ =	shalt  }
0x42: {  	_ =	shalt  }
0x43: {  	_ =	shalt  }
0x44: {  	_ =	shalt  }
0x45: {  	_ =	shalt  }
0x46: {  	_ =	shalt  }
0x47: {  	_ =	shalt  }
0x48: {  	_ =	shalt  }
0x49: {  	_ =	shalt  }
0x4a: {  	_ =	shalt  }
0x4b: {  	_ =	shalt  }
0x4c: {  	_ =	shalt  }
0x4d: {  	_ =	shalt  }
0x4e: {  	_ =	shalt  }
0x4f: {  	_ =	shalt  }
0x50: {  	_ =	shalt  }
0x51: {  	_ =	shalt  }
0x52: {  	_ =	shalt  }
0x53: {  	_ =	shalt  }
0x54: {  	_ =	shalt  }
0x55: {  	_ =	shalt  }
0x56: {  	_ =	shalt  }
0x57: {  	_ =	shalt  }
0x58: {  	_ =	shalt  }
0x59: {  	_ =	shalt  }
0x5a: {  	_ =	shalt  }
0x5b: {  	_ =	shalt  }
0x5c: {  	_ =	shalt  }
0x5d: {  	_ =	shalt  }
0x5e: {  	_ =	shalt  }
0x5f: {  	_ =	shalt  }
0x60: {  	_ =	shalt  }
0x61: {  	_ =	shalt  }
0x62: {  	_ =	shalt  }
0x63: {  	_ =	shalt  }
0x64: {  	_ =	shalt  }
0x65: {  	_ =	shalt  }
0x66: {  	_ =	shalt  }
0x67: {  	_ =	shalt  }
0x68: {  	_ =	shalt  }
0x69: {  	_ =	shalt  }
0x6a: {  	_ =	shalt  }
0x6b: {  	_ =	shalt  }
0x6c: {  	_ =	shalt  }
0x6d: {  	_ =	shalt  }
0x6e: {  	_ =	shalt  }
0x6f: {  	_ =	shalt  }
0x70: {  	_ =	shalt  }
0x71: {  	_ =	shalt  }
0x72: {  	_ =	shalt  }
0x73: {  	_ =	shalt  }
0x74: {  	_ =	shalt  }
0x75: {  	_ =	shalt  }
0x76: {  	_ =	shalt  }
0x77: {  	_ =	shalt  }
0x78: {  	_ =	shalt  }
0x79: {  	_ =	shalt  }
0x7a: {  	_ =	shalt  }
0x7b: {  	_ =	shalt  }
0x7c: {  	_ =	shalt  }
0x7d: {  	_ =	shalt  }
0x7e: {  	_ =	shalt  }
0x7f: {  	_ =	shalt  }
0x80: {  	_ =	shalt  }
0x81: {  	_ =	shalt  }
0x82: {  	_ =	shalt  }
0x83: {  	_ =	shalt  }
0x84: {  	_ =	shalt  }
0x85: {  	_ =	shalt  }
0x86: {  	_ =	shalt  }
0x87: {  	_ =	shalt  }
.Lfunc_end0:
.L_simem_size_0:
called_computation.2_lowered:
.L_overlay_start_0:
0x88: {  	s2 =	sld [smem:$0x3FD9]  }
0x89: {  	s3 =	sld [smem:$0x3FFE];
	_ =	sdelay $0x1  }
0x8a: {  	s1 =	srdreg.scid  }
0x8b: {  	s0 =	sand.u32 $0x1, s1  }
0x8c: {  	s17 =	sshll.u32 s0, $0xA;
	s2 =	sadd.s32 s3, s2  }
0x8d: {  	s2 =	sadd.s32 s2, s17  }
0x8e: {  	[smem:$0x3FC0] =	sst s2  }
0x8f: {  	_ = 	snop  }
0x90: {  	s2 =	sld [smem:$0x3FD0];
	(tm) =	ssettm $0x1  }
0x91: {  	s18 =	sld [smem:$0x3FFB];
	_ =	sdelay $0x3  }
0x92: {  	_ =	strace s18  }
0x93: {  	s3 =	sld [smem:$0x3FFC];
	_ =	sdelay $0x3  }
0x94: {  	_ =	strace s3  }
0x95: {  	s3 =	sld [smem:$0x3FFD];
	_ =	sdelay $0x3  }
0x96: {  	_ =	strace s3  }
0x97: {  	_ =	strace $0x8FFFFFFF  }
0x98: {  	s19 =	sld [smem:$0x3FDB];
	_ =	sdelay $0x1  }
0x99: {  	s4 =	simm.s32 $_scs_section_size  }
0x9a: {  	s5 =	simm.s32 $_size__tile_overlayer_lowered;
	s6 =	simm.s32 $_tile_overlayer_lowered  }
0x9b: {  	s22 =	simm.s32 $0x1BFF;
	s21 =	sshll.u32 s6, $0x1;
	s3 =	sadd.s32 s4, s19  }
0x9c: {  	s7 =	simm.s32 $0x0;
	s20 =	sshll.u32 s5, $0x1;
	s5 =	sadd.s32 s21, s3  }
0x9d: {  	[timem:s7], [sflag:s22] =	dma.local [hbm:s5], s20  }
0x9e: {  	_ =	swait.ge [sflag:s22], s20  }
0x9f: {  	s4 =	ssub.s32 $0x0, s20;
	[sflag:s22] =	ssyncset.done $0x0  }
0xa0: {  	[sflag:s22] =	ssyncadd.s32 s4;
	_ =	sdelay $0x1  }
0xa1: {  	s23 =	simm.s32 $0x1B8B  }
0xa2: {  	_ =	swait.ge [sflag:s23], $0x1  }
0xa3: {  	[sflag:s23] =	ssyncset.done $0x0  }
0xa4: {  	s25 =	simm.s32 $0x1B8E;
	s24 =	sld [smem:$0x3FFE];
	[sflag:s23] =	ssyncadd.s32 $0xFFFFFFFF  }
0xa5: {  	s26 =	simm.s32 $execute0_lowered;
	[smem:$0x3FD2] =	sst s25  }
0xa6: {  	s5 =	sshll.u32 s26, $0x1;
	_ =	strace $0x8000004C;
	[dreg:$0x1] =	wrdreg $0xFFFFFFFF  }
0xa7: {  	s28 =	simm.s32 $_size_execute0_lowered;
	s3 =	sadd.s32 s3, s5;
	[dreg:$0x0] =	wrdreg $0x0  }
0xa8: {  	s5 =	sshll.u32 s28, $0x1;
	[dreg:$0x2] =	wrdreg s3  }
0xa9: {  	[dreg:$0x3] =	wrdreg s5  }
0xaa: {  	[dreg:$0x4] =	wrdreg $0xC0  }
0xab: {  	_ =	task [dreg:s7], $0x5FFFF  }
0xac: {  	[dreg:$0x1] =	wrdreg $0xFFFFFFFF  }
0xad: {  	[dreg:$0x0] =	wrdreg $0x60  }
0xae: {  	[dreg:$0x2] =	wrdreg s24  }
0xaf: {  	[dreg:$0x3] =	wrdreg s2  }
0xb0: {  	[dreg:$0x4] =	wrdreg $0x153600  }
0xb1: {  	[dreg:$0x5] =	wrdreg $0x9  }
0xb2: {  	_ =	task.clear_ibuf [dreg:s7], $0x6FFFF;
	_ =	strace $0x9000004C  }
0xb3: {  	s29 =	simm.s32 $0x9;
	_ =	strace $0x8000004E  }
0xb4: {  	_ =	swait.ge [sflag:s29], $0x1  }
0xb5: {  	[sflag:s29] =	ssyncadd.s32 $0xFFFFFFFF  }
0xb6: {  	_ =	strace $0x9000004E  }
0xb7: {  	_ =	sfence  }
0xb8: {  	s30 =	sld [smem:$0x0];
	_ =	sdelay $0x2  }
0xb9: {  	s31 =	sshll.u32 s1, $0xD;
	s1 =	sshrl.u32 s1, $0x2  }
0xba: {  	s3 =	sand.u32 $0x4000, s31;
	s1 =	sadd.s32 s1, s30  }
0xbb: {  	s0 =	sor.u32 s3, s0;
	s1 =	sshll.u32 s1, $0x11  }
0xbc: {  	s0 =	sor.u32 s1, s0  }
0xbd: {  	s0 =	sadd.s32 $0x8F2B, s0  }
0xbe: {  	[sflag:s0] =	ssyncadd.remote.s32 $0x1  }
0xbf: {  	_ =	sfence.sel $0xFFFF  }
0xc0: {  	[dreg:$0x0] =	wrdreg $0xFFFFFFFF;
	(pc) =	sbr.abs _section_cstart, $3  }
0xc1: {  	[dreg:$0x1] =	wrdreg $0xFFFFFFFF  }
0xc2: {  	_ =	task.clear_ibuf [dreg:s7], $0x2FFFF;
	_ =	strace $0x9FFFFFFF  }
0xc3: {  	(tm) =	ssettm $0x7FFFFFFF  }
tec
execute0_lowered:
.L_overlay_start_1:
0x0: {  	(tag) =	ssettag $0x1  }
0x1: {  	s0 =	rddreg [dreg:$0x0]  }
0x2: {  	s1 =	rddreg [dreg:$0x1];
	s3 =	srdreg.scid  }
0x3: {  	s11 =	stileid.u32;
	s2 =	rddreg [dreg:$0x2]  }
0x4: {  	s5 =	simm.s32 $0x0;
	s13 =	simm.s32 $0x3;
	s15 =	simm.s32 $0x11620  }
0x5: {  	s16 =	simm.s32 $0xC8;
	s31 =	simm.s32 $0xA5A0;
	s6 =	smul.u32 $0x2800, s11  }
0x6: {  	s12 =	simm.s32 $0x2;
	s3 =	sand.u32 $0x1, s3;
	s30 =	smul.u32 $0x140, s11  }
0x7: {  	s14 =	simm.s32 $0x0;
	[smem:$0x7FF] =	sst s5;
	s4 =	smul.u32 $0x28000, s3  }
0x8: {  	s26 =	sshll.u32 s3, $0x4;
	_ =	strace $0x8000004D;
	s28 =	ssub.s32 $0x2, s3  }
0x9: {  	s3 =	smul.u32 $0x1400, s3;
	s5 =	sor.u32 s11, s26;
	s29 =	sshrl.u32 s28, $0x1  }
0xa: {  	s7 =	sadd.s32 s6, s4;
	s4 =	sadd.s32 $0x3400, s0;
	s8 =	smul.u32 $0x2710, s5  }
0xb: {  	s9 =	smul.u32 $0x280, s5;
	s10 =	ssub.s32 s28, s29;
	s6 =	sadd.s32 s6, s2  }
0xc: {  	s11 =	sadd.s32 s30, s3;
	s3 =	simm.s32 $0x140;
	s7 =	sshrl.u32 s7, $0x3  }
0xd: {  	s10 =	smax.u32 s10, $0x1;
	s0 =	sadd.s32 s7, s0;
	s8 =	sshrl.u32 s8, $0x3  }
0xe: {  	s5 =	sadd.s32 s1, s8;
	s8 =	sadd.s32 s4, s9;
	s9 =	sadd.s32 $0x8400, s0  }
0xf: {  	v0 =	vimm.f32 $0.0e+00;
	v1 =	vlaneseq.u32;
	s1 =	simm.s32 $0x1;
	s0 =	simm.s32 $0x12A20;
	s7 =	sadd.s32 $0x9C40, s5  }
.LBB2_1:
0x10: {  	s17 =	simm.s32 $0x40;
	s18 =	simm.s32 $0x0  }
.LBB2_2:
0x11: {  	p0 =	sne.s32 s17, $0x9FC0;
	[tilespmem:s18+$0x12B60] =	vst v0;
	s18 =	smov.u32 s17;
	s17 =	sadd.s32 $0x40, s17  }
.Ltmp0:
0x12: {  	(pc) =	sbr.rel @p0 .LBB2_2-.Ltmp0, $2  }
0x13: {  	_ =	sdelay $0x2  }
0x14: {  	s18 =	sshra.s32 s18, $0x2  }
0x15: {  	[tilespmem:s18+$0x12B60] =	vst v0;
	s17 =	simm.s32 $0x12B60  }
0x16: {  	[spmem:s6] =	stream.linear.scatter [tilespmem:s17], [sflag:$0x3], $0x2800, $0x38;
	[tilespmem:$0x17B60] =	vst v63  }
0x17: {  	_ =	swait.ge [sflag:s13], $0x2800  }
0x18: {  	[sflag:s13] =	ssyncset.done $0x0  }
0x19: {  	s29 =	simm.s32 $0x0;
	[sflag:s13] =	ssyncadd.s32 $0xFFFFD800  }
0x1a: {  	[tilespmem:s29], [sflag:$0x3] =	stream.linear.gather [hbm4b:s5+s29], $0x2710, $0x38;
	[tilespmem:$0x17B60] =	vst v63  }
0x1b: {  	_ =	swait.ge [sflag:s13], $0x2710  }
0x1c: {  	[sflag:s13] =	ssyncset.done $0x0  }
0x1d: {  	s30 =	simm.s32 $0x2710;
	[sflag:s13] =	ssyncadd.s32 $0xFFFFD8F0  }
0x1e: {  	[tilespmem:s30], [sflag:$0x3] =	stream.linear.gather [hbm4b:s7+s29], $0x2710, $0x38;
	[tilespmem:$0x17B60] =	vst v63  }
0x1f: {  	_ =	swait.ge [sflag:s13], $0x2710  }
0x20: {  	[sflag:s13] =	ssyncset.done $0x0  }
0x21: {  	[sflag:s13] =	ssyncadd.s32 $0xFFFFD8F0  }
0x22: {  	[tilespmem:s15], [sflag:$0x3] =	stream.linear.gather [hbm4b:s8+s29], $0x1400, $0x38;
	[tilespmem:$0x17B60] =	vst v63  }
0x23: {  	_ =	swait.ge [sflag:s13], $0x1400  }
0x24: {  	s19 =	simm.s32 $0x0;
	[sflag:s13] =	ssyncset.done $0x0  }
0x25: {  	v2 =	vor.u32 s11, v1;
	s18 =	smov.u32 s11;
	s17 =	simm.s32 $0x40;
	[sflag:s13] =	ssyncadd.s32 $0xFFFFEC00  }
.LBB2_4:
0x26: {  	p0 =	sne.s32 s17, $0x4C0  }
0x27: {  	[tilespmem:s19+$0x12A20] =	vst v2;
	s18 =	sadd.s32 $0x10, s18;
	s19 =	smov.u32 s17;
	s17 =	sadd.s32 $0x40, s17  }
.Ltmp1:
0x28: {  	(pc) =	sbr.rel @p0 .LBB2_4-.Ltmp1, $2  }
0x29: {  	_ =	sdelay $0x2  }
0x2a: {  	v2 =	vor.u32 s18, v1;
	s19 =	sshra.s32 s19, $0x2  }
0x2b: {  	[tilespmem:s19+$0x12A20] =	vst v2  }
0x2c: {  	s17 =	simm.s32 $0x0;
	s18 =	simm.s32 $0x4E20;
	[bflag:$0x0] =	sbarrier.arrive $0xFFFF  }
0x2d: {  	[tilespmem:s18], [sflag:$0x1] =	stream.indirect.gather [hbm4b:s4+s16], $0x10, s17, s16, $0xb8;
	[tilespmem:$0x17B60] =	vst v63  }
0x2e: {  	s25 =	simm.s32 $0x5AA0;
	s26 =	simm.s32 $0x190;
	s28 =	simm.s32 $0x6720  }
0x2f: {  	[tilespmem:s25], [sflag:$0x1] =	stream.indirect.gather [hbm4b:s4+s16], $0x10, s16, s16, $0xb8;
	[tilespmem:$0x17B60] =	vst v63  }
0x30: {  	s29 =	simm.s32 $0x258;
	s30 =	simm.s32 $0x73A0;
	s19 =	simm.s32 $0x320  }
0x31: {  	[tilespmem:s28], [sflag:$0x1] =	stream.indirect.gather [hbm4b:s4+s16], $0x10, s26, s16, $0xb8;
	[tilespmem:$0x17B60] =	vst v63  }
0x32: {  	s20 =	simm.s32 $0x8020;
	s21 =	simm.s32 $0x3E8;
	s22 =	simm.s32 $0x8CA0  }
0x33: {  	[tilespmem:s30], [sflag:$0x1] =	stream.indirect.gather [hbm4b:s4+s16], $0x10, s29, s16, $0xb8;
	[tilespmem:$0x17B60] =	vst v63  }
0x34: {  	s23 =	simm.s32 $0x4B0;
	s24 =	simm.s32 $0x9920;
	s26 =	simm.s32 $0x0  }
0x35: {  	[tilespmem:s20], [sflag:$0x1] =	stream.indirect.gather [hbm4b:s4+s16], $0x10, s19, s16, $0xb8;
	[tilespmem:$0x17B60] =	vst v63  }
0x36: {  	p0 =	por $0x1, $0x1;
	p1 =	por $0x1, $0x1;
	s17 =	sand.u32 $0xF, s26  }
0x37: {  	[tilespmem:s22], [sflag:$0x1] =	stream.indirect.gather [hbm4b:s4+s16], $0x10, s21, s16, $0xb8;
	[tilespmem:$0x17B60] =	vst v63  }
0x38: {  	s18 =	simm.s32 $0x1;
	s25 =	simm.s32 $0x578;
	s28 =	smul.u32 $0x3200, s17  }
0x39: {  	[tilespmem:s24], [sflag:$0x1] =	stream.indirect.gather [hbm4b:s4+s16], $0x10, s23, s16, $0xb8;
	[tilespmem:$0x17B60] =	vst v63  }
0x3a: {  	s17 =	simm.s32 $0x9;
	s29 =	sand.u32 $0xF, s18;
	s20 =	simm.s32 @!p0 $0x2  }
0x3b: {  	[tilespmem:s31], [sflag:$0x1] =	stream.indirect.gather [hbm4b:s4+s16], $0x10, s25, s16, $0xb8;
	[tilespmem:$0x17B60] =	vst v63  }
0x3c: {  	s19 =	simm.s32 $0x8;
	s22 =	simm.s32 $0x640;
	_ =	swait.ge @!p0 [sflag:s20], $0xC80  }
0x3d: {  	s21 =	simm.s32 $0xA;
	s24 =	sshrl.u32 s28, $0x2;
	[sflag:s20] =	ssyncset.done @!p0 $0x0  }
0x3e: {  	s23 =	simm.s32 $0x2710;
	s30 =	sadd.s32 $0x4E20, s24;
	[sflag:s20] =	ssyncadd.s32 @!p0 $0xFFFFF380  }
0x3f: {  	p0 =	por $0x0, $0x0;
	s20 =	smul.u32 $0x3200, s29;
	_ =	swait.ge [sflag:s1], $0xC80  }
0x40: {  	s19 =	sand.u32 @!p0 $0xF, s19;
	s24 =	simm.s32 @!p0 $0xC8;
	[sflag:s1] =	ssyncset.done $0x0  }
0x41: {  	s25 =	smul.u32 @!p0 $0x3200, s19;
	s19 =	simm.s32 $0x708;
	[sflag:s1] =	ssyncadd.s32 $0xFFFFF380  }
0x42: {  	[spmem:s2] =	stream.indirect.scatter.add.f32 [tilespmem:s30], [sflag:$0x2], $0x10, s23, s16, $0xb8;
	[tilespmem:$0x17B60] =	vst v63  }
0x43: {  	s23 =	sshrl.u32 s20, $0x2;
	s20 =	simm.s32 $0x27D8;
	s25 =	sshrl.u32 @!p0 s25, $0x2  }
.LBB2_6:
0x44: {  	s25 =	sadd.s32 @!p0 $0x4E20, s25;
	s26 =	smov.u32 s18;
	s18 =	sadd.s32 $0xFFFFFFF8, s21  }
0x45: {  	s28 =	smov.u32 s17;
	s17 =	smov.u32 s21;
	s21 =	sadd.s32 $0x1, s21  }
0x46: {  	[tilespmem:s25], [sflag:$0x1] =	stream.indirect.gather @!p0 [hbm4b:s4+s24], $0x10, s22, s24, $0xb8;
	[tilespmem:$0x17B60] =	vst v63  }
0x47: {  	s22 =	sand.u32 $0xF, s18;
	p2 =	sne.s32 s21, $0x3A;
	s24 =	simm.s32 @!p1 $0x2  }
0x48: {  	s29 =	smov.u32 s23;
	s25 =	smul.u32 $0x3200, s22;
	_ =	swait.ge @!p1 [sflag:s24], $0xC80  }
0x49: {  	s30 =	smov.u32 s20;
	s22 =	smov.u32 s19;
	[sflag:s24] =	ssyncset.done @!p1 $0x0  }
0x4a: {  	p0 =	sgt.u32 s26, $0x29;
	s23 =	sshrl.u32 s25, $0x2;
	[sflag:s24] =	ssyncadd.s32 @!p1 $0xFFFFF380  }
.Ltmp2:
0x4b: {  	s24 =	sand.u32 @!p0 $0xF, s28;
	_ =	swait.ge [sflag:s1], $0xC80;
	(pc) =	sbr.rel @p2 .LBB2_6-.Ltmp2, $4  }
0x4c: {  	s20 =	sadd.s32 $0xC8, s20;
	s24 =	smul.u32 @!p0 $0x3200, s24;
	[sflag:s1] =	ssyncset.done $0x0  }
0x4d: {  	s19 =	sadd.s32 $0xC8, s19;
	s25 =	sadd.s32 $0x4E20, s29;
	[sflag:s1] =	ssyncadd.s32 $0xFFFFF380  }
0x4e: {  	[spmem:s2] =	stream.indirect.scatter.add.f32 [tilespmem:s25], [sflag:$0x2], $0x10, s30, s16, $0xb8;
	[tilespmem:$0x17B60] =	vst v63  }
0x4f: {  	p1 =	slt.u32 s18, $0x8;
	s25 =	sshrl.u32 @!p0 s24, $0x2;
	s24 =	simm.s32 @!p0 $0xC8  }
0x50: {  	s21 =	sadd.s32 @!p0 $0x4E20, s25  }
0x51: {  	[tilespmem:s21], [sflag:$0x1] =	stream.indirect.gather @!p0 [hbm4b:s4+s24], $0x10, s22, s24, $0xb8;
	[tilespmem:$0x17B60] =	vst v63  }
0x52: {  	s21 =	simm.s32 @!p1 $0x2  }
0x53: {  	_ =	swait.ge @!p1 [sflag:s21], $0xC80  }
0x54: {  	p0 =	sgt.u32 s18, $0x29;
	[sflag:s21] =	ssyncset.done @!p1 $0x0  }
0x55: {  	s17 =	sand.u32 @!p0 $0xF, s17;
	[sflag:s21] =	ssyncadd.s32 @!p1 $0xFFFFF380  }
0x56: {  	s17 =	smul.u32 @!p0 $0x3200, s17;
	_ =	swait.ge [sflag:s1], $0xC80  }
0x57: {  	[sflag:s1] =	ssyncset.done $0x0  }
0x58: {  	s28 =	sadd.s32 $0x4E20, s23;
	s17 =	sshrl.u32 @!p0 s17, $0x2;
	[sflag:s1] =	ssyncadd.s32 $0xFFFFF380  }
0x59: {  	[spmem:s2] =	stream.indirect.scatter.add.f32 [tilespmem:s28], [sflag:$0x2], $0x10, s20, s16, $0xb8;
	[tilespmem:$0x17B60] =	vst v63  }
0x5a: {  	s18 =	simm.s32 @!p0 $0xC8;
	s17 =	sadd.s32 @!p0 $0x4E20, s17  }
0x5b: {  	[tilespmem:s17], [sflag:$0x1] =	stream.indirect.gather @!p0 [hbm4b:s4+s18], $0x10, s19, s18, $0xb8;
	[tilespmem:$0x17B60] =	vst v63  }
0x5c: {  	_ = 	snop  }
0x5d: {  	[spmem:s2] =	stream.indirect.scatter.add.f32 [tilespmem:s15], [sflag:$0x2], $0x10, s0, s3, $0xb8;
	[tilespmem:$0x17B60] =	vst v63  }
0x5e: {  	_ =	swait.ge [sflag:s12], $0xC80  }
0x5f: {  	[sflag:s12] =	ssyncset.done $0x0  }
0x60: {  	[sflag:s12] =	ssyncadd.s32 $0xFFFFF380  }
0x61: {  	_ =	swait.ge [sflag:s12], $0xC80  }
0x62: {  	[sflag:s12] =	ssyncset.done $0x0  }
0x63: {  	[sflag:s12] =	ssyncadd.s32 $0xFFFFF380  }
0x64: {  	_ =	swait.ge [sflag:s12], $0xC80  }
0x65: {  	[sflag:s12] =	ssyncset.done $0x0  }
0x66: {  	[sflag:s12] =	ssyncadd.s32 $0xFFFFF380  }
0x67: {  	_ =	swait.ge [sflag:s12], $0xC80  }
0x68: {  	[sflag:s12] =	ssyncset.done $0x0  }
0x69: {  	[sflag:s12] =	ssyncadd.s32 $0xFFFFF380  }
0x6a: {  	_ =	swait.ge [sflag:s12], $0xC80  }
0x6b: {  	[sflag:s12] =	ssyncset.done $0x0  }
0x6c: {  	[sflag:s12] =	ssyncadd.s32 $0xFFFFF380  }
0x6d: {  	_ =	swait.ge [sflag:s12], $0xC80  }
0x6e: {  	[sflag:s12] =	ssyncset.done $0x0  }
0x6f: {  	[sflag:s12] =	ssyncadd.s32 $0xFFFFF380  }
0x70: {  	_ =	swait.ge [sflag:s12], $0xC80  }
0x71: {  	[sflag:s12] =	ssyncset.done $0x0  }
0x72: {  	[sflag:s12] =	ssyncadd.s32 $0xFFFFF380  }
0x73: {  	_ =	swait.ge [sflag:s12], $0xC80  }
0x74: {  	[sflag:s12] =	ssyncset.done $0x0  }
0x75: {  	[sflag:s12] =	ssyncadd.s32 $0xFFFFF380  }
0x76: {  	s29 =	stileid.u32;
	_ =	swait.ge [sflag:s12], $0x1400  }
0x77: {  	s30 =	sshrl.u32 s6, $0x3;
	s14 =	sadd.s32 $0x1, s14;
	[sflag:s12] =	ssyncset.done $0x0  }
0x78: {  	s17 =	sshll.u32 s29, $0x6;
	p0 =	sne.s32 s14, s10;
	[sflag:s12] =	ssyncadd.s32 $0xFFFFEC00  }
.Ltmp3:
0x79: {  	s17 =	sor.u32 $0x1C03, s17;
	[bflag:$0x0] =	sbarrier.arrive $0xFFFF;
	(pc) =	sbr.rel @p0 .LBB2_1-.Ltmp3, $4  }
0x7a: {  	[hbm:s9], [sflag:s17] =	dma.local [spmem:s30], $0x500  }
0x7b: {  	_ =	swait.ge [sflag:s13], $0x500  }
0x7c: {  	[sflag:s13] =	ssyncset.done $0x0  }
0x7d: {  	[sflag:s13] =	ssyncadd.s32 $0xFFFFFB00  }
0x7e: {  	_ =	sfence.sel $0x180000  }
0x7f: {  	[bflag:$0x0] =	sbarrier.arrive $0xFFFF  }
0x80: {  	_ =	strace $0x9000004D  }
0x81: {  	s0 =	stileid.u32;
	[bflag:$0x2] =	sbarrier.arrive $0xFFFF  }
0x82: {  	p0 =	sne.s32 s0, $0x0;
	s0 =	rddreg [dreg:$0x3]  }
0x83: {  	s0 =	sadd.s32 @!p0 $0x100000, s0  }
0x84: {  	[sflag:s0] =	ssyncadd.tile.s32 @!p0 $0x1;
	_ =	shalt  }
.Lfunc_end2:
_tile_overlayer_lowered:
.L_overlay_start_2:
0x85: {  	(tag) =	ssettag $0x2  }
0x86: {  	s0 =	rddreg [dreg:$0x0];
	s2 =	stileid.u32  }
0x87: {  	s1 =	rddreg [dreg:$0x1];
	p0 =	sne.s32 s2, $0x0  }
0x88: {  	s3 =	rddreg [dreg:$0x2];
	[bflag:$0x3] =	sbarrier.arrive $0xFFFF;
	s2 =	simm.s32 @!p0 $0x1C03  }
0x89: {  	[timem:s3], [sflag:s2] =	dma.local @!p0 [hbm:s0], s1  }
0x8a: {  	s0 =	simm.s32 @!p0 $0x3  }
0x8b: {  	_ =	swait.ge @!p0 [sflag:s0], s1  }
0x8c: {  	s1 =	ssub.s32 @!p0 $0x0, s1;
	[sflag:s0] =	ssyncset.done @!p0 $0x0  }
0x8d: {  	[sflag:s0] =	ssyncadd.s32 @!p0 s1  }
0x8e: {  	[bflag:$0x3] =	sbarrier.arrive $0xFFFF  }
0x8f: {  	_ =	shalt  }

// kernel: kernel.20.cloned.1.call-start
scs
__scs_entry_jumppad:
0x0: {  	(pc) =	sbr.rel $0x88, $3  }
0x1: {  	(tag) =	ssettag $0x0;
	lr =	simm.s32 $0x1  }
0x2: {  	[smem:$0x3F99] =	sst lr;
	_ =	strace $0xD0000000  }
0x3: {  	_ = 	snop  }
0x4: {  	_ = 	snop  }
0x5: {  	_ = 	snop  }
0x6: {  	_ = 	snop  }
0x7: {  	_ = 	snop  }
__scs_overlays_trampoline_lowered:
0x8: {  	[smem:$0x3FA8] =	sst s0  }
0x9: {  	[smem:$0x3FA9] =	sst s1  }
0xa: {  	[smem:$0x3FAA] =	sst s2  }
0xb: {  	[smem:$0x3FAB] =	sst s3  }
0xc: {  	[smem:$0x3FAC] =	sst s4  }
0xd: {  	[smem:$0x3FAD] =	sst s5  }
0xe: {  	[smem:$0x3FAE] =	sst s6  }
0xf: {  	[smem:$0x3FAF] =	sst s7  }
0x10: {  	[smem:$0x3FB0] =	sst s8  }
0x11: {  	[smem:$0x3FB1] =	sst s9;
	s0 =	simm.s32 @!p0 $0x0  }
0x12: {  	s1 =	sld [smem:$0x3F97];
	s0 =	simm.s32 @p0 $0x1  }
0x13: {  	[smem:$0x3FB2] =	sst s0;
	s0 =	simm.s32 @!p1 $0x0  }
0x14: {  	s2 =	sld [smem:$0x3F96];
	s0 =	simm.s32 @p1 $0x1  }
0x15: {  	[smem:$0x3FB3] =	sst s0;
	s0 =	simm.s32 @!p2 $0x0  }
0x16: {  	s3 =	sld [smem:$0x3FDB];
	s0 =	simm.s32 @p2 $0x1  }
0x17: {  	s4 =	simm.s32 $0x1BF5;
	[smem:$0x3FB5] =	sst s0  }
0x18: {  	s0 =	sld [smem:$0x3F98];
	_ =	swait.ge [sflag:s4], $0x0  }
0x19: {  	s7 =	sld [smem:$0x3F99]  }
0x1a: {  	s8 =	sadd.s32 $0xFFFFE003, lr  }
0x1b: {  	s9 =	sadd.s32 $0xFFFFFEF7, lr;
	s5 =	simm.s32 $0xFFFFFFFF;
	p2 =	slt.u32 s8, $0xFFFFF086  }
0x1c: {  	p1 =	slt.u32 s9, $0xF7A;
	s5 =	simm.s32 @!p2 $0x0  }
0x1d: {  	s5 =	simm.s32 @p1 $0x1;
	p0 =	seq.s32 s7, s2  }
0x1e: {  	s7 =	smul.u32 @!p0 $0xF7A, s2;
	p2 =	seq.s32 @!p0 s5, $0x0  }
0x1f: {  	s9 =	smul.u32 $0xF7A, s1;
	s8 =	simm.s32 @!p0 $0x1BF5;
	p2 =	por !p2, p0  }
0x20: {  	[sflag:s8] =	ssyncset.s32 @!p0 $0xFFFFF086;
	s6 =	sadd.s32 @!p0 s3, s7;
	s7 =	simm.s32 @!p0 $0x108  }
0x21: {  	s3 =	sadd.s32 s3, s9;
	s6 =	sadd.s32 @!p0 $0x88, s6;
	s7 =	simm.s32 @p2 $0x1082  }
0x22: {  	[simem:s7], [sflag:s8] =	dma.local @!p0 [hbm:s6], $0xF7A  }
0x23: {  	s9 =	sor.u32 $0xD0000000, s2;
	s6 =	simm.s32 $0x108;
	_ =	swait.ge @!p0 [sflag:s8], $0x0  }
0x24: {  	s3 =	sadd.s32 $0x88, s3;
	s6 =	simm.s32 @!p1 $0x1082;
	[sflag:s4] =	ssyncset.s32 $0xFFFFF086  }
0x25: {  	[simem:s6], [sflag:s4] =	dma.local [hbm:s3], $0xF7A  }
0x26: {  	[smem:$0x3F99] =	sst s1;
	(tag) =	ssettag s2;
	_ =	strace s9  }
0x27: {  	s1 =	sld [smem:$0x3FA9]  }
0x28: {  	s2 =	sld [smem:$0x3FAA]  }
0x29: {  	s4 =	sld [smem:$0x3FAC]  }
0x2a: {  	p0 =	seq.s32 s5, $0x0;
	s5 =	sld [smem:$0x3FAD]  }
0x2b: {  	s6 =	sld [smem:$0x3FAE]  }
0x2c: {  	s7 =	sld [smem:$0x3FAF]  }
0x2d: {  	s3 =	simm.s32 $0x108;
	s8 =	sld [smem:$0x3FB0]  }
0x2e: {  	s3 =	simm.s32 @!p0 $0x1082;
	s9 =	sld [smem:$0x3FB1]  }
0x2f: {  	lr =	sadd.s32 s0, s3;
	s0 =	sld [smem:$0x3FA8]  }
0x30: {  	s3 =	sld [smem:$0x3FAB]  }
0x31: {  	[smem:$0x3FB4] =	sst s10  }
0x32: {  	s10 =	sld [smem:$0x3FB2];
	_ =	sdelay $0x3  }
0x33: {  	p0 =	seq.s32 s10, $0x1;
	s10 =	sld [smem:$0x3FB4];
	_ =	sdelay $0x3  }
0x34: {  	[smem:$0x3FB4] =	sst s10  }
0x35: {  	s10 =	sld [smem:$0x3FB3];
	_ =	sdelay $0x3  }
0x36: {  	p1 =	seq.s32 s10, $0x1;
	s10 =	sld [smem:$0x3FB4];
	_ =	sdelay $0x3  }
0x37: {  	[smem:$0x3FB4] =	sst s10  }
0x38: {  	s10 =	sld [smem:$0x3FB5]  }
0x39: {  	_ = 	snop;
	(pc) =	sbr.ind lr, $3  }
0x3a: {  	_ = 	snop  }
0x3b: {  	_ = 	snop  }
0x3c: {  	p2 =	seq.s32 s10, $0x1;
	s10 =	sld [smem:$0x3FB4]  }
0x3d: {  	_ =	shalt  }
0x3e: {  	_ =	shalt  }
0x3f: {  	_ =	shalt  }
0x40: {  	_ =	shalt  }
0x41: {  	_ =	shalt  }
0x42: {  	_ =	shalt  }
0x43: {  	_ =	shalt  }
0x44: {  	_ =	shalt  }
0x45: {  	_ =	shalt  }
0x46: {  	_ =	shalt  }
0x47: {  	_ =	shalt  }
0x48: {  	_ =	shalt  }
0x49: {  	_ =	shalt  }
0x4a: {  	_ =	shalt  }
0x4b: {  	_ =	shalt  }
0x4c: {  	_ =	shalt  }
0x4d: {  	_ =	shalt  }
0x4e: {  	_ =	shalt  }
0x4f: {  	_ =	shalt  }
0x50: {  	_ =	shalt  }
0x51: {  	_ =	shalt  }
0x52: {  	_ =	shalt  }
0x53: {  	_ =	shalt  }
0x54: {  	_ =	shalt  }
0x55: {  	_ =	shalt  }
0x56: {  	_ =	shalt  }
0x57: {  	_ =	shalt  }
0x58: {  	_ =	shalt  }
0x59: {  	_ =	shalt  }
0x5a: {  	_ =	shalt  }
0x5b: {  	_ =	shalt  }
0x5c: {  	_ =	shalt  }
0x5d: {  	_ =	shalt  }
0x5e: {  	_ =	shalt  }
0x5f: {  	_ =	shalt  }
0x60: {  	_ =	shalt  }
0x61: {  	_ =	shalt  }
0x62: {  	_ =	shalt  }
0x63: {  	_ =	shalt  }
0x64: {  	_ =	shalt  }
0x65: {  	_ =	shalt  }
0x66: {  	_ =	shalt  }
0x67: {  	_ =	shalt  }
0x68: {  	_ =	shalt  }
0x69: {  	_ =	shalt  }
0x6a: {  	_ =	shalt  }
0x6b: {  	_ =	shalt  }
0x6c: {  	_ =	shalt  }
0x6d: {  	_ =	shalt  }
0x6e: {  	_ =	shalt  }
0x6f: {  	_ =	shalt  }
0x70: {  	_ =	shalt  }
0x71: {  	_ =	shalt  }
0x72: {  	_ =	shalt  }
0x73: {  	_ =	shalt  }
0x74: {  	_ =	shalt  }
0x75: {  	_ =	shalt  }
0x76: {  	_ =	shalt  }
0x77: {  	_ =	shalt  }
0x78: {  	_ =	shalt  }
0x79: {  	_ =	shalt  }
0x7a: {  	_ =	shalt  }
0x7b: {  	_ =	shalt  }
0x7c: {  	_ =	shalt  }
0x7d: {  	_ =	shalt  }
0x7e: {  	_ =	shalt  }
0x7f: {  	_ =	shalt  }
0x80: {  	_ =	shalt  }
0x81: {  	_ =	shalt  }
0x82: {  	_ =	shalt  }
0x83: {  	_ =	shalt  }
0x84: {  	_ =	shalt  }
0x85: {  	_ =	shalt  }
0x86: {  	_ =	shalt  }
0x87: {  	_ =	shalt  }
.Lfunc_end0:
.L_simem_size_0:
called_computation.3_lowered:
.L_overlay_start_0:
0x88: {  	s2 =	sld [smem:$0x3FD9]  }
0x89: {  	s3 =	sld [smem:$0x3FFE];
	_ =	sdelay $0x1  }
0x8a: {  	s1 =	srdreg.scid  }
0x8b: {  	s0 =	sand.u32 $0x1, s1  }
0x8c: {  	s17 =	sshll.u32 s0, $0xA;
	s2 =	sadd.s32 s3, s2  }
0x8d: {  	s2 =	sadd.s32 s2, s17  }
0x8e: {  	[smem:$0x3FC0] =	sst s2  }
0x8f: {  	_ = 	snop  }
0x90: {  	s2 =	sld [smem:$0x3FD0];
	(tm) =	ssettm $0x1  }
0x91: {  	s18 =	sld [smem:$0x3FFB];
	_ =	sdelay $0x3  }
0x92: {  	_ =	strace s18  }
0x93: {  	s3 =	sld [smem:$0x3FFC];
	_ =	sdelay $0x3  }
0x94: {  	_ =	strace s3  }
0x95: {  	s3 =	sld [smem:$0x3FFD];
	_ =	sdelay $0x3  }
0x96: {  	_ =	strace s3  }
0x97: {  	_ =	strace $0x8FFFFFFF  }
0x98: {  	s19 =	sld [smem:$0x3FDB];
	_ =	sdelay $0x1  }
0x99: {  	s4 =	simm.s32 $_scs_section_size  }
0x9a: {  	s5 =	simm.s32 $_size__tile_overlayer_lowered;
	s6 =	simm.s32 $_tile_overlayer_lowered  }
0x9b: {  	s22 =	simm.s32 $0x1BFF;
	s21 =	sshll.u32 s6, $0x1;
	s3 =	sadd.s32 s4, s19  }
0x9c: {  	s7 =	simm.s32 $0x0;
	s20 =	sshll.u32 s5, $0x1;
	s5 =	sadd.s32 s21, s3  }
0x9d: {  	[timem:s7], [sflag:s22] =	dma.local [hbm:s5], s20  }
0x9e: {  	_ =	swait.ge [sflag:s22], s20  }
0x9f: {  	s4 =	ssub.s32 $0x0, s20;
	[sflag:s22] =	ssyncset.done $0x0  }
0xa0: {  	[sflag:s22] =	ssyncadd.s32 s4;
	_ =	sdelay $0x1  }
0xa1: {  	s23 =	simm.s32 $0x1B8B  }
0xa2: {  	_ =	swait.ge [sflag:s23], $0x1  }
0xa3: {  	[sflag:s23] =	ssyncset.done $0x0  }
0xa4: {  	s25 =	simm.s32 $0x1B8E;
	s24 =	sld [smem:$0x3FFE];
	[sflag:s23] =	ssyncadd.s32 $0xFFFFFFFF  }
0xa5: {  	s26 =	simm.s32 $execute0_lowered;
	[smem:$0x3FD2] =	sst s25  }
0xa6: {  	s5 =	sshll.u32 s26, $0x1;
	_ =	strace $0x8000004F;
	[dreg:$0x1] =	wrdreg $0xFFFFFFFF  }
0xa7: {  	s28 =	simm.s32 $_size_execute0_lowered;
	s3 =	sadd.s32 s3, s5;
	[dreg:$0x0] =	wrdreg $0x0  }
0xa8: {  	s5 =	sshll.u32 s28, $0x1;
	[dreg:$0x2] =	wrdreg s3  }
0xa9: {  	[dreg:$0x3] =	wrdreg s5  }
0xaa: {  	[dreg:$0x4] =	wrdreg $0xC0  }
0xab: {  	_ =	task [dreg:s7], $0x5FFFF  }
0xac: {  	[dreg:$0x1] =	wrdreg $0xFFFFFFFF  }
0xad: {  	[dreg:$0x0] =	wrdreg $0x60  }
0xae: {  	[dreg:$0x2] =	wrdreg s24  }
0xaf: {  	[dreg:$0x3] =	wrdreg s2  }
0xb0: {  	[dreg:$0x4] =	wrdreg $0x153600  }
0xb1: {  	[dreg:$0x5] =	wrdreg $0x9  }
0xb2: {  	_ =	task.clear_ibuf [dreg:s7], $0x6FFFF;
	_ =	strace $0x9000004F  }
0xb3: {  	s29 =	simm.s32 $0x9;
	_ =	strace $0x80000051  }
0xb4: {  	_ =	swait.ge [sflag:s29], $0x1  }
0xb5: {  	[sflag:s29] =	ssyncadd.s32 $0xFFFFFFFF  }
0xb6: {  	_ =	strace $0x90000051  }
0xb7: {  	_ =	sfence  }
0xb8: {  	s30 =	sld [smem:$0x0];
	_ =	sdelay $0x2  }
0xb9: {  	s31 =	sshll.u32 s1, $0xD;
	s1 =	sshrl.u32 s1, $0x2  }
0xba: {  	s3 =	sand.u32 $0x4000, s31;
	s1 =	sadd.s32 s1, s30  }
0xbb: {  	s0 =	sor.u32 s3, s0;
	s1 =	sshll.u32 s1, $0x11  }
0xbc: {  	s0 =	sor.u32 s1, s0  }
0xbd: {  	s0 =	sadd.s32 $0x8F2B, s0  }
0xbe: {  	[sflag:s0] =	ssyncadd.remote.s32 $0x1  }
0xbf: {  	_ =	sfence.sel $0xFFFF  }
0xc0: {  	[dreg:$0x0] =	wrdreg $0xFFFFFFFF;
	(pc) =	sbr.abs _section_cstart, $3  }
0xc1: {  	[dreg:$0x1] =	wrdreg $0xFFFFFFFF  }
0xc2: {  	_ =	task.clear_ibuf [dreg:s7], $0x2FFFF;
	_ =	strace $0x9FFFFFFF  }
0xc3: {  	(tm) =	ssettm $0x7FFFFFFF  }
tec
execute0_lowered:
.L_overlay_start_1:
0x0: {  	(tag) =	ssettag $0x1  }
0x1: {  	s0 =	rddreg [dreg:$0x0]  }
0x2: {  	s1 =	rddreg [dreg:$0x1];
	s3 =	srdreg.scid  }
0x3: {  	s11 =	stileid.u32;
	s2 =	rddreg [dreg:$0x2]  }
0x4: {  	s5 =	simm.s32 $0x0;
	s13 =	simm.s32 $0x3;
	s15 =	simm.s32 $0x11620  }
0x5: {  	s16 =	simm.s32 $0xC8;
	s31 =	simm.s32 $0xA5A0;
	s6 =	smul.u32 $0x2800, s11  }
0x6: {  	s12 =	simm.s32 $0x2;
	s3 =	sand.u32 $0x1, s3;
	s30 =	smul.u32 $0x140, s11  }
0x7: {  	s14 =	simm.s32 $0x0;
	[smem:$0x7FF] =	sst s5;
	s4 =	smul.u32 $0x28000, s3  }
0x8: {  	s26 =	sshll.u32 s3, $0x4;
	_ =	strace $0x80000050;
	s28 =	ssub.s32 $0x2, s3  }
0x9: {  	s3 =	smul.u32 $0x1400, s3;
	s5 =	sor.u32 s11, s26;
	s29 =	sshrl.u32 s28, $0x1  }
0xa: {  	s7 =	sadd.s32 s6, s4;
	s4 =	sadd.s32 $0x3400, s0;
	s8 =	smul.u32 $0x2710, s5  }
0xb: {  	s9 =	smul.u32 $0x280, s5;
	s10 =	ssub.s32 s28, s29;
	s6 =	sadd.s32 s6, s2  }
0xc: {  	s11 =	sadd.s32 s30, s3;
	s3 =	simm.s32 $0x140;
	s7 =	sshrl.u32 s7, $0x3  }
0xd: {  	s10 =	smax.u32 s10, $0x1;
	s0 =	sadd.s32 s7, s0;
	s8 =	sshrl.u32 s8, $0x3  }
0xe: {  	s5 =	sadd.s32 s1, s8;
	s8 =	sadd.s32 s4, s9;
	s9 =	sadd.s32 $0x8400, s0  }
0xf: {  	v0 =	vimm.f32 $0.0e+00;
	v1 =	vlaneseq.u32;
	s1 =	simm.s32 $0x1;
	s0 =	simm.s32 $0x12A20;
	s7 =	sadd.s32 $0x9C40, s5  }
.LBB2_1:
0x10: {  	s17 =	simm.s32 $0x40;
	s18 =	simm.s32 $0x0  }
.LBB2_2:
0x11: {  	p0 =	sne.s32 s17, $0x9FC0;
	[tilespmem:s18+$0x12B60] =	vst v0;
	s18 =	smov.u32 s17;
	s17 =	sadd.s32 $0x40, s17  }
.Ltmp0:
0x12: {  	(pc) =	sbr.rel @p0 .LBB2_2-.Ltmp0, $2  }
0x13: {  	_ =	sdelay $0x2  }
0x14: {  	s18 =	sshra.s32 s18, $0x2  }
0x15: {  	[tilespmem:s18+$0x12B60] =	vst v0;
	s17 =	simm.s32 $0x12B60  }
0x16: {  	[spmem:s6] =	stream.linear.scatter [tilespmem:s17], [sflag:$0x3], $0x2800, $0x38;
	[tilespmem:$0x17B60] =	vst v63  }
0x17: {  	_ =	swait.ge [sflag:s13], $0x2800  }
0x18: {  	[sflag:s13] =	ssyncset.done $0x0  }
0x19: {  	s29 =	simm.s32 $0x0;
	[sflag:s13] =	ssyncadd.s32 $0xFFFFD800  }
0x1a: {  	[tilespmem:s29], [sflag:$0x3] =	stream.linear.gather [hbm4b:s5+s29], $0x2710, $0x38;
	[tilespmem:$0x17B60] =	vst v63  }
0x1b: {  	_ =	swait.ge [sflag:s13], $0x2710  }
0x1c: {  	[sflag:s13] =	ssyncset.done $0x0  }
0x1d: {  	s30 =	simm.s32 $0x2710;
	[sflag:s13] =	ssyncadd.s32 $0xFFFFD8F0  }
0x1e: {  	[tilespmem:s30], [sflag:$0x3] =	stream.linear.gather [hbm4b:s7+s29], $0x2710, $0x38;
	[tilespmem:$0x17B60] =	vst v63  }
0x1f: {  	_ =	swait.ge [sflag:s13], $0x2710  }
0x20: {  	[sflag:s13] =	ssyncset.done $0x0  }
0x21: {  	[sflag:s13] =	ssyncadd.s32 $0xFFFFD8F0  }
0x22: {  	[tilespmem:s15], [sflag:$0x3] =	stream.linear.gather [hbm4b:s8+s29], $0x1400, $0x38;
	[tilespmem:$0x17B60] =	vst v63  }
0x23: {  	_ =	swait.ge [sflag:s13], $0x1400  }
0x24: {  	s19 =	simm.s32 $0x0;
	[sflag:s13] =	ssyncset.done $0x0  }
0x25: {  	v2 =	vor.u32 s11, v1;
	s18 =	smov.u32 s11;
	s17 =	simm.s32 $0x40;
	[sflag:s13] =	ssyncadd.s32 $0xFFFFEC00  }
.LBB2_4:
0x26: {  	p0 =	sne.s32 s17, $0x4C0  }
0x27: {  	[tilespmem:s19+$0x12A20] =	vst v2;
	s18 =	sadd.s32 $0x10, s18;
	s19 =	smov.u32 s17;
	s17 =	sadd.s32 $0x40, s17  }
.Ltmp1:
0x28: {  	(pc) =	sbr.rel @p0 .LBB2_4-.Ltmp1, $2  }
0x29: {  	_ =	sdelay $0x2  }
0x2a: {  	v2 =	vor.u32 s18, v1;
	s19 =	sshra.s32 s19, $0x2  }
0x2b: {  	[tilespmem:s19+$0x12A20] =	vst v2  }
0x2c: {  	s17 =	simm.s32 $0x0;
	s18 =	simm.s32 $0x4E20;
	[bflag:$0x0] =	sbarrier.arrive $0xFFFF  }
0x2d: {  	[tilespmem:s18], [sflag:$0x1] =	stream.indirect.gather [hbm4b:s4+s16], $0x10, s17, s16, $0xb8;
	[tilespmem:$0x17B60] =	vst v63  }
0x2e: {  	s25 =	simm.s32 $0x5AA0;
	s26 =	simm.s32 $0x190;
	s28 =	simm.s32 $0x6720  }
0x2f: {  	[tilespmem:s25], [sflag:$0x1] =	stream.indirect.gather [hbm4b:s4+s16], $0x10, s16, s16, $0xb8;
	[tilespmem:$0x17B60] =	vst v63  }
0x30: {  	s29 =	simm.s32 $0x258;
	s30 =	simm.s32 $0x73A0;
	s19 =	simm.s32 $0x320  }
0x31: {  	[tilespmem:s28], [sflag:$0x1] =	stream.indirect.gather [hbm4b:s4+s16], $0x10, s26, s16, $0xb8;
	[tilespmem:$0x17B60] =	vst v63  }
0x32: {  	s20 =	simm.s32 $0x8020;
	s21 =	simm.s32 $0x3E8;
	s22 =	simm.s32 $0x8CA0  }
0x33: {  	[tilespmem:s30], [sflag:$0x1] =	stream.indirect.gather [hbm4b:s4+s16], $0x10, s29, s16, $0xb8;
	[tilespmem:$0x17B60] =	vst v63  }
0x34: {  	s23 =	simm.s32 $0x4B0;
	s24 =	simm.s32 $0x9920;
	s26 =	simm.s32 $0x0  }
0x35: {  	[tilespmem:s20], [sflag:$0x1] =	stream.indirect.gather [hbm4b:s4+s16], $0x10, s19, s16, $0xb8;
	[tilespmem:$0x17B60] =	vst v63  }
0x36: {  	p0 =	por $0x1, $0x1;
	p1 =	por $0x1, $0x1;
	s17 =	sand.u32 $0xF, s26  }
0x37: {  	[tilespmem:s22], [sflag:$0x1] =	stream.indirect.gather [hbm4b:s4+s16], $0x10, s21, s16, $0xb8;
	[tilespmem:$0x17B60] =	vst v63  }
0x38: {  	s18 =	simm.s32 $0x1;
	s25 =	simm.s32 $0x578;
	s28 =	smul.u32 $0x3200, s17  }
0x39: {  	[tilespmem:s24], [sflag:$0x1] =	stream.indirect.gather [hbm4b:s4+s16], $0x10, s23, s16, $0xb8;
	[tilespmem:$0x17B60] =	vst v63  }
0x3a: {  	s17 =	simm.s32 $0x9;
	s29 =	sand.u32 $0xF, s18;
	s20 =	simm.s32 @!p0 $0x2  }
0x3b: {  	[tilespmem:s31], [sflag:$0x1] =	stream.indirect.gather [hbm4b:s4+s16], $0x10, s25, s16, $0xb8;
	[tilespmem:$0x17B60] =	vst v63  }
0x3c: {  	s19 =	simm.s32 $0x8;
	s22 =	simm.s32 $0x640;
	_ =	swait.ge @!p0 [sflag:s20], $0xC80  }
0x3d: {  	s21 =	simm.s32 $0xA;
	s24 =	sshrl.u32 s28, $0x2;
	[sflag:s20] =	ssyncset.done @!p0 $0x0  }
0x3e: {  	s23 =	simm.s32 $0x2710;
	s30 =	sadd.s32 $0x4E20, s24;
	[sflag:s20] =	ssyncadd.s32 @!p0 $0xFFFFF380  }
0x3f: {  	p0 =	por $0x0, $0x0;
	s20 =	smul.u32 $0x3200, s29;
	_ =	swait.ge [sflag:s1], $0xC80  }
0x40: {  	s19 =	sand.u32 @!p0 $0xF, s19;
	s24 =	simm.s32 @!p0 $0xC8;
	[sflag:s1] =	ssyncset.done $0x0  }
0x41: {  	s25 =	smul.u32 @!p0 $0x3200, s19;
	s19 =	simm.s32 $0x708;
	[sflag:s1] =	ssyncadd.s32 $0xFFFFF380  }
0x42: {  	[spmem:s2] =	stream.indirect.scatter.add.f32 [tilespmem:s30], [sflag:$0x2], $0x10, s23, s16, $0xb8;
	[tilespmem:$0x17B60] =	vst v63  }
0x43: {  	s23 =	sshrl.u32 s20, $0x2;
	s20 =	simm.s32 $0x27D8;
	s25 =	sshrl.u32 @!p0 s25, $0x2  }
.LBB2_6:
0x44: {  	s25 =	sadd.s32 @!p0 $0x4E20, s25;
	s26 =	smov.u32 s18;
	s18 =	sadd.s32 $0xFFFFFFF8, s21  }
0x45: {  	s28 =	smov.u32 s17;
	s17 =	smov.u32 s21;
	s21 =	sadd.s32 $0x1, s21  }
0x46: {  	[tilespmem:s25], [sflag:$0x1] =	stream.indirect.gather @!p0 [hbm4b:s4+s24], $0x10, s22, s24, $0xb8;
	[tilespmem:$0x17B60] =	vst v63  }
0x47: {  	s22 =	sand.u32 $0xF, s18;
	p2 =	sne.s32 s21, $0x3A;
	s24 =	simm.s32 @!p1 $0x2  }
0x48: {  	s29 =	smov.u32 s23;
	s25 =	smul.u32 $0x3200, s22;
	_ =	swait.ge @!p1 [sflag:s24], $0xC80  }
0x49: {  	s30 =	smov.u32 s20;
	s22 =	smov.u32 s19;
	[sflag:s24] =	ssyncset.done @!p1 $0x0  }
0x4a: {  	p0 =	sgt.u32 s26, $0x29;
	s23 =	sshrl.u32 s25, $0x2;
	[sflag:s24] =	ssyncadd.s32 @!p1 $0xFFFFF380  }
.Ltmp2:
0x4b: {  	s24 =	sand.u32 @!p0 $0xF, s28;
	_ =	swait.ge [sflag:s1], $0xC80;
	(pc) =	sbr.rel @p2 .LBB2_6-.Ltmp2, $4  }
0x4c: {  	s20 =	sadd.s32 $0xC8, s20;
	s24 =	smul.u32 @!p0 $0x3200, s24;
	[sflag:s1] =	ssyncset.done $0x0  }
0x4d: {  	s19 =	sadd.s32 $0xC8, s19;
	s25 =	sadd.s32 $0x4E20, s29;
	[sflag:s1] =	ssyncadd.s32 $0xFFFFF380  }
0x4e: {  	[spmem:s2] =	stream.indirect.scatter.add.f32 [tilespmem:s25], [sflag:$0x2], $0x10, s30, s16, $0xb8;
	[tilespmem:$0x17B60] =	vst v63  }
0x4f: {  	p1 =	slt.u32 s18, $0x8;
	s25 =	sshrl.u32 @!p0 s24, $0x2;
	s24 =	simm.s32 @!p0 $0xC8  }
0x50: {  	s21 =	sadd.s32 @!p0 $0x4E20, s25  }
0x51: {  	[tilespmem:s21], [sflag:$0x1] =	stream.indirect.gather @!p0 [hbm4b:s4+s24], $0x10, s22, s24, $0xb8;
	[tilespmem:$0x17B60] =	vst v63  }
0x52: {  	s21 =	simm.s32 @!p1 $0x2  }
0x53: {  	_ =	swait.ge @!p1 [sflag:s21], $0xC80  }
0x54: {  	p0 =	sgt.u32 s18, $0x29;
	[sflag:s21] =	ssyncset.done @!p1 $0x0  }
0x55: {  	s17 =	sand.u32 @!p0 $0xF, s17;
	[sflag:s21] =	ssyncadd.s32 @!p1 $0xFFFFF380  }
0x56: {  	s17 =	smul.u32 @!p0 $0x3200, s17;
	_ =	swait.ge [sflag:s1], $0xC80  }
0x57: {  	[sflag:s1] =	ssyncset.done $0x0  }
0x58: {  	s28 =	sadd.s32 $0x4E20, s23;
	s17 =	sshrl.u32 @!p0 s17, $0x2;
	[sflag:s1] =	ssyncadd.s32 $0xFFFFF380  }
0x59: {  	[spmem:s2] =	stream.indirect.scatter.add.f32 [tilespmem:s28], [sflag:$0x2], $0x10, s20, s16, $0xb8;
	[tilespmem:$0x17B60] =	vst v63  }
0x5a: {  	s18 =	simm.s32 @!p0 $0xC8;
	s17 =	sadd.s32 @!p0 $0x4E20, s17  }
0x5b: {  	[tilespmem:s17], [sflag:$0x1] =	stream.indirect.gather @!p0 [hbm4b:s4+s18], $0x10, s19, s18, $0xb8;
	[tilespmem:$0x17B60] =	vst v63  }
0x5c: {  	_ = 	snop  }
0x5d: {  	[spmem:s2] =	stream.indirect.scatter.add.f32 [tilespmem:s15], [sflag:$0x2], $0x10, s0, s3, $0xb8;
	[tilespmem:$0x17B60] =	vst v63  }
0x5e: {  	_ =	swait.ge [sflag:s12], $0xC80  }
0x5f: {  	[sflag:s12] =	ssyncset.done $0x0  }
0x60: {  	[sflag:s12] =	ssyncadd.s32 $0xFFFFF380  }
0x61: {  	_ =	swait.ge [sflag:s12], $0xC80  }
0x62: {  	[sflag:s12] =	ssyncset.done $0x0  }
0x63: {  	[sflag:s12] =	ssyncadd.s32 $0xFFFFF380  }
0x64: {  	_ =	swait.ge [sflag:s12], $0xC80  }
0x65: {  	[sflag:s12] =	ssyncset.done $0x0  }
0x66: {  	[sflag:s12] =	ssyncadd.s32 $0xFFFFF380  }
0x67: {  	_ =	swait.ge [sflag:s12], $0xC80  }
0x68: {  	[sflag:s12] =	ssyncset.done $0x0  }
0x69: {  	[sflag:s12] =	ssyncadd.s32 $0xFFFFF380  }
0x6a: {  	_ =	swait.ge [sflag:s12], $0xC80  }
0x6b: {  	[sflag:s12] =	ssyncset.done $0x0  }
0x6c: {  	[sflag:s12] =	ssyncadd.s32 $0xFFFFF380  }
0x6d: {  	_ =	swait.ge [sflag:s12], $0xC80  }
0x6e: {  	[sflag:s12] =	ssyncset.done $0x0  }
0x6f: {  	[sflag:s12] =	ssyncadd.s32 $0xFFFFF380  }
0x70: {  	_ =	swait.ge [sflag:s12], $0xC80  }
0x71: {  	[sflag:s12] =	ssyncset.done $0x0  }
0x72: {  	[sflag:s12] =	ssyncadd.s32 $0xFFFFF380  }
0x73: {  	_ =	swait.ge [sflag:s12], $0xC80  }
0x74: {  	[sflag:s12] =	ssyncset.done $0x0  }
0x75: {  	[sflag:s12] =	ssyncadd.s32 $0xFFFFF380  }
0x76: {  	s29 =	stileid.u32;
	_ =	swait.ge [sflag:s12], $0x1400  }
0x77: {  	s30 =	sshrl.u32 s6, $0x3;
	s14 =	sadd.s32 $0x1, s14;
	[sflag:s12] =	ssyncset.done $0x0  }
0x78: {  	s17 =	sshll.u32 s29, $0x6;
	p0 =	sne.s32 s14, s10;
	[sflag:s12] =	ssyncadd.s32 $0xFFFFEC00  }
.Ltmp3:
0x79: {  	s17 =	sor.u32 $0x1C03, s17;
	[bflag:$0x0] =	sbarrier.arrive $0xFFFF;
	(pc) =	sbr.rel @p0 .LBB2_1-.Ltmp3, $4  }
0x7a: {  	[hbm:s9], [sflag:s17] =	dma.local [spmem:s30], $0x500  }
0x7b: {  	_ =	swait.ge [sflag:s13], $0x500  }
0x7c: {  	[sflag:s13] =	ssyncset.done $0x0  }
0x7d: {  	[sflag:s13] =	ssyncadd.s32 $0xFFFFFB00  }
0x7e: {  	_ =	sfence.sel $0x180000  }
0x7f: {  	[bflag:$0x0] =	sbarrier.arrive $0xFFFF  }
0x80: {  	_ =	strace $0x90000050  }
0x81: {  	s0 =	stileid.u32;
	[bflag:$0x2] =	sbarrier.arrive $0xFFFF  }
0x82: {  	p0 =	sne.s32 s0, $0x0;
	s0 =	rddreg [dreg:$0x3]  }
0x83: {  	s0 =	sadd.s32 @!p0 $0x100000, s0  }
0x84: {  	[sflag:s0] =	ssyncadd.tile.s32 @!p0 $0x1;
	_ =	shalt  }
.Lfunc_end2:
_tile_overlayer_lowered:
.L_overlay_start_2:
0x85: {  	(tag) =	ssettag $0x2  }
0x86: {  	s0 =	rddreg [dreg:$0x0];
	s2 =	stileid.u32  }
0x87: {  	s1 =	rddreg [dreg:$0x1];
	p0 =	sne.s32 s2, $0x0  }
0x88: {  	s3 =	rddreg [dreg:$0x2];
	[bflag:$0x3] =	sbarrier.arrive $0xFFFF;
	s2 =	simm.s32 @!p0 $0x1C03  }
0x89: {  	[timem:s3], [sflag:s2] =	dma.local @!p0 [hbm:s0], s1  }
0x8a: {  	s0 =	simm.s32 @!p0 $0x3  }
0x8b: {  	_ =	swait.ge @!p0 [sflag:s0], s1  }
0x8c: {  	s1 =	ssub.s32 @!p0 $0x0, s1;
	[sflag:s0] =	ssyncset.done @!p0 $0x0  }
0x8d: {  	[sflag:s0] =	ssyncadd.s32 @!p0 s1  }
0x8e: {  	[bflag:$0x3] =	sbarrier.arrive $0xFFFF  }
0x8f: {  	_ =	shalt  }

</sc_bundles>
